<compile_context>
chip_gen: v7x
topology: tpu7x:2x2x1
jax: 0.10.2.dev20260603
libtpu: 0.0.44.dev20260713+nightly
codegen_flags: <defaults>
</compile_context>

<pallas_src>
import functools

import jax
import jax.numpy as jnp
from jax import lax
from jax.experimental import pallas as pl
from jax.experimental.pallas import tpu as pltpu
from jax.experimental.pallas import tpu_sc as plsc

F32 = jnp.float32
I32 = jnp.int32

_NC = 2
_NS = 16
_NW = _NC * _NS
_LANES = 16
_CHUNK = 128


def _fast_rsqrt(d):
    i = plsc.bitcast(d, I32)
    i = jnp.int32(0x5F3759DF) - (i >> 1)
    y = plsc.bitcast(i, F32)
    for _ in range(3):
        y = y * (1.5 - 0.5 * d * y * y)
    return y


def _make_sc_kernel(npad, cht_a, cht_c, rows_t):
    mesh = plsc.VectorSubcoreMesh(core_axis_name="c", subcore_axis_name="s")
    lane_iota = lambda: lax.iota(I32, _LANES)

    @functools.partial(
        pl.kernel,
        out_type=jax.ShapeDtypeStruct((_NC, _LANES, npad), F32),
        mesh=mesh,
        compiler_params=pltpu.CompilerParams(use_tc_tiling_on_sc=False,
                                             needs_layout_passes=False),
        scratch_types=[
            pltpu.VMEM((cht_a, _CHUNK), I32),
            pltpu.VMEM((cht_c, _CHUNK), I32),
            pltpu.VMEM((_CHUNK,), F32),
            pltpu.VMEM((_LANES,), F32),
            pltpu.VMEM((8, _LANES), F32),
            pltpu.VMEM((_LANES, rows_t), F32),
            pltpu.VMEM((rows_t,), F32),
            pltpu.VMEM((rows_t,), F32),
            pltpu.VMEM((rows_t, _LANES), F32),
            pltpu.VMEM((_LANES, rows_t), F32),
            pltpu.VMEM((_CHUNK, _LANES), F32),
            pltpu.VMEM((_CHUNK, _LANES), F32),
            pltpu.VMEM((_CHUNK, _LANES), F32),
            pltpu.VMEM((_CHUNK, _LANES), F32),
            pltpu.VMEM_SHARED((npad,), F32),
            pltpu.VMEM_SHARED((npad, _LANES), F32),
            pltpu.VMEM_SHARED((npad, _LANES), F32),
            pltpu.SemaphoreType.DMA,
            pltpu.SemaphoreType.DMA,
            pltpu.SemaphoreType.DMA,
            pltpu.SemaphoreType.DMA,
            pltpu.SemaphoreType.DMA,
            pltpu.SemaphoreType.DMA,
            pltpu.SemaphoreType.DMA,
            pltpu.SemaphoreType.DMA,
            pltpu.SemaphoreType.DMA,
        ],
    )
    def sc_kernel(dst_h, src_h, x_h, g_h,
                  dst_v, src_v, ones_v, z1, z8, x_v, hist_v, dinv_v, xp_v,
                  gt_v, rb0, rb1, rb2, rb3, hist_sh, xp_sh, g_sh,
                  sem_a, g0, g1, g2, g3, s0, s1, s2, s3):
        c = lax.axis_index("c")
        s = lax.axis_index("s")
        pltpu.async_copy(dst_h.at[s], dst_v, g0)
        pltpu.async_copy(x_h.at[:, pl.ds(s * rows_t, rows_t)], x_v, g1)
        pltpu.async_copy(src_h.at[s * _NC + c], src_v, g2)
        for i in range(_CHUNK // _LANES):
            ones_v[pl.ds(i * _LANES, _LANES)] = jnp.ones((_LANES,), F32)
        z1[pl.ds(0, _LANES)] = jnp.zeros((_LANES,), F32)
        for i in range(8):
            z8[i, :] = jnp.zeros((_LANES,), F32)

        def zero_hist(j, _):
            pltpu.sync_copy(
                z1, hist_sh.at[pl.ds(s * rows_t + j * _LANES, _LANES)])
            return 0

        lax.fori_loop(0, rows_t // _LANES, zero_hist, 0)
        plsc.subcore_barrier()

        scope_a = jax.named_scope("phaseA")
        scope_a.__enter__()
        pltpu.make_async_copy(dst_h.at[s], dst_v, g0).wait()

        def hist_fire(j, _):
            pltpu.async_copy(ones_v, hist_sh.at[dst_v.at[j]], sem_a,
                             add=True)
            return 0

        lax.fori_loop(0, cht_a, hist_fire, 0)

        def hist_drain(j, _):
            pltpu.make_async_copy(
                ones_v, hist_sh.at[dst_v.at[0]], sem_a).wait()
            return 0

        lax.fori_loop(0, cht_a, hist_drain, 0)
        plsc.subcore_barrier()

        scope_a.__exit__(None, None, None)
        scope_b = jax.named_scope("phaseB")
        scope_b.__enter__()
        pltpu.sync_copy(hist_sh.at[pl.ds(s * rows_t, rows_t)], hist_v)
        pltpu.make_async_copy(
            x_h.at[:, pl.ds(s * rows_t, rows_t)], x_v, g1).wait()

        def brow(q, _):
            d = hist_v[pl.ds(q * _LANES, _LANES)] + 1.0
            dv = _fast_rsqrt(d)
            dinv_v[pl.ds(q * _LANES, _LANES)] = dv
            idx_row = q * _LANES + lane_iota()
            for ch in range(_LANES):
                idx_col = jnp.full((_LANES,), ch, I32)
                xcol = x_v[ch, pl.ds(q * _LANES, _LANES)]
                plsc.store_scatter(xp_v, [idx_row, idx_col], xcol * dv)
            return 0

        lax.fori_loop(0, rows_t // _LANES, brow, 0)
        pltpu.sync_copy(xp_v, xp_sh.at[pl.ds(s * rows_t, rows_t)])

        @pl.when(c == 0)
        def _():
            pltpu.sync_copy(xp_v, g_sh.at[pl.ds(s * rows_t, rows_t)])

        @pl.when(c == 1)
        def _():
            def zg(j, _):
                pltpu.sync_copy(z8, g_sh.at[pl.ds(s * rows_t + j * 8, 8)])
                return 0

            lax.fori_loop(0, rows_t // 8, zg, 0)

        plsc.subcore_barrier()

        scope_b.__exit__(None, None, None)
        scope_c = jax.named_scope("phaseC")
        scope_c.__enter__()
        pltpu.make_async_copy(src_h.at[s * _NC + c], src_v, g2).wait()
        coff = c * cht_c
        bufs = (rb0, rb1, rb2, rb3)
        gsems = (g0, g1, g2, g3)
        ssems = (s0, s1, s2, s3)
        xp_t = xp_sh
        for k in range(4):
            pltpu.async_copy(xp_t.at[src_v.at[k]], bufs[k], gsems[k])

        def edge_grp(gi_, _):
            for k in range(4):
                j = gi_ * 4 + k
                pltpu.make_async_copy(
                    xp_t.at[src_v.at[j]], bufs[k], gsems[k]).wait()
                pltpu.async_copy(bufs[k], g_sh.at[dst_v.at[coff + j]],
                                 ssems[k], add=True)
            for k in range(4):
                jn = gi_ * 4 + k + 4

                @pl.when(jn < cht_c)
                def _():
                    pltpu.make_async_copy(
                        bufs[k], g_sh.at[dst_v.at[coff + jn - 4]],
                        ssems[k]).wait()
                    pltpu.async_copy(xp_t.at[src_v.at[jn]], bufs[k],
                                     gsems[k])

            return 0

        lax.fori_loop(0, cht_c // 4, edge_grp, 0)
        for k in range(4):
            pltpu.make_async_copy(
                bufs[k], g_sh.at[dst_v.at[coff + cht_c - 4 + k]],
                ssems[k]).wait()
        plsc.subcore_barrier()

        scope_c.__exit__(None, None, None)
        scope_d = jax.named_scope("phaseD")
        scope_d.__enter__()
        pltpu.sync_copy(g_sh.at[pl.ds(s * rows_t, rows_t)], xp_v)

        def drow(q, _):
            dvv = dinv_v[pl.ds(q * _LANES, _LANES)]
            idx_row = q * _LANES + lane_iota()
            for ch in range(_LANES):
                idx_col = jnp.full((_LANES,), ch, I32)
                col = plsc.load_gather(xp_v, [idx_row, idx_col]) * dvv
                gt_v[ch, pl.ds(q * _LANES, _LANES)] = col
            return 0

        lax.fori_loop(0, rows_t // _LANES, drow, 0)
        pltpu.sync_copy(gt_v, g_h.at[c, :, pl.ds(s * rows_t, rows_t)])
        scope_d.__exit__(None, None, None)

    return sc_kernel


def _gru_body(T, HT, g_ref, g2_ref, wih_ref, whh_ref, bihz_ref,
              bhh_ref, fcwb_ref, out_ref):
    B = out_ref.shape[0]
    nb = out_ref.shape[1]
    s_t = g_ref[0] + g_ref[1]
    ones_row = jnp.ones((1, nb), F32)
    dn_c = (((1,), (0,)), ((), ()))
    wgc = lax.dot_general(wih_ref[...], g2_ref[...], dn_c,
                          preferred_element_type=F32) + bihz_ref[...]
    w_hh = whh_ref[...]
    gh_bias = lax.dot_general(bhh_ref[...], ones_row, dn_c,
                              preferred_element_type=F32)
    hs = []
    for b in range(B):
        h = jnp.zeros((HT, nb), F32)
        for t in range(T):
            st = s_t[b * T + t:b * T + t + 1, :]
            st1 = jnp.concatenate([st, ones_row], axis=0)
            gi = lax.dot_general(wgc, st1, dn_c,
                                 preferred_element_type=F32)
            gh = lax.dot_general(w_hh, h, dn_c,
                                 preferred_element_type=F32) + gh_bias
            r = jax.nn.sigmoid(gi[:HT] + gh[:HT])
            z = jax.nn.sigmoid(gi[HT:2 * HT] + gh[HT:2 * HT])
            n = jnp.tanh(gi[2 * HT:] + r * gh[2 * HT:])
            h = (1.0 - z) * n + z * h
        hs.append(h)
        hs.append(ones_row)
    hcat = jnp.concatenate(hs, axis=0)
    pred = lax.dot_general(fcwb_ref[...], hcat, dn_c,
                           preferred_element_type=F32)
    out_ref[...] = pred


def kernel(x, edge_index, gcn_W, gcn_b, W_ih, W_hh, b_ih, b_hh, fc_W, fc_b):
    B, T, N = x.shape
    E = edge_index.shape[1]
    C = B * T
    HT = W_hh.shape[1]
    assert C == _LANES

    cht_a = -(-E // (_NS * _CHUNK))
    cht_a = 8 * (-(-cht_a // 8))
    tch = cht_a * _NS
    cht_c = tch // _NW
    epad = tch * _CHUNK
    npad = _NS * 128 * (-(-(N + 1) // (_NS * 128)))
    rows_t = npad // _NS

    src = edge_index[0]
    dst = edge_index[1]
    src_p = jnp.concatenate([src, jnp.zeros((epad - E,), I32)])
    dst_p = jnp.concatenate([dst, jnp.full((epad - E,), N, I32)])
    dst_r = dst_p.reshape(_NS, cht_a, _CHUNK)
    src_r = src_p.reshape(_NW, cht_c, _CHUNK)

    x2 = jnp.pad(x.reshape(C, N), ((0, 0), (0, npad - N)))

    g = _make_sc_kernel(npad, cht_a, cht_c, rows_t)(dst_r, src_r, x2)

    nb = npad // 8
    grid = npad // nb
    full = lambda shp: pl.BlockSpec(shp, lambda i: tuple(0 for _ in shp))
    g2 = jnp.stack([gcn_W[0], gcn_b], axis=1)
    bihz = jnp.pad(b_ih[:, None], ((0, 0), (1, 0)))
    fcrow = jnp.concatenate([fc_W[0], fc_b])
    fcwb = jnp.kron(jnp.eye(B, dtype=F32), fcrow[None, :])
    preds_pad = pl.pallas_call(
        functools.partial(_gru_body, T, HT),
        grid=(grid,),
        in_specs=[
            pl.BlockSpec((_NC, C, nb), lambda i: (0, 0, i)),
            full(g2.shape),
            full(W_ih.shape),
            full(W_hh.shape),
            full(bihz.shape),
            full((b_hh.shape[0], 1)),
            full(fcwb.shape),
        ],
        out_specs=pl.BlockSpec((B, nb), lambda i: (0, i)),
        out_shape=jax.ShapeDtypeStruct((B, npad), F32),
    )(g, g2, W_ih, W_hh, bihz, b_hh[:, None], fcwb)

    return preds_pad[:, :N]

# --- scband reference (transcript-rebuilt; emitter-appended) ---
"""Pipeline reference for scband-stgnnmodel-24163486007581 (READ-ONLY COPY).

The authoritative reference and input builder live on the scoring server;
editing this copy changes nothing except your own understanding.
"""

import jax, jax.numpy as jnp
import numpy as np

B, T, N, E = 2, 8, 10000, 320000
HS, HT = 16, 32

def setup_inputs(seed: int = 0) -> dict:
    key = jax.random.key(seed)
    ks = jax.random.split(key, 10)
    x = jax.random.normal(ks[0], (B, T, N), dtype=jnp.float32)
    edge_index = jax.random.randint(ks[1], (2, E), 0, N, dtype=jnp.int32)
    gcn_W = jax.random.normal(ks[2], (1, HS), dtype=jnp.float32)
    gcn_b = jnp.zeros((HS,), dtype=jnp.float32)
    k = 1.0 / np.sqrt(HT)
    W_ih = jax.random.uniform(ks[3], (3 * HT, HS), minval=-k, maxval=k, dtype=jnp.float32)
    W_hh = jax.random.uniform(ks[4], (3 * HT, HT), minval=-k, maxval=k, dtype=jnp.float32)
    b_ih = jax.random.uniform(ks[5], (3 * HT,), minval=-k, maxval=k, dtype=jnp.float32)
    b_hh = jax.random.uniform(ks[6], (3 * HT,), minval=-k, maxval=k, dtype=jnp.float32)
    fc_W = jax.random.uniform(ks[7], (1, HT), minval=-k, maxval=k, dtype=jnp.float32)
    fc_b = jax.random.uniform(ks[8], (1,), minval=-k, maxval=k, dtype=jnp.float32)
    return {"x": x, "edge_index": edge_index, "gcn_W": gcn_W, "gcn_b": gcn_b,
            "W_ih": W_ih, "W_hh": W_hh, "b_ih": b_ih, "b_hh": b_hh,
            "fc_W": fc_W, "fc_b": fc_b}

def _model(x, edge_index, gcn_W, gcn_b, W_ih, W_hh, b_ih, b_hh, fc_W, fc_b):
    Bx, Tx, Nx = x.shape
    src0 = edge_index[0]
    dst0 = edge_index[1]
    loop = jnp.arange(Nx, dtype=src0.dtype)
    src = jnp.concatenate([src0, loop])
    dst = jnp.concatenate([dst0, loop])
    # GCN normalization (PyG gcn_norm with self-loops): deg from dst, sym norm
    deg = jnp.zeros((Nx,), dtype=jnp.float32).at[dst].add(1.0)
    dinv = jnp.where(deg > 0, deg ** -0.5, 0.0)
    norm = dinv[src] * dinv[dst]
    spatial = []
    for t in range(Tx):
        batch_out = []
        for b in range(Bx):
            xt = x[b, t, :][:, None]                    # (N, 1)
            h = xt @ gcn_W                              # (N, HS) linear
            msg = norm[:, None] * h[src]                # gather (memory-bound)
            agg = jnp.zeros((Nx, gcn_W.shape[1]), dtype=jnp.float32).at[dst].add(msg)  # scatter-add
            batch_out.append(agg + gcn_b)
        spatial.append(jnp.stack(batch_out, axis=0))
    spatial_seq = jnp.stack(spatial, axis=1)            # (B, T, N, HS)
    gru_in = jnp.transpose(spatial_seq, (0, 2, 1, 3)).reshape(Bx * Nx, Tx, -1)
    Hdim = W_hh.shape[1]
    h = jnp.zeros((Bx * Nx, Hdim), dtype=jnp.float32)
    for t in range(Tx):
        xt = gru_in[:, t, :]
        gi = xt @ W_ih.T + b_ih
        gh = h @ W_hh.T + b_hh
        i_r, i_z, i_n = jnp.split(gi, 3, axis=1)
        h_r, h_z, h_n = jnp.split(gh, 3, axis=1)
        r = jax.nn.sigmoid(i_r + h_r)
        z = jax.nn.sigmoid(i_z + h_z)
        n = jnp.tanh(i_n + r * h_n)
        h = (1.0 - z) * n + z * h
    preds = (h @ fc_W.T + fc_b).reshape(Bx, Nx)
    return preds

def reference(x, edge_index, gcn_W, gcn_b, W_ih, W_hh, b_ih, b_hh, fc_W, fc_b):
    return _model(x, edge_index, gcn_W, gcn_b, W_ih, W_hh, b_ih, b_hh, fc_W, fc_b)

if __name__ == "__main__":
    import jax
    _d = setup_inputs()
    print(jax.jit(kernel)(*tuple(_d.values())))

</pallas_src>

<mosaic_0001>
#map = affine_map<(d0, d1) -> (0, 0, 0)>
#map1 = affine_map<(d0, d1) -> (0, 0)>
module attributes {stable_mosaic.version = 14 : i64} {
  func.func @sc_kernel(%arg0: i32, %arg1: i32, %arg2: memref<16x160x128xi32, #tpu.memory_space<hbm>>, %arg3: memref<32x80x128xi32, #tpu.memory_space<hbm>>, %arg4: memref<16x10240xf32, #tpu.memory_space<hbm>>, %arg5: memref<2x16x10240xf32, #tpu.memory_space<hbm>>, %arg6: memref<160x128xi32, #tpu.memory_space<vmem>>, %arg7: memref<80x128xi32, #tpu.memory_space<vmem>>, %arg8: memref<128xf32, #tpu.memory_space<vmem>>, %arg9: memref<16xf32, #tpu.memory_space<vmem>>, %arg10: memref<8x16xf32, #tpu.memory_space<vmem>>, %arg11: memref<16x640xf32, #tpu.memory_space<vmem>>, %arg12: memref<640xf32, #tpu.memory_space<vmem>>, %arg13: memref<640xf32, #tpu.memory_space<vmem>>, %arg14: memref<640x16xf32, #tpu.memory_space<vmem>>, %arg15: memref<16x640xf32, #tpu.memory_space<vmem>>, %arg16: memref<128x16xf32, #tpu.memory_space<vmem>>, %arg17: memref<128x16xf32, #tpu.memory_space<vmem>>, %arg18: memref<128x16xf32, #tpu.memory_space<vmem>>, %arg19: memref<128x16xf32, #tpu.memory_space<vmem>>, %arg20: memref<10240xf32, #tpu.memory_space<vmem_shared>>, %arg21: memref<10240x16xf32, #tpu.memory_space<vmem_shared>>, %arg22: memref<10240x16xf32, #tpu.memory_space<vmem_shared>>, %arg23: memref<!tpu.dma_semaphore, #tpu.memory_space<semaphore_mem>>, %arg24: memref<!tpu.dma_semaphore, #tpu.memory_space<semaphore_mem>>, %arg25: memref<!tpu.dma_semaphore, #tpu.memory_space<semaphore_mem>>, %arg26: memref<!tpu.dma_semaphore, #tpu.memory_space<semaphore_mem>>, %arg27: memref<!tpu.dma_semaphore, #tpu.memory_space<semaphore_mem>>, %arg28: memref<!tpu.dma_semaphore, #tpu.memory_space<semaphore_mem>>, %arg29: memref<!tpu.dma_semaphore, #tpu.memory_space<semaphore_mem>>, %arg30: memref<!tpu.dma_semaphore, #tpu.memory_space<semaphore_mem>>, %arg31: memref<!tpu.dma_semaphore, #tpu.memory_space<semaphore_mem>>) attributes {dimension_semantics = [#tpu.dimension_semantics<core_parallel>, #tpu.dimension_semantics<subcore_parallel>], iteration_bounds = array<i64: 2, 16>, scalar_prefetch = 0 : i64, scratch_operands = 26 : i64, tpu.core_type = #tpu.core_type<sc_vector_subcore>, window_params = [{transform_indices = #map}, {transform_indices = #map}, {transform_indices = #map1}, {transform_indices = #map}]} {
    %dma_start3A = arith.constant 0 : i32
    %dma_start3A_0 = arith.constant 0 : i32
    %dma_start3A_1 = tpu.memref_slice %arg2[%arg1, %dma_start3A, %dma_start3A_0] : memref<16x160x128xi32, #tpu.memory_space<hbm>> -> memref<1x160x128xi32, #tpu.memory_space<hbm>>
    %dma_start3A_2 = tpu.memref_squeeze %dma_start3A_1 : memref<1x160x128xi32, #tpu.memory_space<hbm>> -> memref<160x128xi32, #tpu.memory_space<hbm>>
    %dma_start3A_3 = arith.constant 0 : i32
    %dma_start3A_4 = arith.constant 0 : i32
    %dma_start3A_5 = tpu.memref_slice %arg2[%arg1, %dma_start3A_3, %dma_start3A_4] : memref<16x160x128xi32, #tpu.memory_space<hbm>> -> memref<1x160x128xi32, #tpu.memory_space<hbm>>
    %dma_start3A_6 = tpu.memref_squeeze %dma_start3A_5 : memref<1x160x128xi32, #tpu.memory_space<hbm>> -> memref<160x128xi32, #tpu.memory_space<hbm>>
    tpu.enqueue_dma source(%dma_start3A_6 : memref<160x128xi32, #tpu.memory_space<hbm>>) target(%arg6 : memref<160x128xi32, #tpu.memory_space<vmem>>) target_semaphore(%arg24 : memref<!tpu.dma_semaphore, #tpu.memory_space<semaphore_mem>>)
    %mul3A = arith.constant 640 : i32
    %mul3A_7 = arith.muli %arg1, %mul3A : i32
    %dma_start3A_8 = arith.constant 0 : i32
    %dma_start3A_9 = tpu.memref_slice %arg4[%dma_start3A_8, %mul3A_7] : memref<16x10240xf32, #tpu.memory_space<hbm>> -> memref<16x640xf32, #tpu.memory_space<hbm>>
    %dma_start3A_10 = arith.constant 0 : i32
    %dma_start3A_11 = tpu.memref_slice %arg4[%dma_start3A_10, %mul3A_7] : memref<16x10240xf32, #tpu.memory_space<hbm>> -> memref<16x640xf32, #tpu.memory_space<hbm>>
    tpu.enqueue_dma source(%dma_start3A_11 : memref<16x640xf32, #tpu.memory_space<hbm>>) target(%arg11 : memref<16x640xf32, #tpu.memory_space<vmem>>) target_semaphore(%arg25 : memref<!tpu.dma_semaphore, #tpu.memory_space<semaphore_mem>>)
    %mul3A_12 = arith.constant 2 : i32
    %mul3A_13 = arith.muli %arg1, %mul3A_12 : i32
    %add3A = arith.addi %mul3A_13, %arg0 : i32
    %dma_start3A_14 = arith.constant 0 : i32
    %dma_start3A_15 = arith.constant 0 : i32
    %dma_start3A_16 = tpu.memref_slice %arg3[%add3A, %dma_start3A_14, %dma_start3A_15] : memref<32x80x128xi32, #tpu.memory_space<hbm>> -> memref<1x80x128xi32, #tpu.memory_space<hbm>>
    %dma_start3A_17 = tpu.memref_squeeze %dma_start3A_16 : memref<1x80x128xi32, #tpu.memory_space<hbm>> -> memref<80x128xi32, #tpu.memory_space<hbm>>
    %dma_start3A_18 = arith.constant 0 : i32
    %dma_start3A_19 = arith.constant 0 : i32
    %dma_start3A_20 = tpu.memref_slice %arg3[%add3A, %dma_start3A_18, %dma_start3A_19] : memref<32x80x128xi32, #tpu.memory_space<hbm>> -> memref<1x80x128xi32, #tpu.memory_space<hbm>>
    %dma_start3A_21 = tpu.memref_squeeze %dma_start3A_20 : memref<1x80x128xi32, #tpu.memory_space<hbm>> -> memref<80x128xi32, #tpu.memory_space<hbm>>
    tpu.enqueue_dma source(%dma_start3A_21 : memref<80x128xi32, #tpu.memory_space<hbm>>) target(%arg7 : memref<80x128xi32, #tpu.memory_space<vmem>>) target_semaphore(%arg26 : memref<!tpu.dma_semaphore, #tpu.memory_space<semaphore_mem>>)
    %broadcast_in_dim3A = arith.constant 1.000000e+00 : f32
    %broadcast_in_dim3A_22 = vector.broadcast %broadcast_in_dim3A : f32 to vector<16xf32>
    %swap3A = arith.constant 0 : index
    %swap3A_23 = tpu.vector_load %arg8[%swap3A] {strides = array<i32>} : memref<128xf32, #tpu.memory_space<vmem>>, vector<16xf32>,
    tpu.vector_store %arg8[%swap3A], %broadcast_in_dim3A_22 {strides = array<i32>} : memref<128xf32, #tpu.memory_space<vmem>>, vector<16xf32>,
    %broadcast_in_dim3A_24 = arith.constant 1.000000e+00 : f32
    %broadcast_in_dim3A_25 = vector.broadcast %broadcast_in_dim3A_24 : f32 to vector<16xf32>
    %swap3A_26 = arith.constant 16 : index
    %swap3A_27 = tpu.vector_load %arg8[%swap3A_26] {strides = array<i32>} : memref<128xf32, #tpu.memory_space<vmem>>, vector<16xf32>,
    tpu.vector_store %arg8[%swap3A_26], %broadcast_in_dim3A_25 {strides = array<i32>} : memref<128xf32, #tpu.memory_space<vmem>>, vector<16xf32>,
    %broadcast_in_dim3A_28 = arith.constant 1.000000e+00 : f32
    %broadcast_in_dim3A_29 = vector.broadcast %broadcast_in_dim3A_28 : f32 to vector<16xf32>
    %swap3A_30 = arith.constant 32 : index
    %swap3A_31 = tpu.vector_load %arg8[%swap3A_30] {strides = array<i32>} : memref<128xf32, #tpu.memory_space<vmem>>, vector<16xf32>,
    tpu.vector_store %arg8[%swap3A_30], %broadcast_in_dim3A_29 {strides = array<i32>} : memref<128xf32, #tpu.memory_space<vmem>>, vector<16xf32>,
    %broadcast_in_dim3A_32 = arith.constant 1.000000e+00 : f32
    %broadcast_in_dim3A_33 = vector.broadcast %broadcast_in_dim3A_32 : f32 to vector<16xf32>
    %swap3A_34 = arith.constant 48 : index
    %swap3A_35 = tpu.vector_load %arg8[%swap3A_34] {strides = array<i32>} : memref<128xf32, #tpu.memory_space<vmem>>, vector<16xf32>,
    tpu.vector_store %arg8[%swap3A_34], %broadcast_in_dim3A_33 {strides = array<i32>} : memref<128xf32, #tpu.memory_space<vmem>>, vector<16xf32>,
    %broadcast_in_dim3A_36 = arith.constant 1.000000e+00 : f32
    %broadcast_in_dim3A_37 = vector.broadcast %broadcast_in_dim3A_36 : f32 to vector<16xf32>
    %swap3A_38 = arith.constant 64 : index
    %swap3A_39 = tpu.vector_load %arg8[%swap3A_38] {strides = array<i32>} : memref<128xf32, #tpu.memory_space<vmem>>, vector<16xf32>,
    tpu.vector_store %arg8[%swap3A_38], %broadcast_in_dim3A_37 {strides = array<i32>} : memref<128xf32, #tpu.memory_space<vmem>>, vector<16xf32>,
    %broadcast_in_dim3A_40 = arith.constant 1.000000e+00 : f32
    %broadcast_in_dim3A_41 = vector.broadcast %broadcast_in_dim3A_40 : f32 to vector<16xf32>
    %swap3A_42 = arith.constant 80 : index
    %swap3A_43 = tpu.vector_load %arg8[%swap3A_42] {strides = array<i32>} : memref<128xf32, #tpu.memory_space<vmem>>, vector<16xf32>,
    tpu.vector_store %arg8[%swap3A_42], %broadcast_in_dim3A_41 {strides = array<i32>} : memref<128xf32, #tpu.memory_space<vmem>>, vector<16xf32>,
    %broadcast_in_dim3A_44 = arith.constant 1.000000e+00 : f32
    %broadcast_in_dim3A_45 = vector.broadcast %broadcast_in_dim3A_44 : f32 to vector<16xf32>
    %swap3A_46 = arith.constant 96 : index
    %swap3A_47 = tpu.vector_load %arg8[%swap3A_46] {strides = array<i32>} : memref<128xf32, #tpu.memory_space<vmem>>, vector<16xf32>,
    tpu.vector_store %arg8[%swap3A_46], %broadcast_in_dim3A_45 {strides = array<i32>} : memref<128xf32, #tpu.memory_space<vmem>>, vector<16xf32>,
    %broadcast_in_dim3A_48 = arith.constant 1.000000e+00 : f32
    %broadcast_in_dim3A_49 = vector.broadcast %broadcast_in_dim3A_48 : f32 to vector<16xf32>
    %swap3A_50 = arith.constant 112 : index
    %swap3A_51 = tpu.vector_load %arg8[%swap3A_50] {strides = array<i32>} : memref<128xf32, #tpu.memory_space<vmem>>, vector<16xf32>,
    tpu.vector_store %arg8[%swap3A_50], %broadcast_in_dim3A_49 {strides = array<i32>} : memref<128xf32, #tpu.memory_space<vmem>>, vector<16xf32>,
    %broadcast_in_dim3A_52 = arith.constant 0.000000e+00 : f32
    %broadcast_in_dim3A_53 = vector.broadcast %broadcast_in_dim3A_52 : f32 to vector<16xf32>
    %swap3A_54 = arith.constant 0 : index
    %swap3A_55 = tpu.vector_load %arg9[%swap3A_54] {strides = array<i32>} : memref<16xf32, #tpu.memory_space<vmem>>, vector<16xf32>,
    tpu.vector_store %arg9[%swap3A_54], %broadcast_in_dim3A_53 {strides = array<i32>} : memref<16xf32, #tpu.memory_space<vmem>>, vector<16xf32>,
    %broadcast_in_dim3A_56 = arith.constant 0.000000e+00 : f32
    %broadcast_in_dim3A_57 = vector.broadcast %broadcast_in_dim3A_56 : f32 to vector<16xf32>
    %swap3A_58 = arith.constant 0 : i32
    %swap3A_59 = arith.index_cast %swap3A_58 : i32 to index
    %swap3A_60 = arith.constant 0 : index
    %swap3A_61 = tpu.vector_load %arg10[%swap3A_59, %swap3A_60] {strides = array<i32>} : memref<8x16xf32, #tpu.memory_space<vmem>>, vector<16xf32>,
    tpu.vector_store %arg10[%swap3A_59, %swap3A_60], %broadcast_in_dim3A_57 {strides = array<i32>} : memref<8x16xf32, #tpu.memory_space<vmem>>, vector<16xf32>,
    %broadcast_in_dim3A_62 = arith.constant 0.000000e+00 : f32
    %broadcast_in_dim3A_63 = vector.broadcast %broadcast_in_dim3A_62 : f32 to vector<16xf32>
    %swap3A_64 = arith.constant 1 : i32
    %swap3A_65 = arith.index_cast %swap3A_64 : i32 to index
    %swap3A_66 = arith.constant 0 : index
    %swap3A_67 = tpu.vector_load %arg10[%swap3A_65, %swap3A_66] {strides = array<i32>} : memref<8x16xf32, #tpu.memory_space<vmem>>, vector<16xf32>,
    tpu.vector_store %arg10[%swap3A_65, %swap3A_66], %broadcast_in_dim3A_63 {strides = array<i32>} : memref<8x16xf32, #tpu.memory_space<vmem>>, vector<16xf32>,
    %broadcast_in_dim3A_68 = arith.constant 0.000000e+00 : f32
    %broadcast_in_dim3A_69 = vector.broadcast %broadcast_in_dim3A_68 : f32 to vector<16xf32>
    %swap3A_70 = arith.constant 2 : i32
    %swap3A_71 = arith.index_cast %swap3A_70 : i32 to index
    %swap3A_72 = arith.constant 0 : index
    %swap3A_73 = tpu.vector_load %arg10[%swap3A_71, %swap3A_72] {strides = array<i32>} : memref<8x16xf32, #tpu.memory_space<vmem>>, vector<16xf32>,
    tpu.vector_store %arg10[%swap3A_71, %swap3A_72], %broadcast_in_dim3A_69 {strides = array<i32>} : memref<8x16xf32, #tpu.memory_space<vmem>>, vector<16xf32>,
    %broadcast_in_dim3A_74 = arith.constant 0.000000e+00 : f32
    %broadcast_in_dim3A_75 = vector.broadcast %broadcast_in_dim3A_74 : f32 to vector<16xf32>
    %swap3A_76 = arith.constant 3 : i32
    %swap3A_77 = arith.index_cast %swap3A_76 : i32 to index
    %swap3A_78 = arith.constant 0 : index
    %swap3A_79 = tpu.vector_load %arg10[%swap3A_77, %swap3A_78] {strides = array<i32>} : memref<8x16xf32, #tpu.memory_space<vmem>>, vector<16xf32>,
    tpu.vector_store %arg10[%swap3A_77, %swap3A_78], %broadcast_in_dim3A_75 {strides = array<i32>} : memref<8x16xf32, #tpu.memory_space<vmem>>, vector<16xf32>,
    %broadcast_in_dim3A_80 = arith.constant 0.000000e+00 : f32
    %broadcast_in_dim3A_81 = vector.broadcast %broadcast_in_dim3A_80 : f32 to vector<16xf32>
    %swap3A_82 = arith.constant 4 : i32
    %swap3A_83 = arith.index_cast %swap3A_82 : i32 to index
    %swap3A_84 = arith.constant 0 : index
    %swap3A_85 = tpu.vector_load %arg10[%swap3A_83, %swap3A_84] {strides = array<i32>} : memref<8x16xf32, #tpu.memory_space<vmem>>, vector<16xf32>,
    tpu.vector_store %arg10[%swap3A_83, %swap3A_84], %broadcast_in_dim3A_81 {strides = array<i32>} : memref<8x16xf32, #tpu.memory_space<vmem>>, vector<16xf32>,
    %broadcast_in_dim3A_86 = arith.constant 0.000000e+00 : f32
    %broadcast_in_dim3A_87 = vector.broadcast %broadcast_in_dim3A_86 : f32 to vector<16xf32>
    %swap3A_88 = arith.constant 5 : i32
    %swap3A_89 = arith.index_cast %swap3A_88 : i32 to index
    %swap3A_90 = arith.constant 0 : index
    %swap3A_91 = tpu.vector_load %arg10[%swap3A_89, %swap3A_90] {strides = array<i32>} : memref<8x16xf32, #tpu.memory_space<vmem>>, vector<16xf32>,
    tpu.vector_store %arg10[%swap3A_89, %swap3A_90], %broadcast_in_dim3A_87 {strides = array<i32>} : memref<8x16xf32, #tpu.memory_space<vmem>>, vector<16xf32>,
    %broadcast_in_dim3A_92 = arith.constant 0.000000e+00 : f32
    %broadcast_in_dim3A_93 = vector.broadcast %broadcast_in_dim3A_92 : f32 to vector<16xf32>
    %swap3A_94 = arith.constant 6 : i32
    %swap3A_95 = arith.index_cast %swap3A_94 : i32 to index
    %swap3A_96 = arith.constant 0 : index
    %swap3A_97 = tpu.vector_load %arg10[%swap3A_95, %swap3A_96] {strides = array<i32>} : memref<8x16xf32, #tpu.memory_space<vmem>>, vector<16xf32>,
    tpu.vector_store %arg10[%swap3A_95, %swap3A_96], %broadcast_in_dim3A_93 {strides = array<i32>} : memref<8x16xf32, #tpu.memory_space<vmem>>, vector<16xf32>,
    %broadcast_in_dim3A_98 = arith.constant 0.000000e+00 : f32
    %broadcast_in_dim3A_99 = vector.broadcast %broadcast_in_dim3A_98 : f32 to vector<16xf32>
    %swap3A_100 = arith.constant 7 : i32
    %swap3A_101 = arith.index_cast %swap3A_100 : i32 to index
    %swap3A_102 = arith.constant 0 : index
    %swap3A_103 = tpu.vector_load %arg10[%swap3A_101, %swap3A_102] {strides = array<i32>} : memref<8x16xf32, #tpu.memory_space<vmem>>, vector<16xf32>,
    tpu.vector_store %arg10[%swap3A_101, %swap3A_102], %broadcast_in_dim3A_99 {strides = array<i32>} : memref<8x16xf32, #tpu.memory_space<vmem>>, vector<16xf32>,
    %scan3A = arith.constant 0 : i32
    %scan3A_104 = arith.constant 0 : i32
    %scan3A_105 = arith.constant 40 : i32
    %scan3A_106 = arith.addi %scan3A_104, %scan3A_105 : i32
    %scan3A_107 = arith.constant 1 : i32
    %scan3A_108 = scf.for %scan3A_264 = %scan3A_104 to %scan3A_106 step %scan3A_107 iter_args(%scan3A_265 = %scan3A) -> (i32)  : i32 {
      %mul3A_266 = arith.constant 640 : i32
      %mul3A_267 = arith.muli %arg1, %mul3A_266 : i32
      %mul3A_268 = arith.constant 16 : i32
      %mul3A_269 = arith.muli %scan3A_264, %mul3A_268 : i32
      %add3A_270 = arith.addi %mul3A_267, %mul3A_269 : i32
      "tpu.region"() ({
        %run_scoped3A = tpu.sem_alloc : memref<!tpu.dma_semaphore, #tpu.memory_space<semaphore_mem>>
        %dma_start3A_272 = tpu.memref_slice %arg20[%add3A_270] : memref<10240xf32, #tpu.memory_space<vmem_shared>> -> memref<16xf32, #tpu.memory_space<vmem_shared>>
        %dma_start3A_273 = tpu.memref_slice %arg20[%add3A_270] : memref<10240xf32, #tpu.memory_space<vmem_shared>> -> memref<16xf32, #tpu.memory_space<vmem_shared>>
        tpu.enqueue_dma source(%arg9 : memref<16xf32, #tpu.memory_space<vmem>>) target(%dma_start3A_273 : memref<16xf32, #tpu.memory_space<vmem_shared>>) target_semaphore(%run_scoped3A : memref<!tpu.dma_semaphore, #tpu.memory_space<semaphore_mem>>)
        %dma_wait3A_274 = tpu.memref_slice %arg20[%add3A_270] : memref<10240xf32, #tpu.memory_space<vmem_shared>> -> memref<16xf32, #tpu.memory_space<vmem_shared>>
        %dma_wait3A_275 = tpu.memref_slice %arg20[%add3A_270] : memref<10240xf32, #tpu.memory_space<vmem_shared>> -> memref<16xf32, #tpu.memory_space<vmem_shared>>
        tpu.wait_dma2 semaphore(%run_scoped3A : memref<!tpu.dma_semaphore, #tpu.memory_space<semaphore_mem>>) src(%arg9 : memref<16xf32, #tpu.memory_space<vmem>>) dst(%dma_wait3A_275 : memref<16xf32, #tpu.memory_space<vmem_shared>>)
        tpu.yield
      }) : () -> ()
      %scan3A_271 = arith.constant 0 : i32
      scf.yield %scan3A_271 : i32
    }
    %scan3A_109 = arith.constant 40 : i32
    %barrier3A = arith.constant 0 : index
    tpu.barrier barrier_id(%barrier3A)
    "tpu.trace_start"() <{level = 10 : i32, message = "phaseA"}> : () -> ()
    %dma_wait3A = arith.constant 0 : i32
    %dma_wait3A_110 = arith.constant 0 : i32
    %dma_wait3A_111 = tpu.memref_slice %arg2[%arg1, %dma_wait3A, %dma_wait3A_110] : memref<16x160x128xi32, #tpu.memory_space<hbm>> -> memref<1x160x128xi32, #tpu.memory_space<hbm>>
    %dma_wait3A_112 = tpu.memref_squeeze %dma_wait3A_111 : memref<1x160x128xi32, #tpu.memory_space<hbm>> -> memref<160x128xi32, #tpu.memory_space<hbm>>
    %dma_wait3A_113 = arith.constant 0 : i32
    %dma_wait3A_114 = arith.constant 0 : i32
    %dma_wait3A_115 = tpu.memref_slice %arg2[%arg1, %dma_wait3A_113, %dma_wait3A_114] : memref<16x160x128xi32, #tpu.memory_space<hbm>> -> memref<1x160x128xi32, #tpu.memory_space<hbm>>
    %dma_wait3A_116 = tpu.memref_squeeze %dma_wait3A_115 : memref<1x160x128xi32, #tpu.memory_space<hbm>> -> memref<160x128xi32, #tpu.memory_space<hbm>>
    tpu.wait_dma2 semaphore(%arg24 : memref<!tpu.dma_semaphore, #tpu.memory_space<semaphore_mem>>) src(%dma_wait3A_116 : memref<160x128xi32, #tpu.memory_space<hbm>>) dst(%arg6 : memref<160x128xi32, #tpu.memory_space<vmem>>)
    %scan3A_117 = arith.constant 0 : i32
    %scan3A_118 = arith.constant 0 : i32
    %scan3A_119 = arith.constant 160 : i32
    %scan3A_120 = arith.addi %scan3A_118, %scan3A_119 : i32
    %scan3A_121 = arith.constant 1 : i32
    %scan3A_122 = scf.for %scan3A_264 = %scan3A_118 to %scan3A_120 step %scan3A_121 iter_args(%scan3A_265 = %scan3A_117) -> (i32)  : i32 {
      %dma_start3A_266 = arith.constant 0 : i32
      %dma_start3A_267 = tpu.memref_slice %arg6[%scan3A_264, %dma_start3A_266] : memref<160x128xi32, #tpu.memory_space<vmem>> -> memref<1x128xi32, #tpu.memory_space<vmem>>
      %dma_start3A_268 = tpu.memref_squeeze %dma_start3A_267 : memref<1x128xi32, #tpu.memory_space<vmem>> -> memref<128xi32, #tpu.memory_space<vmem>>
      %dma_start3A_269 = arith.constant 0 : i32
      %dma_start3A_270 = tpu.memref_slice %arg20[%dma_start3A_269] : memref<10240xf32, #tpu.memory_space<vmem_shared>> -> memref<10240xf32, #tpu.memory_space<vmem_shared>>
      tpu.enqueue_indirect_dma source(%arg8 : memref<128xf32, #tpu.memory_space<vmem>>) target(%dma_start3A_270 : memref<10240xf32, #tpu.memory_space<vmem_shared>>) offsets(%dma_start3A_268 : memref<128xi32, #tpu.memory_space<vmem>>) semaphore(%arg23 : memref<!tpu.dma_semaphore, #tpu.memory_space<semaphore_mem>>) {add = true}
      %scan3A_271 = arith.constant 0 : i32
      scf.yield %scan3A_271 : i32
    }
    %scan3A_123 = arith.constant 160 : i32
    %scan3A_124 = arith.constant 0 : i32
    %scan3A_125 = arith.constant 0 : i32
    %scan3A_126 = arith.constant 160 : i32
    %scan3A_127 = arith.addi %scan3A_125, %scan3A_126 : i32
    %scan3A_128 = arith.constant 1 : i32
    %scan3A_129 = scf.for %scan3A_264 = %scan3A_125 to %scan3A_127 step %scan3A_128 iter_args(%scan3A_265 = %scan3A_124) -> (i32)  : i32 {
      %dma_wait3A_266 = arith.constant 0 : i32
      %dma_wait3A_267 = arith.constant 0 : i32
      %dma_wait3A_268 = tpu.memref_slice %arg6[%dma_wait3A_266, %dma_wait3A_267] : memref<160x128xi32, #tpu.memory_space<vmem>> -> memref<1x128xi32, #tpu.memory_space<vmem>>
      %dma_wait3A_269 = tpu.memref_squeeze %dma_wait3A_268 : memref<1x128xi32, #tpu.memory_space<vmem>> -> memref<128xi32, #tpu.memory_space<vmem>>
      %dma_wait3A_270 = arith.constant 0 : i32
      %dma_wait3A_271 = tpu.memref_slice %arg20[%dma_wait3A_270] : memref<10240xf32, #tpu.memory_space<vmem_shared>> -> memref<10240xf32, #tpu.memory_space<vmem_shared>>
      tpu.wait_indirect_dma semaphore(%arg23 : memref<!tpu.dma_semaphore, #tpu.memory_space<semaphore_mem>>) src(%arg8 : memref<128xf32, #tpu.memory_space<vmem>>) dst(%dma_wait3A_271 : memref<10240xf32, #tpu.memory_space<vmem_shared>>)
      %scan3A_272 = arith.constant 0 : i32
      scf.yield %scan3A_272 : i32
    }
    %scan3A_130 = arith.constant 160 : i32
    %barrier3A_131 = arith.constant 0 : index
    tpu.barrier barrier_id(%barrier3A_131)
    "tpu.trace_stop"() : () -> ()
    "tpu.trace_start"() <{level = 10 : i32, message = "phaseB"}> : () -> ()
    %mul3A_132 = arith.constant 640 : i32
    %mul3A_133 = arith.muli %arg1, %mul3A_132 : i32
    "tpu.region"() ({
      %run_scoped3A = tpu.sem_alloc : memref<!tpu.dma_semaphore, #tpu.memory_space<semaphore_mem>>
      %dma_start3A_264 = tpu.memref_slice %arg20[%mul3A_133] : memref<10240xf32, #tpu.memory_space<vmem_shared>> -> memref<640xf32, #tpu.memory_space<vmem_shared>>
      %dma_start3A_265 = tpu.memref_slice %arg20[%mul3A_133] : memref<10240xf32, #tpu.memory_space<vmem_shared>> -> memref<640xf32, #tpu.memory_space<vmem_shared>>
      tpu.enqueue_dma source(%dma_start3A_265 : memref<640xf32, #tpu.memory_space<vmem_shared>>) target(%arg12 : memref<640xf32, #tpu.memory_space<vmem>>) target_semaphore(%run_scoped3A : memref<!tpu.dma_semaphore, #tpu.memory_space<semaphore_mem>>)
      %dma_wait3A_266 = tpu.memref_slice %arg20[%mul3A_133] : memref<10240xf32, #tpu.memory_space<vmem_shared>> -> memref<640xf32, #tpu.memory_space<vmem_shared>>
      %dma_wait3A_267 = tpu.memref_slice %arg20[%mul3A_133] : memref<10240xf32, #tpu.memory_space<vmem_shared>> -> memref<640xf32, #tpu.memory_space<vmem_shared>>
      tpu.wait_dma2 semaphore(%run_scoped3A : memref<!tpu.dma_semaphore, #tpu.memory_space<semaphore_mem>>) src(%dma_wait3A_267 : memref<640xf32, #tpu.memory_space<vmem_shared>>) dst(%arg12 : memref<640xf32, #tpu.memory_space<vmem>>)
      tpu.yield
    }) : () -> ()
    %mul3A_134 = arith.constant 640 : i32
    %mul3A_135 = arith.muli %arg1, %mul3A_134 : i32
    %dma_wait3A_136 = arith.constant 0 : i32
    %dma_wait3A_137 = tpu.memref_slice %arg4[%dma_wait3A_136, %mul3A_135] : memref<16x10240xf32, #tpu.memory_space<hbm>> -> memref<16x640xf32, #tpu.memory_space<hbm>>
    %dma_wait3A_138 = arith.constant 0 : i32
    %dma_wait3A_139 = tpu.memref_slice %arg4[%dma_wait3A_138, %mul3A_135] : memref<16x10240xf32, #tpu.memory_space<hbm>> -> memref<16x640xf32, #tpu.memory_space<hbm>>
    tpu.wait_dma2 semaphore(%arg25 : memref<!tpu.dma_semaphore, #tpu.memory_space<semaphore_mem>>) src(%dma_wait3A_139 : memref<16x640xf32, #tpu.memory_space<hbm>>) dst(%arg11 : memref<16x640xf32, #tpu.memory_space<vmem>>)
    %scan3A_140 = arith.constant 0 : i32
    %scan3A_141 = arith.constant 0 : i32
    %scan3A_142 = arith.constant 40 : i32
    %scan3A_143 = arith.addi %scan3A_141, %scan3A_142 : i32
    %scan3A_144 = arith.constant 1 : i32
    %scan3A_145 = scf.for %scan3A_264 = %scan3A_141 to %scan3A_143 step %scan3A_144 iter_args(%scan3A_265 = %scan3A_140) -> (i32)  : i32 {
      %mul3A_266 = arith.constant 16 : i32
      %mul3A_267 = arith.muli %scan3A_264, %mul3A_266 : i32
      %get3A = arith.index_cast %mul3A_267 : i32 to index
      %get3A_268 = tpu.vector_load %arg12[%get3A] {strides = array<i32>} : memref<640xf32, #tpu.memory_space<vmem>>, vector<16xf32>,
      %add3A_269 = arith.constant 1.000000e+00 : f32
      %add3A_270 = vector.broadcast %add3A_269 : f32 to vector<16xf32>
      %add3A_271 = arith.addf %get3A_268, %add3A_270 : vector<16xf32>
      %bitcast3A = vector.bitcast %add3A_271 : vector<16xf32> to vector<16xi32>
      %shift_right_arithmetic3A = arith.constant 1 : i32
      %shift_right_arithmetic3A_272 = vector.broadcast %shift_right_arithmetic3A : i32 to vector<16xi32>
      %shift_right_arithmetic3A_273 = arith.shrsi %bitcast3A, %shift_right_arithmetic3A_272 : vector<16xi32>
      %sub3A_274 = arith.constant 1597463007 : i32
      %sub3A_275 = vector.broadcast %sub3A_274 : i32 to vector<16xi32>
      %sub3A_276 = arith.subi %sub3A_275, %shift_right_arithmetic3A_273 : vector<16xi32>
      %bitcast3A_277 = vector.bitcast %sub3A_276 : vector<16xi32> to vector<16xf32>
      %mul3A_278 = arith.constant 5.000000e-01 : f32
      %mul3A_279 = vector.broadcast %mul3A_278 : f32 to vector<16xf32>
      %mul3A_280 = arith.mulf %mul3A_279, %add3A_271 : vector<16xf32>
      %mul3A_281 = arith.mulf %mul3A_280, %bitcast3A_277 : vector<16xf32>
      %mul3A_282 = arith.mulf %mul3A_281, %bitcast3A_277 : vector<16xf32>
      %sub3A_283 = arith.constant 1.500000e+00 : f32
      %sub3A_284 = vector.broadcast %sub3A_283 : f32 to vector<16xf32>
      %sub3A_285 = arith.subf %sub3A_284, %mul3A_282 : vector<16xf32>
      %mul3A_286 = arith.mulf %bitcast3A_277, %sub3A_285 : vector<16xf32>
      %mul3A_287 = arith.constant 5.000000e-01 : f32
      %mul3A_288 = vector.broadcast %mul3A_287 : f32 to vector<16xf32>
      %mul3A_289 = arith.mulf %mul3A_288, %add3A_271 : vector<16xf32>
      %mul3A_290 = arith.mulf %mul3A_289, %mul3A_286 : vector<16xf32>
      %mul3A_291 = arith.mulf %mul3A_290, %mul3A_286 : vector<16xf32>
      %sub3A_292 = arith.constant 1.500000e+00 : f32
      %sub3A_293 = vector.broadcast %sub3A_292 : f32 to vector<16xf32>
      %sub3A_294 = arith.subf %sub3A_293, %mul3A_291 : vector<16xf32>
      %mul3A_295 = arith.mulf %mul3A_286, %sub3A_294 : vector<16xf32>
      %mul3A_296 = arith.constant 5.000000e-01 : f32
      %mul3A_297 = vector.broadcast %mul3A_296 : f32 to vector<16xf32>
      %mul3A_298 = arith.mulf %mul3A_297, %add3A_271 : vector<16xf32>
      %mul3A_299 = arith.mulf %mul3A_298, %mul3A_295 : vector<16xf32>
      %mul3A_300 = arith.mulf %mul3A_299, %mul3A_295 : vector<16xf32>
      %sub3A_301 = arith.constant 1.500000e+00 : f32
      %sub3A_302 = vector.broadcast %sub3A_301 : f32 to vector<16xf32>
      %sub3A_303 = arith.subf %sub3A_302, %mul3A_300 : vector<16xf32>
      %mul3A_304 = arith.mulf %mul3A_295, %sub3A_303 : vector<16xf32>
      %mul3A_305 = arith.constant 16 : i32
      %mul3A_306 = arith.muli %scan3A_264, %mul3A_305 : i32
      %swap3A_307 = arith.index_cast %mul3A_306 : i32 to index
      %swap3A_308 = tpu.vector_load %arg13[%swap3A_307] {strides = array<i32>} : memref<640xf32, #tpu.memory_space<vmem>>, vector<16xf32>,
      tpu.vector_store %arg13[%swap3A_307], %mul3A_304 {strides = array<i32>} : memref<640xf32, #tpu.memory_space<vmem>>, vector<16xf32>,
      %mul3A_309 = arith.constant 16 : i32
      %mul3A_310 = arith.muli %scan3A_264, %mul3A_309 : i32
      %iota3A = tpu.iota {dimensions = array<i32: 0>} : vector<16xi32>
      %add3A_311 = vector.broadcast %mul3A_310 : i32 to vector<16xi32>
      %add3A_312 = arith.addi %add3A_311, %iota3A : vector<16xi32>
      %broadcast_in_dim3A_313 = arith.constant 0 : i32
      %broadcast_in_dim3A_314 = vector.broadcast %broadcast_in_dim3A_313 : i32 to vector<16xi32>
      %mul3A_315 = arith.constant 16 : i32
      %mul3A_316 = arith.muli %scan3A_264, %mul3A_315 : i32
      %get3A_317 = arith.constant 0 : i32
      %get3A_318 = arith.index_cast %get3A_317 : i32 to index
      %get3A_319 = arith.index_cast %mul3A_316 : i32 to index
      %get3A_320 = tpu.vector_load %arg11[%get3A_318, %get3A_319] {strides = array<i32>} : memref<16x640xf32, #tpu.memory_space<vmem>>, vector<16xf32>,
      %mul3A_321 = arith.mulf %get3A_320, %mul3A_304 : vector<16xf32>
      tpu.vector_store_idx %arg14[%add3A_312, %broadcast_in_dim3A_314], %mul3A_321 : memref<640x16xf32, #tpu.memory_space<vmem>>[vector<16xi32>, vector<16xi32>], vector<16xf32>,
      %broadcast_in_dim3A_322 = arith.constant 1 : i32
      %broadcast_in_dim3A_323 = vector.broadcast %broadcast_in_dim3A_322 : i32 to vector<16xi32>
      %mul3A_324 = arith.constant 16 : i32
      %mul3A_325 = arith.muli %scan3A_264, %mul3A_324 : i32
      %get3A_326 = arith.constant 1 : i32
      %get3A_327 = arith.index_cast %get3A_326 : i32 to index
      %get3A_328 = arith.index_cast %mul3A_325 : i32 to index
      %get3A_329 = tpu.vector_load %arg11[%get3A_327, %get3A_328] {strides = array<i32>} : memref<16x640xf32, #tpu.memory_space<vmem>>, vector<16xf32>,
      %mul3A_330 = arith.mulf %get3A_329, %mul3A_304 : vector<16xf32>
      tpu.vector_store_idx %arg14[%add3A_312, %broadcast_in_dim3A_323], %mul3A_330 : memref<640x16xf32, #tpu.memory_space<vmem>>[vector<16xi32>, vector<16xi32>], vector<16xf32>,
      %broadcast_in_dim3A_331 = arith.constant 2 : i32
      %broadcast_in_dim3A_332 = vector.broadcast %broadcast_in_dim3A_331 : i32 to vector<16xi32>
      %mul3A_333 = arith.constant 16 : i32
      %mul3A_334 = arith.muli %scan3A_264, %mul3A_333 : i32
      %get3A_335 = arith.constant 2 : i32
      %get3A_336 = arith.index_cast %get3A_335 : i32 to index
      %get3A_337 = arith.index_cast %mul3A_334 : i32 to index
      %get3A_338 = tpu.vector_load %arg11[%get3A_336, %get3A_337] {strides = array<i32>} : memref<16x640xf32, #tpu.memory_space<vmem>>, vector<16xf32>,
      %mul3A_339 = arith.mulf %get3A_338, %mul3A_304 : vector<16xf32>
      tpu.vector_store_idx %arg14[%add3A_312, %broadcast_in_dim3A_332], %mul3A_339 : memref<640x16xf32, #tpu.memory_space<vmem>>[vector<16xi32>, vector<16xi32>], vector<16xf32>,
      %broadcast_in_dim3A_340 = arith.constant 3 : i32
      %broadcast_in_dim3A_341 = vector.broadcast %broadcast_in_dim3A_340 : i32 to vector<16xi32>
      %mul3A_342 = arith.constant 16 : i32
      %mul3A_343 = arith.muli %scan3A_264, %mul3A_342 : i32
      %get3A_344 = arith.constant 3 : i32
      %get3A_345 = arith.index_cast %get3A_344 : i32 to index
      %get3A_346 = arith.index_cast %mul3A_343 : i32 to index
      %get3A_347 = tpu.vector_load %arg11[%get3A_345, %get3A_346] {strides = array<i32>} : memref<16x640xf32, #tpu.memory_space<vmem>>, vector<16xf32>,
      %mul3A_348 = arith.mulf %get3A_347, %mul3A_304 : vector<16xf32>
      tpu.vector_store_idx %arg14[%add3A_312, %broadcast_in_dim3A_341], %mul3A_348 : memref<640x16xf32, #tpu.memory_space<vmem>>[vector<16xi32>, vector<16xi32>], vector<16xf32>,
      %broadcast_in_dim3A_349 = arith.constant 4 : i32
      %broadcast_in_dim3A_350 = vector.broadcast %broadcast_in_dim3A_349 : i32 to vector<16xi32>
      %mul3A_351 = arith.constant 16 : i32
      %mul3A_352 = arith.muli %scan3A_264, %mul3A_351 : i32
      %get3A_353 = arith.constant 4 : i32
      %get3A_354 = arith.index_cast %get3A_353 : i32 to index
      %get3A_355 = arith.index_cast %mul3A_352 : i32 to index
      %get3A_356 = tpu.vector_load %arg11[%get3A_354, %get3A_355] {strides = array<i32>} : memref<16x640xf32, #tpu.memory_space<vmem>>, vector<16xf32>,
      %mul3A_357 = arith.mulf %get3A_356, %mul3A_304 : vector<16xf32>
      tpu.vector_store_idx %arg14[%add3A_312, %broadcast_in_dim3A_350], %mul3A_357 : memref<640x16xf32, #tpu.memory_space<vmem>>[vector<16xi32>, vector<16xi32>], vector<16xf32>,
      %broadcast_in_dim3A_358 = arith.constant 5 : i32
      %broadcast_in_dim3A_359 = vector.broadcast %broadcast_in_dim3A_358 : i32 to vector<16xi32>
      %mul3A_360 = arith.constant 16 : i32
      %mul3A_361 = arith.muli %scan3A_264, %mul3A_360 : i32
      %get3A_362 = arith.constant 5 : i32
      %get3A_363 = arith.index_cast %get3A_362 : i32 to index
      %get3A_364 = arith.index_cast %mul3A_361 : i32 to index
      %get3A_365 = tpu.vector_load %arg11[%get3A_363, %get3A_364] {strides = array<i32>} : memref<16x640xf32, #tpu.memory_space<vmem>>, vector<16xf32>,
      %mul3A_366 = arith.mulf %get3A_365, %mul3A_304 : vector<16xf32>
      tpu.vector_store_idx %arg14[%add3A_312, %broadcast_in_dim3A_359], %mul3A_366 : memref<640x16xf32, #tpu.memory_space<vmem>>[vector<16xi32>, vector<16xi32>], vector<16xf32>,
      %broadcast_in_dim3A_367 = arith.constant 6 : i32
      %broadcast_in_dim3A_368 = vector.broadcast %broadcast_in_dim3A_367 : i32 to vector<16xi32>
      %mul3A_369 = arith.constant 16 : i32
      %mul3A_370 = arith.muli %scan3A_264, %mul3A_369 : i32
      %get3A_371 = arith.constant 6 : i32
      %get3A_372 = arith.index_cast %get3A_371 : i32 to index
      %get3A_373 = arith.index_cast %mul3A_370 : i32 to index
      %get3A_374 = tpu.vector_load %arg11[%get3A_372, %get3A_373] {strides = array<i32>} : memref<16x640xf32, #tpu.memory_space<vmem>>, vector<16xf32>,
      %mul3A_375 = arith.mulf %get3A_374, %mul3A_304 : vector<16xf32>
      tpu.vector_store_idx %arg14[%add3A_312, %broadcast_in_dim3A_368], %mul3A_375 : memref<640x16xf32, #tpu.memory_space<vmem>>[vector<16xi32>, vector<16xi32>], vector<16xf32>,
      %broadcast_in_dim3A_376 = arith.constant 7 : i32
      %broadcast_in_dim3A_377 = vector.broadcast %broadcast_in_dim3A_376 : i32 to vector<16xi32>
      %mul3A_378 = arith.constant 16 : i32
      %mul3A_379 = arith.muli %scan3A_264, %mul3A_378 : i32
      %get3A_380 = arith.constant 7 : i32
      %get3A_381 = arith.index_cast %get3A_380 : i32 to index
      %get3A_382 = arith.index_cast %mul3A_379 : i32 to index
      %get3A_383 = tpu.vector_load %arg11[%get3A_381, %get3A_382] {strides = array<i32>} : memref<16x640xf32, #tpu.memory_space<vmem>>, vector<16xf32>,
      %mul3A_384 = arith.mulf %get3A_383, %mul3A_304 : vector<16xf32>
      tpu.vector_store_idx %arg14[%add3A_312, %broadcast_in_dim3A_377], %mul3A_384 : memref<640x16xf32, #tpu.memory_space<vmem>>[vector<16xi32>, vector<16xi32>], vector<16xf32>,
      %broadcast_in_dim3A_385 = arith.constant 8 : i32
      %broadcast_in_dim3A_386 = vector.broadcast %broadcast_in_dim3A_385 : i32 to vector<16xi32>
      %mul3A_387 = arith.constant 16 : i32
      %mul3A_388 = arith.muli %scan3A_264, %mul3A_387 : i32
      %get3A_389 = arith.constant 8 : i32
      %get3A_390 = arith.index_cast %get3A_389 : i32 to index
      %get3A_391 = arith.index_cast %mul3A_388 : i32 to index
      %get3A_392 = tpu.vector_load %arg11[%get3A_390, %get3A_391] {strides = array<i32>} : memref<16x640xf32, #tpu.memory_space<vmem>>, vector<16xf32>,
      %mul3A_393 = arith.mulf %get3A_392, %mul3A_304 : vector<16xf32>
      tpu.vector_store_idx %arg14[%add3A_312, %broadcast_in_dim3A_386], %mul3A_393 : memref<640x16xf32, #tpu.memory_space<vmem>>[vector<16xi32>, vector<16xi32>], vector<16xf32>,
      %broadcast_in_dim3A_394 = arith.constant 9 : i32
      %broadcast_in_dim3A_395 = vector.broadcast %broadcast_in_dim3A_394 : i32 to vector<16xi32>
      %mul3A_396 = arith.constant 16 : i32
      %mul3A_397 = arith.muli %scan3A_264, %mul3A_396 : i32
      %get3A_398 = arith.constant 9 : i32
      %get3A_399 = arith.index_cast %get3A_398 : i32 to index
      %get3A_400 = arith.index_cast %mul3A_397 : i32 to index
      %get3A_401 = tpu.vector_load %arg11[%get3A_399, %get3A_400] {strides = array<i32>} : memref<16x640xf32, #tpu.memory_space<vmem>>, vector<16xf32>,
      %mul3A_402 = arith.mulf %get3A_401, %mul3A_304 : vector<16xf32>
      tpu.vector_store_idx %arg14[%add3A_312, %broadcast_in_dim3A_395], %mul3A_402 : memref<640x16xf32, #tpu.memory_space<vmem>>[vector<16xi32>, vector<16xi32>], vector<16xf32>,
      %broadcast_in_dim3A_403 = arith.constant 10 : i32
      %broadcast_in_dim3A_404 = vector.broadcast %broadcast_in_dim3A_403 : i32 to vector<16xi32>
      %mul3A_405 = arith.constant 16 : i32
      %mul3A_406 = arith.muli %scan3A_264, %mul3A_405 : i32
      %get3A_407 = arith.constant 10 : i32
      %get3A_408 = arith.index_cast %get3A_407 : i32 to index
      %get3A_409 = arith.index_cast %mul3A_406 : i32 to index
      %get3A_410 = tpu.vector_load %arg11[%get3A_408, %get3A_409] {strides = array<i32>} : memref<16x640xf32, #tpu.memory_space<vmem>>, vector<16xf32>,
      %mul3A_411 = arith.mulf %get3A_410, %mul3A_304 : vector<16xf32>
      tpu.vector_store_idx %arg14[%add3A_312, %broadcast_in_dim3A_404], %mul3A_411 : memref<640x16xf32, #tpu.memory_space<vmem>>[vector<16xi32>, vector<16xi32>], vector<16xf32>,
      %broadcast_in_dim3A_412 = arith.constant 11 : i32
      %broadcast_in_dim3A_413 = vector.broadcast %broadcast_in_dim3A_412 : i32 to vector<16xi32>
      %mul3A_414 = arith.constant 16 : i32
      %mul3A_415 = arith.muli %scan3A_264, %mul3A_414 : i32
      %get3A_416 = arith.constant 11 : i32
      %get3A_417 = arith.index_cast %get3A_416 : i32 to index
      %get3A_418 = arith.index_cast %mul3A_415 : i32 to index
      %get3A_419 = tpu.vector_load %arg11[%get3A_417, %get3A_418] {strides = array<i32>} : memref<16x640xf32, #tpu.memory_space<vmem>>, vector<16xf32>,
      %mul3A_420 = arith.mulf %get3A_419, %mul3A_304 : vector<16xf32>
      tpu.vector_store_idx %arg14[%add3A_312, %broadcast_in_dim3A_413], %mul3A_420 : memref<640x16xf32, #tpu.memory_space<vmem>>[vector<16xi32>, vector<16xi32>], vector<16xf32>,
      %broadcast_in_dim3A_421 = arith.constant 12 : i32
      %broadcast_in_dim3A_422 = vector.broadcast %broadcast_in_dim3A_421 : i32 to vector<16xi32>
      %mul3A_423 = arith.constant 16 : i32
      %mul3A_424 = arith.muli %scan3A_264, %mul3A_423 : i32
      %get3A_425 = arith.constant 12 : i32
      %get3A_426 = arith.index_cast %get3A_425 : i32 to index
      %get3A_427 = arith.index_cast %mul3A_424 : i32 to index
      %get3A_428 = tpu.vector_load %arg11[%get3A_426, %get3A_427] {strides = array<i32>} : memref<16x640xf32, #tpu.memory_space<vmem>>, vector<16xf32>,
      %mul3A_429 = arith.mulf %get3A_428, %mul3A_304 : vector<16xf32>
      tpu.vector_store_idx %arg14[%add3A_312, %broadcast_in_dim3A_422], %mul3A_429 : memref<640x16xf32, #tpu.memory_space<vmem>>[vector<16xi32>, vector<16xi32>], vector<16xf32>,
      %broadcast_in_dim3A_430 = arith.constant 13 : i32
      %broadcast_in_dim3A_431 = vector.broadcast %broadcast_in_dim3A_430 : i32 to vector<16xi32>
      %mul3A_432 = arith.constant 16 : i32
      %mul3A_433 = arith.muli %scan3A_264, %mul3A_432 : i32
      %get3A_434 = arith.constant 13 : i32
      %get3A_435 = arith.index_cast %get3A_434 : i32 to index
      %get3A_436 = arith.index_cast %mul3A_433 : i32 to index
      %get3A_437 = tpu.vector_load %arg11[%get3A_435, %get3A_436] {strides = array<i32>} : memref<16x640xf32, #tpu.memory_space<vmem>>, vector<16xf32>,
      %mul3A_438 = arith.mulf %get3A_437, %mul3A_304 : vector<16xf32>
      tpu.vector_store_idx %arg14[%add3A_312, %broadcast_in_dim3A_431], %mul3A_438 : memref<640x16xf32, #tpu.memory_space<vmem>>[vector<16xi32>, vector<16xi32>], vector<16xf32>,
      %broadcast_in_dim3A_439 = arith.constant 14 : i32
      %broadcast_in_dim3A_440 = vector.broadcast %broadcast_in_dim3A_439 : i32 to vector<16xi32>
      %mul3A_441 = arith.constant 16 : i32
      %mul3A_442 = arith.muli %scan3A_264, %mul3A_441 : i32
      %get3A_443 = arith.constant 14 : i32
      %get3A_444 = arith.index_cast %get3A_443 : i32 to index
      %get3A_445 = arith.index_cast %mul3A_442 : i32 to index
      %get3A_446 = tpu.vector_load %arg11[%get3A_444, %get3A_445] {strides = array<i32>} : memref<16x640xf32, #tpu.memory_space<vmem>>, vector<16xf32>,
      %mul3A_447 = arith.mulf %get3A_446, %mul3A_304 : vector<16xf32>
      tpu.vector_store_idx %arg14[%add3A_312, %broadcast_in_dim3A_440], %mul3A_447 : memref<640x16xf32, #tpu.memory_space<vmem>>[vector<16xi32>, vector<16xi32>], vector<16xf32>,
      %broadcast_in_dim3A_448 = arith.constant 15 : i32
      %broadcast_in_dim3A_449 = vector.broadcast %broadcast_in_dim3A_448 : i32 to vector<16xi32>
      %mul3A_450 = arith.constant 16 : i32
      %mul3A_451 = arith.muli %scan3A_264, %mul3A_450 : i32
      %get3A_452 = arith.constant 15 : i32
      %get3A_453 = arith.index_cast %get3A_452 : i32 to index
      %get3A_454 = arith.index_cast %mul3A_451 : i32 to index
      %get3A_455 = tpu.vector_load %arg11[%get3A_453, %get3A_454] {strides = array<i32>} : memref<16x640xf32, #tpu.memory_space<vmem>>, vector<16xf32>,
      %mul3A_456 = arith.mulf %get3A_455, %mul3A_304 : vector<16xf32>
      tpu.vector_store_idx %arg14[%add3A_312, %broadcast_in_dim3A_449], %mul3A_456 : memref<640x16xf32, #tpu.memory_space<vmem>>[vector<16xi32>, vector<16xi32>], vector<16xf32>,
      %scan3A_457 = arith.constant 0 : i32
      scf.yield %scan3A_457 : i32
    }
    %scan3A_146 = arith.constant 40 : i32
    %mul3A_147 = arith.constant 640 : i32
    %mul3A_148 = arith.muli %arg1, %mul3A_147 : i32
    "tpu.region"() ({
      %run_scoped3A = tpu.sem_alloc : memref<!tpu.dma_semaphore, #tpu.memory_space<semaphore_mem>>
      %dma_start3A_264 = arith.constant 0 : i32
      %dma_start3A_265 = tpu.memref_slice %arg21[%mul3A_148, %dma_start3A_264] : memref<10240x16xf32, #tpu.memory_space<vmem_shared>> -> memref<640x16xf32, #tpu.memory_space<vmem_shared>>
      %dma_start3A_266 = arith.constant 0 : i32
      %dma_start3A_267 = tpu.memref_slice %arg21[%mul3A_148, %dma_start3A_266] : memref<10240x16xf32, #tpu.memory_space<vmem_shared>> -> memref<640x16xf32, #tpu.memory_space<vmem_shared>>
      tpu.enqueue_dma source(%arg14 : memref<640x16xf32, #tpu.memory_space<vmem>>) target(%dma_start3A_267 : memref<640x16xf32, #tpu.memory_space<vmem_shared>>) target_semaphore(%run_scoped3A : memref<!tpu.dma_semaphore, #tpu.memory_space<semaphore_mem>>)
      %dma_wait3A_268 = arith.constant 0 : i32
      %dma_wait3A_269 = tpu.memref_slice %arg21[%mul3A_148, %dma_wait3A_268] : memref<10240x16xf32, #tpu.memory_space<vmem_shared>> -> memref<640x16xf32, #tpu.memory_space<vmem_shared>>
      %dma_wait3A_270 = arith.constant 0 : i32
      %dma_wait3A_271 = tpu.memref_slice %arg21[%mul3A_148, %dma_wait3A_270] : memref<10240x16xf32, #tpu.memory_space<vmem_shared>> -> memref<640x16xf32, #tpu.memory_space<vmem_shared>>
      tpu.wait_dma2 semaphore(%run_scoped3A : memref<!tpu.dma_semaphore, #tpu.memory_space<semaphore_mem>>) src(%arg14 : memref<640x16xf32, #tpu.memory_space<vmem>>) dst(%dma_wait3A_271 : memref<640x16xf32, #tpu.memory_space<vmem_shared>>)
      tpu.yield
    }) : () -> ()
    %eq3A = arith.constant 0 : i32
    %eq3A_149 = arith.cmpi eq, %arg0, %eq3A : i32
    %convert_element_type3A = arith.extui %eq3A_149 : i1 to i32
    %cond3A = arith.constant 0 : i32
    %cond3A_150 = arith.cmpi ne, %convert_element_type3A, %cond3A : i32
    scf.if %cond3A_150 {
      %mul3A_264 = arith.constant 640 : i32
      %mul3A_265 = arith.muli %arg1, %mul3A_264 : i32
      "tpu.region"() ({
        %run_scoped3A = tpu.sem_alloc : memref<!tpu.dma_semaphore, #tpu.memory_space<semaphore_mem>>
        %dma_start3A_266 = arith.constant 0 : i32
        %dma_start3A_267 = tpu.memref_slice %arg22[%mul3A_265, %dma_start3A_266] : memref<10240x16xf32, #tpu.memory_space<vmem_shared>> -> memref<640x16xf32, #tpu.memory_space<vmem_shared>>
        %dma_start3A_268 = arith.constant 0 : i32
        %dma_start3A_269 = tpu.memref_slice %arg22[%mul3A_265, %dma_start3A_268] : memref<10240x16xf32, #tpu.memory_space<vmem_shared>> -> memref<640x16xf32, #tpu.memory_space<vmem_shared>>
        tpu.enqueue_dma source(%arg14 : memref<640x16xf32, #tpu.memory_space<vmem>>) target(%dma_start3A_269 : memref<640x16xf32, #tpu.memory_space<vmem_shared>>) target_semaphore(%run_scoped3A : memref<!tpu.dma_semaphore, #tpu.memory_space<semaphore_mem>>)
        %dma_wait3A_270 = arith.constant 0 : i32
        %dma_wait3A_271 = tpu.memref_slice %arg22[%mul3A_265, %dma_wait3A_270] : memref<10240x16xf32, #tpu.memory_space<vmem_shared>> -> memref<640x16xf32, #tpu.memory_space<vmem_shared>>
        %dma_wait3A_272 = arith.constant 0 : i32
        %dma_wait3A_273 = tpu.memref_slice %arg22[%mul3A_265, %dma_wait3A_272] : memref<10240x16xf32, #tpu.memory_space<vmem_shared>> -> memref<640x16xf32, #tpu.memory_space<vmem_shared>>
        tpu.wait_dma2 semaphore(%run_scoped3A : memref<!tpu.dma_semaphore, #tpu.memory_space<semaphore_mem>>) src(%arg14 : memref<640x16xf32, #tpu.memory_space<vmem>>) dst(%dma_wait3A_273 : memref<640x16xf32, #tpu.memory_space<vmem_shared>>)
        tpu.yield
      }) : () -> ()
    } else {
    }
    %eq3A_151 = arith.constant 1 : i32
    %eq3A_152 = arith.cmpi eq, %arg0, %eq3A_151 : i32
    %convert_element_type3A_153 = arith.extui %eq3A_152 : i1 to i32
    %cond3A_154 = arith.constant 0 : i32
    %cond3A_155 = arith.cmpi ne, %convert_element_type3A_153, %cond3A_154 : i32
    scf.if %cond3A_155 {
      %scan3A_264 = arith.constant 0 : i32
      %scan3A_265 = arith.constant 0 : i32
      %scan3A_266 = arith.constant 80 : i32
      %scan3A_267 = arith.addi %scan3A_265, %scan3A_266 : i32
      %scan3A_268 = arith.constant 1 : i32
      %scan3A_269 = scf.for %scan3A_271 = %scan3A_265 to %scan3A_267 step %scan3A_268 iter_args(%scan3A_272 = %scan3A_264) -> (i32)  : i32 {
        %mul3A_273 = arith.constant 640 : i32
        %mul3A_274 = arith.muli %arg1, %mul3A_273 : i32
        %mul3A_275 = arith.constant 8 : i32
        %mul3A_276 = arith.muli %scan3A_271, %mul3A_275 : i32
        %add3A_277 = arith.addi %mul3A_274, %mul3A_276 : i32
        "tpu.region"() ({
          %run_scoped3A = tpu.sem_alloc : memref<!tpu.dma_semaphore, #tpu.memory_space<semaphore_mem>>
          %dma_start3A_279 = arith.constant 0 : i32
          %dma_start3A_280 = tpu.memref_slice %arg22[%add3A_277, %dma_start3A_279] : memref<10240x16xf32, #tpu.memory_space<vmem_shared>> -> memref<8x16xf32, #tpu.memory_space<vmem_shared>>
          %dma_start3A_281 = arith.constant 0 : i32
          %dma_start3A_282 = tpu.memref_slice %arg22[%add3A_277, %dma_start3A_281] : memref<10240x16xf32, #tpu.memory_space<vmem_shared>> -> memref<8x16xf32, #tpu.memory_space<vmem_shared>>
          tpu.enqueue_dma source(%arg10 : memref<8x16xf32, #tpu.memory_space<vmem>>) target(%dma_start3A_282 : memref<8x16xf32, #tpu.memory_space<vmem_shared>>) target_semaphore(%run_scoped3A : memref<!tpu.dma_semaphore, #tpu.memory_space<semaphore_mem>>)
          %dma_wait3A_283 = arith.constant 0 : i32
          %dma_wait3A_284 = tpu.memref_slice %arg22[%add3A_277, %dma_wait3A_283] : memref<10240x16xf32, #tpu.memory_space<vmem_shared>> -> memref<8x16xf32, #tpu.memory_space<vmem_shared>>
          %dma_wait3A_285 = arith.constant 0 : i32
          %dma_wait3A_286 = tpu.memref_slice %arg22[%add3A_277, %dma_wait3A_285] : memref<10240x16xf32, #tpu.memory_space<vmem_shared>> -> memref<8x16xf32, #tpu.memory_space<vmem_shared>>
          tpu.wait_dma2 semaphore(%run_scoped3A : memref<!tpu.dma_semaphore, #tpu.memory_space<semaphore_mem>>) src(%arg10 : memref<8x16xf32, #tpu.memory_space<vmem>>) dst(%dma_wait3A_286 : memref<8x16xf32, #tpu.memory_space<vmem_shared>>)
          tpu.yield
        }) : () -> ()
        %scan3A_278 = arith.constant 0 : i32
        scf.yield %scan3A_278 : i32
      }
      %scan3A_270 = arith.constant 80 : i32
    } else {
    }
    %barrier3A_156 = arith.constant 0 : index
    tpu.barrier barrier_id(%barrier3A_156)
    "tpu.trace_stop"() : () -> ()
    "tpu.trace_start"() <{level = 10 : i32, message = "phaseC"}> : () -> ()
    %mul3A_157 = arith.constant 2 : i32
    %mul3A_158 = arith.muli %arg1, %mul3A_157 : i32
    %add3A_159 = arith.addi %mul3A_158, %arg0 : i32
    %dma_wait3A_160 = arith.constant 0 : i32
    %dma_wait3A_161 = arith.constant 0 : i32
    %dma_wait3A_162 = tpu.memref_slice %arg3[%add3A_159, %dma_wait3A_160, %dma_wait3A_161] : memref<32x80x128xi32, #tpu.memory_space<hbm>> -> memref<1x80x128xi32, #tpu.memory_space<hbm>>
    %dma_wait3A_163 = tpu.memref_squeeze %dma_wait3A_162 : memref<1x80x128xi32, #tpu.memory_space<hbm>> -> memref<80x128xi32, #tpu.memory_space<hbm>>
    %dma_wait3A_164 = arith.constant 0 : i32
    %dma_wait3A_165 = arith.constant 0 : i32
    %dma_wait3A_166 = tpu.memref_slice %arg3[%add3A_159, %dma_wait3A_164, %dma_wait3A_165] : memref<32x80x128xi32, #tpu.memory_space<hbm>> -> memref<1x80x128xi32, #tpu.memory_space<hbm>>
    %dma_wait3A_167 = tpu.memref_squeeze %dma_wait3A_166 : memref<1x80x128xi32, #tpu.memory_space<hbm>> -> memref<80x128xi32, #tpu.memory_space<hbm>>
    tpu.wait_dma2 semaphore(%arg26 : memref<!tpu.dma_semaphore, #tpu.memory_space<semaphore_mem>>) src(%dma_wait3A_167 : memref<80x128xi32, #tpu.memory_space<hbm>>) dst(%arg7 : memref<80x128xi32, #tpu.memory_space<vmem>>)
    %mul3A_168 = arith.constant 80 : i32
    %mul3A_169 = arith.muli %arg0, %mul3A_168 : i32
    %dma_start3A_170 = arith.constant 0 : i32
    %dma_start3A_171 = arith.constant 0 : i32
    %dma_start3A_172 = tpu.memref_slice %arg7[%dma_start3A_170, %dma_start3A_171] : memref<80x128xi32, #tpu.memory_space<vmem>> -> memref<1x128xi32, #tpu.memory_space<vmem>>
    %dma_start3A_173 = tpu.memref_squeeze %dma_start3A_172 : memref<1x128xi32, #tpu.memory_space<vmem>> -> memref<128xi32, #tpu.memory_space<vmem>>
    %dma_start3A_174 = arith.constant 0 : i32
    %dma_start3A_175 = arith.constant 0 : i32
    %dma_start3A_176 = tpu.memref_slice %arg21[%dma_start3A_174, %dma_start3A_175] : memref<10240x16xf32, #tpu.memory_space<vmem_shared>> -> memref<10240x16xf32, #tpu.memory_space<vmem_shared>>
    tpu.enqueue_indirect_dma source(%dma_start3A_176 : memref<10240x16xf32, #tpu.memory_space<vmem_shared>>) target(%arg16 : memref<128x16xf32, #tpu.memory_space<vmem>>) offsets(%dma_start3A_173 : memref<128xi32, #tpu.memory_space<vmem>>) semaphore(%arg24 : memref<!tpu.dma_semaphore, #tpu.memory_space<semaphore_mem>>)
    %dma_start3A_177 = arith.constant 1 : i32
    %dma_start3A_178 = arith.constant 0 : i32
    %dma_start3A_179 = tpu.memref_slice %arg7[%dma_start3A_177, %dma_start3A_178] : memref<80x128xi32, #tpu.memory_space<vmem>> -> memref<1x128xi32, #tpu.memory_space<vmem>>
    %dma_start3A_180 = tpu.memref_squeeze %dma_start3A_179 : memref<1x128xi32, #tpu.memory_space<vmem>> -> memref<128xi32, #tpu.memory_space<vmem>>
    %dma_start3A_181 = arith.constant 0 : i32
    %dma_start3A_182 = arith.constant 0 : i32
    %dma_start3A_183 = tpu.memref_slice %arg21[%dma_start3A_181, %dma_start3A_182] : memref<10240x16xf32, #tpu.memory_space<vmem_shared>> -> memref<10240x16xf32, #tpu.memory_space<vmem_shared>>
    tpu.enqueue_indirect_dma source(%dma_start3A_183 : memref<10240x16xf32, #tpu.memory_space<vmem_shared>>) target(%arg17 : memref<128x16xf32, #tpu.memory_space<vmem>>) offsets(%dma_start3A_180 : memref<128xi32, #tpu.memory_space<vmem>>) semaphore(%arg25 : memref<!tpu.dma_semaphore, #tpu.memory_space<semaphore_mem>>)
    %dma_start3A_184 = arith.constant 2 : i32
    %dma_start3A_185 = arith.constant 0 : i32
    %dma_start3A_186 = tpu.memref_slice %arg7[%dma_start3A_184, %dma_start3A_185] : memref<80x128xi32, #tpu.memory_space<vmem>> -> memref<1x128xi32, #tpu.memory_space<vmem>>
    %dma_start3A_187 = tpu.memref_squeeze %dma_start3A_186 : memref<1x128xi32, #tpu.memory_space<vmem>> -> memref<128xi32, #tpu.memory_space<vmem>>
    %dma_start3A_188 = arith.constant 0 : i32
    %dma_start3A_189 = arith.constant 0 : i32
    %dma_start3A_190 = tpu.memref_slice %arg21[%dma_start3A_188, %dma_start3A_189] : memref<10240x16xf32, #tpu.memory_space<vmem_shared>> -> memref<10240x16xf32, #tpu.memory_space<vmem_shared>>
    tpu.enqueue_indirect_dma source(%dma_start3A_190 : memref<10240x16xf32, #tpu.memory_space<vmem_shared>>) target(%arg18 : memref<128x16xf32, #tpu.memory_space<vmem>>) offsets(%dma_start3A_187 : memref<128xi32, #tpu.memory_space<vmem>>) semaphore(%arg26 : memref<!tpu.dma_semaphore, #tpu.memory_space<semaphore_mem>>)
    %dma_start3A_191 = arith.constant 3 : i32
    %dma_start3A_192 = arith.constant 0 : i32
    %dma_start3A_193 = tpu.memref_slice %arg7[%dma_start3A_191, %dma_start3A_192] : memref<80x128xi32, #tpu.memory_space<vmem>> -> memref<1x128xi32, #tpu.memory_space<vmem>>
    %dma_start3A_194 = tpu.memref_squeeze %dma_start3A_193 : memref<1x128xi32, #tpu.memory_space<vmem>> -> memref<128xi32, #tpu.memory_space<vmem>>
    %dma_start3A_195 = arith.constant 0 : i32
    %dma_start3A_196 = arith.constant 0 : i32
    %dma_start3A_197 = tpu.memref_slice %arg21[%dma_start3A_195, %dma_start3A_196] : memref<10240x16xf32, #tpu.memory_space<vmem_shared>> -> memref<10240x16xf32, #tpu.memory_space<vmem_shared>>
    tpu.enqueue_indirect_dma source(%dma_start3A_197 : memref<10240x16xf32, #tpu.memory_space<vmem_shared>>) target(%arg19 : memref<128x16xf32, #tpu.memory_space<vmem>>) offsets(%dma_start3A_194 : memref<128xi32, #tpu.memory_space<vmem>>) semaphore(%arg27 : memref<!tpu.dma_semaphore, #tpu.memory_space<semaphore_mem>>)
    %scan3A_198 = arith.constant 0 : i32
    %scan3A_199 = arith.constant 0 : i32
    %scan3A_200 = arith.constant 20 : i32
    %scan3A_201 = arith.addi %scan3A_199, %scan3A_200 : i32
    %scan3A_202 = arith.constant 1 : i32
    %scan3A_203 = scf.for %scan3A_264 = %scan3A_199 to %scan3A_201 step %scan3A_202 iter_args(%scan3A_265 = %scan3A_198) -> (i32)  : i32 {
      %mul3A_266 = arith.constant 4 : i32
      %mul3A_267 = arith.muli %scan3A_264, %mul3A_266 : i32
      %add3A_268 = arith.constant 0 : i32
      %add3A_269 = arith.addi %mul3A_267, %add3A_268 : i32
      %dma_wait3A_270 = arith.constant 0 : i32
      %dma_wait3A_271 = tpu.memref_slice %arg7[%add3A_269, %dma_wait3A_270] : memref<80x128xi32, #tpu.memory_space<vmem>> -> memref<1x128xi32, #tpu.memory_space<vmem>>
      %dma_wait3A_272 = tpu.memref_squeeze %dma_wait3A_271 : memref<1x128xi32, #tpu.memory_space<vmem>> -> memref<128xi32, #tpu.memory_space<vmem>>
      %dma_wait3A_273 = arith.constant 0 : i32
      %dma_wait3A_274 = arith.constant 0 : i32
      %dma_wait3A_275 = tpu.memref_slice %arg21[%dma_wait3A_273, %dma_wait3A_274] : memref<10240x16xf32, #tpu.memory_space<vmem_shared>> -> memref<10240x16xf32, #tpu.memory_space<vmem_shared>>
      tpu.wait_indirect_dma semaphore(%arg24 : memref<!tpu.dma_semaphore, #tpu.memory_space<semaphore_mem>>) src(%dma_wait3A_275 : memref<10240x16xf32, #tpu.memory_space<vmem_shared>>) dst(%arg16 : memref<128x16xf32, #tpu.memory_space<vmem>>)
      %add3A_276 = arith.addi %mul3A_169, %add3A_269 : i32
      %dma_start3A_277 = arith.constant 0 : i32
      %dma_start3A_278 = tpu.memref_slice %arg6[%add3A_276, %dma_start3A_277] : memref<160x128xi32, #tpu.memory_space<vmem>> -> memref<1x128xi32, #tpu.memory_space<vmem>>
      %dma_start3A_279 = tpu.memref_squeeze %dma_start3A_278 : memref<1x128xi32, #tpu.memory_space<vmem>> -> memref<128xi32, #tpu.memory_space<vmem>>
      %dma_start3A_280 = arith.constant 0 : i32
      %dma_start3A_281 = arith.constant 0 : i32
      %dma_start3A_282 = tpu.memref_slice %arg22[%dma_start3A_280, %dma_start3A_281] : memref<10240x16xf32, #tpu.memory_space<vmem_shared>> -> memref<10240x16xf32, #tpu.memory_space<vmem_shared>>
      tpu.enqueue_indirect_dma source(%arg16 : memref<128x16xf32, #tpu.memory_space<vmem>>) target(%dma_start3A_282 : memref<10240x16xf32, #tpu.memory_space<vmem_shared>>) offsets(%dma_start3A_279 : memref<128xi32, #tpu.memory_space<vmem>>) semaphore(%arg28 : memref<!tpu.dma_semaphore, #tpu.memory_space<semaphore_mem>>) {add = true}
      %mul3A_283 = arith.constant 4 : i32
      %mul3A_284 = arith.muli %scan3A_264, %mul3A_283 : i32
      %add3A_285 = arith.constant 1 : i32
      %add3A_286 = arith.addi %mul3A_284, %add3A_285 : i32
      %dma_wait3A_287 = arith.constant 0 : i32
      %dma_wait3A_288 = tpu.memref_slice %arg7[%add3A_286, %dma_wait3A_287] : memref<80x128xi32, #tpu.memory_space<vmem>> -> memref<1x128xi32, #tpu.memory_space<vmem>>
      %dma_wait3A_289 = tpu.memref_squeeze %dma_wait3A_288 : memref<1x128xi32, #tpu.memory_space<vmem>> -> memref<128xi32, #tpu.memory_space<vmem>>
      %dma_wait3A_290 = arith.constant 0 : i32
      %dma_wait3A_291 = arith.constant 0 : i32
      %dma_wait3A_292 = tpu.memref_slice %arg21[%dma_wait3A_290, %dma_wait3A_291] : memref<10240x16xf32, #tpu.memory_space<vmem_shared>> -> memref<10240x16xf32, #tpu.memory_space<vmem_shared>>
      tpu.wait_indirect_dma semaphore(%arg25 : memref<!tpu.dma_semaphore, #tpu.memory_space<semaphore_mem>>) src(%dma_wait3A_292 : memref<10240x16xf32, #tpu.memory_space<vmem_shared>>) dst(%arg17 : memref<128x16xf32, #tpu.memory_space<vmem>>)
      %add3A_293 = arith.addi %mul3A_169, %add3A_286 : i32
      %dma_start3A_294 = arith.constant 0 : i32
      %dma_start3A_295 = tpu.memref_slice %arg6[%add3A_293, %dma_start3A_294] : memref<160x128xi32, #tpu.memory_space<vmem>> -> memref<1x128xi32, #tpu.memory_space<vmem>>
      %dma_start3A_296 = tpu.memref_squeeze %dma_start3A_295 : memref<1x128xi32, #tpu.memory_space<vmem>> -> memref<128xi32, #tpu.memory_space<vmem>>
      %dma_start3A_297 = arith.constant 0 : i32
      %dma_start3A_298 = arith.constant 0 : i32
      %dma_start3A_299 = tpu.memref_slice %arg22[%dma_start3A_297, %dma_start3A_298] : memref<10240x16xf32, #tpu.memory_space<vmem_shared>> -> memref<10240x16xf32, #tpu.memory_space<vmem_shared>>
      tpu.enqueue_indirect_dma source(%arg17 : memref<128x16xf32, #tpu.memory_space<vmem>>) target(%dma_start3A_299 : memref<10240x16xf32, #tpu.memory_space<vmem_shared>>) offsets(%dma_start3A_296 : memref<128xi32, #tpu.memory_space<vmem>>) semaphore(%arg29 : memref<!tpu.dma_semaphore, #tpu.memory_space<semaphore_mem>>) {add = true}
      %mul3A_300 = arith.constant 4 : i32
      %mul3A_301 = arith.muli %scan3A_264, %mul3A_300 : i32
      %add3A_302 = arith.constant 2 : i32
      %add3A_303 = arith.addi %mul3A_301, %add3A_302 : i32
      %dma_wait3A_304 = arith.constant 0 : i32
      %dma_wait3A_305 = tpu.memref_slice %arg7[%add3A_303, %dma_wait3A_304] : memref<80x128xi32, #tpu.memory_space<vmem>> -> memref<1x128xi32, #tpu.memory_space<vmem>>
      %dma_wait3A_306 = tpu.memref_squeeze %dma_wait3A_305 : memref<1x128xi32, #tpu.memory_space<vmem>> -> memref<128xi32, #tpu.memory_space<vmem>>
      %dma_wait3A_307 = arith.constant 0 : i32
      %dma_wait3A_308 = arith.constant 0 : i32
      %dma_wait3A_309 = tpu.memref_slice %arg21[%dma_wait3A_307, %dma_wait3A_308] : memref<10240x16xf32, #tpu.memory_space<vmem_shared>> -> memref<10240x16xf32, #tpu.memory_space<vmem_shared>>
      tpu.wait_indirect_dma semaphore(%arg26 : memref<!tpu.dma_semaphore, #tpu.memory_space<semaphore_mem>>) src(%dma_wait3A_309 : memref<10240x16xf32, #tpu.memory_space<vmem_shared>>) dst(%arg18 : memref<128x16xf32, #tpu.memory_space<vmem>>)
      %add3A_310 = arith.addi %mul3A_169, %add3A_303 : i32
      %dma_start3A_311 = arith.constant 0 : i32
      %dma_start3A_312 = tpu.memref_slice %arg6[%add3A_310, %dma_start3A_311] : memref<160x128xi32, #tpu.memory_space<vmem>> -> memref<1x128xi32, #tpu.memory_space<vmem>>
      %dma_start3A_313 = tpu.memref_squeeze %dma_start3A_312 : memref<1x128xi32, #tpu.memory_space<vmem>> -> memref<128xi32, #tpu.memory_space<vmem>>
      %dma_start3A_314 = arith.constant 0 : i32
      %dma_start3A_315 = arith.constant 0 : i32
      %dma_start3A_316 = tpu.memref_slice %arg22[%dma_start3A_314, %dma_start3A_315] : memref<10240x16xf32, #tpu.memory_space<vmem_shared>> -> memref<10240x16xf32, #tpu.memory_space<vmem_shared>>
      tpu.enqueue_indirect_dma source(%arg18 : memref<128x16xf32, #tpu.memory_space<vmem>>) target(%dma_start3A_316 : memref<10240x16xf32, #tpu.memory_space<vmem_shared>>) offsets(%dma_start3A_313 : memref<128xi32, #tpu.memory_space<vmem>>) semaphore(%arg30 : memref<!tpu.dma_semaphore, #tpu.memory_space<semaphore_mem>>) {add = true}
      %mul3A_317 = arith.constant 4 : i32
      %mul3A_318 = arith.muli %scan3A_264, %mul3A_317 : i32
      %add3A_319 = arith.constant 3 : i32
      %add3A_320 = arith.addi %mul3A_318, %add3A_319 : i32
      %dma_wait3A_321 = arith.constant 0 : i32
      %dma_wait3A_322 = tpu.memref_slice %arg7[%add3A_320, %dma_wait3A_321] : memref<80x128xi32, #tpu.memory_space<vmem>> -> memref<1x128xi32, #tpu.memory_space<vmem>>
      %dma_wait3A_323 = tpu.memref_squeeze %dma_wait3A_322 : memref<1x128xi32, #tpu.memory_space<vmem>> -> memref<128xi32, #tpu.memory_space<vmem>>
      %dma_wait3A_324 = arith.constant 0 : i32
      %dma_wait3A_325 = arith.constant 0 : i32
      %dma_wait3A_326 = tpu.memref_slice %arg21[%dma_wait3A_324, %dma_wait3A_325] : memref<10240x16xf32, #tpu.memory_space<vmem_shared>> -> memref<10240x16xf32, #tpu.memory_space<vmem_shared>>
      tpu.wait_indirect_dma semaphore(%arg27 : memref<!tpu.dma_semaphore, #tpu.memory_space<semaphore_mem>>) src(%dma_wait3A_326 : memref<10240x16xf32, #tpu.memory_space<vmem_shared>>) dst(%arg19 : memref<128x16xf32, #tpu.memory_space<vmem>>)
      %add3A_327 = arith.addi %mul3A_169, %add3A_320 : i32
      %dma_start3A_328 = arith.constant 0 : i32
      %dma_start3A_329 = tpu.memref_slice %arg6[%add3A_327, %dma_start3A_328] : memref<160x128xi32, #tpu.memory_space<vmem>> -> memref<1x128xi32, #tpu.memory_space<vmem>>
      %dma_start3A_330 = tpu.memref_squeeze %dma_start3A_329 : memref<1x128xi32, #tpu.memory_space<vmem>> -> memref<128xi32, #tpu.memory_space<vmem>>
      %dma_start3A_331 = arith.constant 0 : i32
      %dma_start3A_332 = arith.constant 0 : i32
      %dma_start3A_333 = tpu.memref_slice %arg22[%dma_start3A_331, %dma_start3A_332] : memref<10240x16xf32, #tpu.memory_space<vmem_shared>> -> memref<10240x16xf32, #tpu.memory_space<vmem_shared>>
      tpu.enqueue_indirect_dma source(%arg19 : memref<128x16xf32, #tpu.memory_space<vmem>>) target(%dma_start3A_333 : memref<10240x16xf32, #tpu.memory_space<vmem_shared>>) offsets(%dma_start3A_330 : memref<128xi32, #tpu.memory_space<vmem>>) semaphore(%arg31 : memref<!tpu.dma_semaphore, #tpu.memory_space<semaphore_mem>>) {add = true}
      %mul3A_334 = arith.constant 4 : i32
      %mul3A_335 = arith.muli %scan3A_264, %mul3A_334 : i32
      %add3A_336 = arith.constant 0 : i32
      %add3A_337 = arith.addi %mul3A_335, %add3A_336 : i32
      %add3A_338 = arith.constant 4 : i32
      %add3A_339 = arith.addi %add3A_337, %add3A_338 : i32
      %lt3A = arith.constant 80 : i32
      %lt3A_340 = arith.cmpi slt, %add3A_339, %lt3A : i32
      %convert_element_type3A_341 = arith.extui %lt3A_340 : i1 to i32
      %cond3A_342 = arith.constant 0 : i32
      %cond3A_343 = arith.cmpi ne, %convert_element_type3A_341, %cond3A_342 : i32
      scf.if %cond3A_343 {
        %add3A_378 = arith.addi %mul3A_169, %add3A_339 : i32
        %sub3A_379 = arith.constant 4 : i32
        %sub3A_380 = arith.subi %add3A_378, %sub3A_379 : i32
        %dma_wait3A_381 = arith.constant 0 : i32
        %dma_wait3A_382 = tpu.memref_slice %arg6[%sub3A_380, %dma_wait3A_381] : memref<160x128xi32, #tpu.memory_space<vmem>> -> memref<1x128xi32, #tpu.memory_space<vmem>>
        %dma_wait3A_383 = tpu.memref_squeeze %dma_wait3A_382 : memref<1x128xi32, #tpu.memory_space<vmem>> -> memref<128xi32, #tpu.memory_space<vmem>>
        %dma_wait3A_384 = arith.constant 0 : i32
        %dma_wait3A_385 = arith.constant 0 : i32
        %dma_wait3A_386 = tpu.memref_slice %arg22[%dma_wait3A_384, %dma_wait3A_385] : memref<10240x16xf32, #tpu.memory_space<vmem_shared>> -> memref<10240x16xf32, #tpu.memory_space<vmem_shared>>
        tpu.wait_indirect_dma semaphore(%arg28 : memref<!tpu.dma_semaphore, #tpu.memory_space<semaphore_mem>>) src(%arg16 : memref<128x16xf32, #tpu.memory_space<vmem>>) dst(%dma_wait3A_386 : memref<10240x16xf32, #tpu.memory_space<vmem_shared>>)
        %dma_start3A_387 = arith.constant 0 : i32
        %dma_start3A_388 = tpu.memref_slice %arg7[%add3A_339, %dma_start3A_387] : memref<80x128xi32, #tpu.memory_space<vmem>> -> memref<1x128xi32, #tpu.memory_space<vmem>>
        %dma_start3A_389 = tpu.memref_squeeze %dma_start3A_388 : memref<1x128xi32, #tpu.memory_space<vmem>> -> memref<128xi32, #tpu.memory_space<vmem>>
        %dma_start3A_390 = arith.constant 0 : i32
        %dma_start3A_391 = arith.constant 0 : i32
        %dma_start3A_392 = tpu.memref_slice %arg21[%dma_start3A_390, %dma_start3A_391] : memref<10240x16xf32, #tpu.memory_space<vmem_shared>> -> memref<10240x16xf32, #tpu.memory_space<vmem_shared>>
        tpu.enqueue_indirect_dma source(%dma_start3A_392 : memref<10240x16xf32, #tpu.memory_space<vmem_shared>>) target(%arg16 : memref<128x16xf32, #tpu.memory_space<vmem>>) offsets(%dma_start3A_389 : memref<128xi32, #tpu.memory_space<vmem>>) semaphore(%arg24 : memref<!tpu.dma_semaphore, #tpu.memory_space<semaphore_mem>>)
      } else {
      }
      %mul3A_344 = arith.constant 4 : i32
      %mul3A_345 = arith.muli %scan3A_264, %mul3A_344 : i32
      %add3A_346 = arith.constant 1 : i32
      %add3A_347 = arith.addi %mul3A_345, %add3A_346 : i32
      %add3A_348 = arith.constant 4 : i32
      %add3A_349 = arith.addi %add3A_347, %add3A_348 : i32
      %lt3A_350 = arith.constant 80 : i32
      %lt3A_351 = arith.cmpi slt, %add3A_349, %lt3A_350 : i32
      %convert_element_type3A_352 = arith.extui %lt3A_351 : i1 to i32
      %cond3A_353 = arith.constant 0 : i32
      %cond3A_354 = arith.cmpi ne, %convert_element_type3A_352, %cond3A_353 : i32
      scf.if %cond3A_354 {
        %add3A_378 = arith.addi %mul3A_169, %add3A_349 : i32
        %sub3A_379 = arith.constant 4 : i32
        %sub3A_380 = arith.subi %add3A_378, %sub3A_379 : i32
        %dma_wait3A_381 = arith.constant 0 : i32
        %dma_wait3A_382 = tpu.memref_slice %arg6[%sub3A_380, %dma_wait3A_381] : memref<160x128xi32, #tpu.memory_space<vmem>> -> memref<1x128xi32, #tpu.memory_space<vmem>>
        %dma_wait3A_383 = tpu.memref_squeeze %dma_wait3A_382 : memref<1x128xi32, #tpu.memory_space<vmem>> -> memref<128xi32, #tpu.memory_space<vmem>>
        %dma_wait3A_384 = arith.constant 0 : i32
        %dma_wait3A_385 = arith.constant 0 : i32
        %dma_wait3A_386 = tpu.memref_slice %arg22[%dma_wait3A_384, %dma_wait3A_385] : memref<10240x16xf32, #tpu.memory_space<vmem_shared>> -> memref<10240x16xf32, #tpu.memory_space<vmem_shared>>
        tpu.wait_indirect_dma semaphore(%arg29 : memref<!tpu.dma_semaphore, #tpu.memory_space<semaphore_mem>>) src(%arg17 : memref<128x16xf32, #tpu.memory_space<vmem>>) dst(%dma_wait3A_386 : memref<10240x16xf32, #tpu.memory_space<vmem_shared>>)
        %dma_start3A_387 = arith.constant 0 : i32
        %dma_start3A_388 = tpu.memref_slice %arg7[%add3A_349, %dma_start3A_387] : memref<80x128xi32, #tpu.memory_space<vmem>> -> memref<1x128xi32, #tpu.memory_space<vmem>>
        %dma_start3A_389 = tpu.memref_squeeze %dma_start3A_388 : memref<1x128xi32, #tpu.memory_space<vmem>> -> memref<128xi32, #tpu.memory_space<vmem>>
        %dma_start3A_390 = arith.constant 0 : i32
        %dma_start3A_391 = arith.constant 0 : i32
        %dma_start3A_392 = tpu.memref_slice %arg21[%dma_start3A_390, %dma_start3A_391] : memref<10240x16xf32, #tpu.memory_space<vmem_shared>> -> memref<10240x16xf32, #tpu.memory_space<vmem_shared>>
        tpu.enqueue_indirect_dma source(%dma_start3A_392 : memref<10240x16xf32, #tpu.memory_space<vmem_shared>>) target(%arg17 : memref<128x16xf32, #tpu.memory_space<vmem>>) offsets(%dma_start3A_389 : memref<128xi32, #tpu.memory_space<vmem>>) semaphore(%arg25 : memref<!tpu.dma_semaphore, #tpu.memory_space<semaphore_mem>>)
      } else {
      }
      %mul3A_355 = arith.constant 4 : i32
      %mul3A_356 = arith.muli %scan3A_264, %mul3A_355 : i32
      %add3A_357 = arith.constant 2 : i32
      %add3A_358 = arith.addi %mul3A_356, %add3A_357 : i32
      %add3A_359 = arith.constant 4 : i32
      %add3A_360 = arith.addi %add3A_358, %add3A_359 : i32
      %lt3A_361 = arith.constant 80 : i32
      %lt3A_362 = arith.cmpi slt, %add3A_360, %lt3A_361 : i32
      %convert_element_type3A_363 = arith.extui %lt3A_362 : i1 to i32
      %cond3A_364 = arith.constant 0 : i32
      %cond3A_365 = arith.cmpi ne, %convert_element_type3A_363, %cond3A_364 : i32
      scf.if %cond3A_365 {
        %add3A_378 = arith.addi %mul3A_169, %add3A_360 : i32
        %sub3A_379 = arith.constant 4 : i32
        %sub3A_380 = arith.subi %add3A_378, %sub3A_379 : i32
        %dma_wait3A_381 = arith.constant 0 : i32
        %dma_wait3A_382 = tpu.memref_slice %arg6[%sub3A_380, %dma_wait3A_381] : memref<160x128xi32, #tpu.memory_space<vmem>> -> memref<1x128xi32, #tpu.memory_space<vmem>>
        %dma_wait3A_383 = tpu.memref_squeeze %dma_wait3A_382 : memref<1x128xi32, #tpu.memory_space<vmem>> -> memref<128xi32, #tpu.memory_space<vmem>>
        %dma_wait3A_384 = arith.constant 0 : i32
        %dma_wait3A_385 = arith.constant 0 : i32
        %dma_wait3A_386 = tpu.memref_slice %arg22[%dma_wait3A_384, %dma_wait3A_385] : memref<10240x16xf32, #tpu.memory_space<vmem_shared>> -> memref<10240x16xf32, #tpu.memory_space<vmem_shared>>
        tpu.wait_indirect_dma semaphore(%arg30 : memref<!tpu.dma_semaphore, #tpu.memory_space<semaphore_mem>>) src(%arg18 : memref<128x16xf32, #tpu.memory_space<vmem>>) dst(%dma_wait3A_386 : memref<10240x16xf32, #tpu.memory_space<vmem_shared>>)
        %dma_start3A_387 = arith.constant 0 : i32
        %dma_start3A_388 = tpu.memref_slice %arg7[%add3A_360, %dma_start3A_387] : memref<80x128xi32, #tpu.memory_space<vmem>> -> memref<1x128xi32, #tpu.memory_space<vmem>>
        %dma_start3A_389 = tpu.memref_squeeze %dma_start3A_388 : memref<1x128xi32, #tpu.memory_space<vmem>> -> memref<128xi32, #tpu.memory_space<vmem>>
        %dma_start3A_390 = arith.constant 0 : i32
        %dma_start3A_391 = arith.constant 0 : i32
        %dma_start3A_392 = tpu.memref_slice %arg21[%dma_start3A_390, %dma_start3A_391] : memref<10240x16xf32, #tpu.memory_space<vmem_shared>> -> memref<10240x16xf32, #tpu.memory_space<vmem_shared>>
        tpu.enqueue_indirect_dma source(%dma_start3A_392 : memref<10240x16xf32, #tpu.memory_space<vmem_shared>>) target(%arg18 : memref<128x16xf32, #tpu.memory_space<vmem>>) offsets(%dma_start3A_389 : memref<128xi32, #tpu.memory_space<vmem>>) semaphore(%arg26 : memref<!tpu.dma_semaphore, #tpu.memory_space<semaphore_mem>>)
      } else {
      }
      %mul3A_366 = arith.constant 4 : i32
      %mul3A_367 = arith.muli %scan3A_264, %mul3A_366 : i32
      %add3A_368 = arith.constant 3 : i32
      %add3A_369 = arith.addi %mul3A_367, %add3A_368 : i32
      %add3A_370 = arith.constant 4 : i32
      %add3A_371 = arith.addi %add3A_369, %add3A_370 : i32
      %lt3A_372 = arith.constant 80 : i32
      %lt3A_373 = arith.cmpi slt, %add3A_371, %lt3A_372 : i32
      %convert_element_type3A_374 = arith.extui %lt3A_373 : i1 to i32
      %cond3A_375 = arith.constant 0 : i32
      %cond3A_376 = arith.cmpi ne, %convert_element_type3A_374, %cond3A_375 : i32
      scf.if %cond3A_376 {
        %add3A_378 = arith.addi %mul3A_169, %add3A_371 : i32
        %sub3A_379 = arith.constant 4 : i32
        %sub3A_380 = arith.subi %add3A_378, %sub3A_379 : i32
        %dma_wait3A_381 = arith.constant 0 : i32
        %dma_wait3A_382 = tpu.memref_slice %arg6[%sub3A_380, %dma_wait3A_381] : memref<160x128xi32, #tpu.memory_space<vmem>> -> memref<1x128xi32, #tpu.memory_space<vmem>>
        %dma_wait3A_383 = tpu.memref_squeeze %dma_wait3A_382 : memref<1x128xi32, #tpu.memory_space<vmem>> -> memref<128xi32, #tpu.memory_space<vmem>>
        %dma_wait3A_384 = arith.constant 0 : i32
        %dma_wait3A_385 = arith.constant 0 : i32
        %dma_wait3A_386 = tpu.memref_slice %arg22[%dma_wait3A_384, %dma_wait3A_385] : memref<10240x16xf32, #tpu.memory_space<vmem_shared>> -> memref<10240x16xf32, #tpu.memory_space<vmem_shared>>
        tpu.wait_indirect_dma semaphore(%arg31 : memref<!tpu.dma_semaphore, #tpu.memory_space<semaphore_mem>>) src(%arg19 : memref<128x16xf32, #tpu.memory_space<vmem>>) dst(%dma_wait3A_386 : memref<10240x16xf32, #tpu.memory_space<vmem_shared>>)
        %dma_start3A_387 = arith.constant 0 : i32
        %dma_start3A_388 = tpu.memref_slice %arg7[%add3A_371, %dma_start3A_387] : memref<80x128xi32, #tpu.memory_space<vmem>> -> memref<1x128xi32, #tpu.memory_space<vmem>>
        %dma_start3A_389 = tpu.memref_squeeze %dma_start3A_388 : memref<1x128xi32, #tpu.memory_space<vmem>> -> memref<128xi32, #tpu.memory_space<vmem>>
        %dma_start3A_390 = arith.constant 0 : i32
        %dma_start3A_391 = arith.constant 0 : i32
        %dma_start3A_392 = tpu.memref_slice %arg21[%dma_start3A_390, %dma_start3A_391] : memref<10240x16xf32, #tpu.memory_space<vmem_shared>> -> memref<10240x16xf32, #tpu.memory_space<vmem_shared>>
        tpu.enqueue_indirect_dma source(%dma_start3A_392 : memref<10240x16xf32, #tpu.memory_space<vmem_shared>>) target(%arg19 : memref<128x16xf32, #tpu.memory_space<vmem>>) offsets(%dma_start3A_389 : memref<128xi32, #tpu.memory_space<vmem>>) semaphore(%arg27 : memref<!tpu.dma_semaphore, #tpu.memory_space<semaphore_mem>>)
      } else {
      }
      %scan3A_377 = arith.constant 0 : i32
      scf.yield %scan3A_377 : i32
    }
    %scan3A_204 = arith.constant 20 : i32
    %add3A_205 = arith.constant 80 : i32
    %add3A_206 = arith.addi %mul3A_169, %add3A_205 : i32
    %sub3A = arith.constant 4 : i32
    %sub3A_207 = arith.subi %add3A_206, %sub3A : i32
    %add3A_208 = arith.constant 0 : i32
    %add3A_209 = arith.addi %sub3A_207, %add3A_208 : i32
    %dma_wait3A_210 = arith.constant 0 : i32
    %dma_wait3A_211 = tpu.memref_slice %arg6[%add3A_209, %dma_wait3A_210] : memref<160x128xi32, #tpu.memory_space<vmem>> -> memref<1x128xi32, #tpu.memory_space<vmem>>
    %dma_wait3A_212 = tpu.memref_squeeze %dma_wait3A_211 : memref<1x128xi32, #tpu.memory_space<vmem>> -> memref<128xi32, #tpu.memory_space<vmem>>
    %dma_wait3A_213 = arith.constant 0 : i32
    %dma_wait3A_214 = arith.constant 0 : i32
    %dma_wait3A_215 = tpu.memref_slice %arg22[%dma_wait3A_213, %dma_wait3A_214] : memref<10240x16xf32, #tpu.memory_space<vmem_shared>> -> memref<10240x16xf32, #tpu.memory_space<vmem_shared>>
    tpu.wait_indirect_dma semaphore(%arg28 : memref<!tpu.dma_semaphore, #tpu.memory_space<semaphore_mem>>) src(%arg16 : memref<128x16xf32, #tpu.memory_space<vmem>>) dst(%dma_wait3A_215 : memref<10240x16xf32, #tpu.memory_space<vmem_shared>>)
    %add3A_216 = arith.constant 80 : i32
    %add3A_217 = arith.addi %mul3A_169, %add3A_216 : i32
    %sub3A_218 = arith.constant 4 : i32
    %sub3A_219 = arith.subi %add3A_217, %sub3A_218 : i32
    %add3A_220 = arith.constant 1 : i32
    %add3A_221 = arith.addi %sub3A_219, %add3A_220 : i32
    %dma_wait3A_222 = arith.constant 0 : i32
    %dma_wait3A_223 = tpu.memref_slice %arg6[%add3A_221, %dma_wait3A_222] : memref<160x128xi32, #tpu.memory_space<vmem>> -> memref<1x128xi32, #tpu.memory_space<vmem>>
    %dma_wait3A_224 = tpu.memref_squeeze %dma_wait3A_223 : memref<1x128xi32, #tpu.memory_space<vmem>> -> memref<128xi32, #tpu.memory_space<vmem>>
    %dma_wait3A_225 = arith.constant 0 : i32
    %dma_wait3A_226 = arith.constant 0 : i32
    %dma_wait3A_227 = tpu.memref_slice %arg22[%dma_wait3A_225, %dma_wait3A_226] : memref<10240x16xf32, #tpu.memory_space<vmem_shared>> -> memref<10240x16xf32, #tpu.memory_space<vmem_shared>>
    tpu.wait_indirect_dma semaphore(%arg29 : memref<!tpu.dma_semaphore, #tpu.memory_space<semaphore_mem>>) src(%arg17 : memref<128x16xf32, #tpu.memory_space<vmem>>) dst(%dma_wait3A_227 : memref<10240x16xf32, #tpu.memory_space<vmem_shared>>)
    %add3A_228 = arith.constant 80 : i32
    %add3A_229 = arith.addi %mul3A_169, %add3A_228 : i32
    %sub3A_230 = arith.constant 4 : i32
    %sub3A_231 = arith.subi %add3A_229, %sub3A_230 : i32
    %add3A_232 = arith.constant 2 : i32
    %add3A_233 = arith.addi %sub3A_231, %add3A_232 : i32
    %dma_wait3A_234 = arith.constant 0 : i32
    %dma_wait3A_235 = tpu.memref_slice %arg6[%add3A_233, %dma_wait3A_234] : memref<160x128xi32, #tpu.memory_space<vmem>> -> memref<1x128xi32, #tpu.memory_space<vmem>>
    %dma_wait3A_236 = tpu.memref_squeeze %dma_wait3A_235 : memref<1x128xi32, #tpu.memory_space<vmem>> -> memref<128xi32, #tpu.memory_space<vmem>>
    %dma_wait3A_237 = arith.constant 0 : i32
    %dma_wait3A_238 = arith.constant 0 : i32
    %dma_wait3A_239 = tpu.memref_slice %arg22[%dma_wait3A_237, %dma_wait3A_238] : memref<10240x16xf32, #tpu.memory_space<vmem_shared>> -> memref<10240x16xf32, #tpu.memory_space<vmem_shared>>
    tpu.wait_indirect_dma semaphore(%arg30 : memref<!tpu.dma_semaphore, #tpu.memory_space<semaphore_mem>>) src(%arg18 : memref<128x16xf32, #tpu.memory_space<vmem>>) dst(%dma_wait3A_239 : memref<10240x16xf32, #tpu.memory_space<vmem_shared>>)
    %add3A_240 = arith.constant 80 : i32
    %add3A_241 = arith.addi %mul3A_169, %add3A_240 : i32
    %sub3A_242 = arith.constant 4 : i32
    %sub3A_243 = arith.subi %add3A_241, %sub3A_242 : i32
    %add3A_244 = arith.constant 3 : i32
    %add3A_245 = arith.addi %sub3A_243, %add3A_244 : i32
    %dma_wait3A_246 = arith.constant 0 : i32
    %dma_wait3A_247 = tpu.memref_slice %arg6[%add3A_245, %dma_wait3A_246] : memref<160x128xi32, #tpu.memory_space<vmem>> -> memref<1x128xi32, #tpu.memory_space<vmem>>
    %dma_wait3A_248 = tpu.memref_squeeze %dma_wait3A_247 : memref<1x128xi32, #tpu.memory_space<vmem>> -> memref<128xi32, #tpu.memory_space<vmem>>
    %dma_wait3A_249 = arith.constant 0 : i32
    %dma_wait3A_250 = arith.constant 0 : i32
    %dma_wait3A_251 = tpu.memref_slice %arg22[%dma_wait3A_249, %dma_wait3A_250] : memref<10240x16xf32, #tpu.memory_space<vmem_shared>> -> memref<10240x16xf32, #tpu.memory_space<vmem_shared>>
    tpu.wait_indirect_dma semaphore(%arg31 : memref<!tpu.dma_semaphore, #tpu.memory_space<semaphore_mem>>) src(%arg19 : memref<128x16xf32, #tpu.memory_space<vmem>>) dst(%dma_wait3A_251 : memref<10240x16xf32, #tpu.memory_space<vmem_shared>>)
    %barrier3A_252 = arith.constant 0 : index
    tpu.barrier barrier_id(%barrier3A_252)
    "tpu.trace_stop"() : () -> ()
    "tpu.trace_start"() <{level = 10 : i32, message = "phaseD"}> : () -> ()
    %mul3A_253 = arith.constant 640 : i32
    %mul3A_254 = arith.muli %arg1, %mul3A_253 : i32
    "tpu.region"() ({
      %run_scoped3A = tpu.sem_alloc : memref<!tpu.dma_semaphore, #tpu.memory_space<semaphore_mem>>
      %dma_start3A_264 = arith.constant 0 : i32
      %dma_start3A_265 = tpu.memref_slice %arg22[%mul3A_254, %dma_start3A_264] : memref<10240x16xf32, #tpu.memory_space<vmem_shared>> -> memref<640x16xf32, #tpu.memory_space<vmem_shared>>
      %dma_start3A_266 = arith.constant 0 : i32
      %dma_start3A_267 = tpu.memref_slice %arg22[%mul3A_254, %dma_start3A_266] : memref<10240x16xf32, #tpu.memory_space<vmem_shared>> -> memref<640x16xf32, #tpu.memory_space<vmem_shared>>
      tpu.enqueue_dma source(%dma_start3A_267 : memref<640x16xf32, #tpu.memory_space<vmem_shared>>) target(%arg14 : memref<640x16xf32, #tpu.memory_space<vmem>>) target_semaphore(%run_scoped3A : memref<!tpu.dma_semaphore, #tpu.memory_space<semaphore_mem>>)
      %dma_wait3A_268 = arith.constant 0 : i32
      %dma_wait3A_269 = tpu.memref_slice %arg22[%mul3A_254, %dma_wait3A_268] : memref<10240x16xf32, #tpu.memory_space<vmem_shared>> -> memref<640x16xf32, #tpu.memory_space<vmem_shared>>
      %dma_wait3A_270 = arith.constant 0 : i32
      %dma_wait3A_271 = tpu.memref_slice %arg22[%mul3A_254, %dma_wait3A_270] : memref<10240x16xf32, #tpu.memory_space<vmem_shared>> -> memref<640x16xf32, #tpu.memory_space<vmem_shared>>
      tpu.wait_dma2 semaphore(%run_scoped3A : memref<!tpu.dma_semaphore, #tpu.memory_space<semaphore_mem>>) src(%dma_wait3A_271 : memref<640x16xf32, #tpu.memory_space<vmem_shared>>) dst(%arg14 : memref<640x16xf32, #tpu.memory_space<vmem>>)
      tpu.yield
    }) : () -> ()
    %scan3A_255 = arith.constant 0 : i32
    %scan3A_256 = arith.constant 0 : i32
    %scan3A_257 = arith.constant 40 : i32
    %scan3A_258 = arith.addi %scan3A_256, %scan3A_257 : i32
    %scan3A_259 = arith.constant 1 : i32
    %scan3A_260 = scf.for %scan3A_264 = %scan3A_256 to %scan3A_258 step %scan3A_259 iter_args(%scan3A_265 = %scan3A_255) -> (i32)  : i32 {
      %mul3A_266 = arith.constant 16 : i32
      %mul3A_267 = arith.muli %scan3A_264, %mul3A_266 : i32
      %get3A = arith.index_cast %mul3A_267 : i32 to index
      %get3A_268 = tpu.vector_load %arg13[%get3A] {strides = array<i32>} : memref<640xf32, #tpu.memory_space<vmem>>, vector<16xf32>,
      %mul3A_269 = arith.constant 16 : i32
      %mul3A_270 = arith.muli %scan3A_264, %mul3A_269 : i32
      %iota3A = tpu.iota {dimensions = array<i32: 0>} : vector<16xi32>
      %add3A_271 = vector.broadcast %mul3A_270 : i32 to vector<16xi32>
      %add3A_272 = arith.addi %add3A_271, %iota3A : vector<16xi32>
      %broadcast_in_dim3A_273 = arith.constant 0 : i32
      %broadcast_in_dim3A_274 = vector.broadcast %broadcast_in_dim3A_273 : i32 to vector<16xi32>
      %gather3A = tpu.vector_load_idx %arg14[%add3A_272, %broadcast_in_dim3A_274] : memref<640x16xf32, #tpu.memory_space<vmem>>[vector<16xi32>, vector<16xi32>], vector<16xf32>,
      %mul3A_275 = arith.mulf %gather3A, %get3A_268 : vector<16xf32>
      %mul3A_276 = arith.constant 16 : i32
      %mul3A_277 = arith.muli %scan3A_264, %mul3A_276 : i32
      %swap3A_278 = arith.constant 0 : i32
      %swap3A_279 = arith.index_cast %swap3A_278 : i32 to index
      %swap3A_280 = arith.index_cast %mul3A_277 : i32 to index
      %swap3A_281 = tpu.vector_load %arg15[%swap3A_279, %swap3A_280] {strides = array<i32>} : memref<16x640xf32, #tpu.memory_space<vmem>>, vector<16xf32>,
      tpu.vector_store %arg15[%swap3A_279, %swap3A_280], %mul3A_275 {strides = array<i32>} : memref<16x640xf32, #tpu.memory_space<vmem>>, vector<16xf32>,
      %broadcast_in_dim3A_282 = arith.constant 1 : i32
      %broadcast_in_dim3A_283 = vector.broadcast %broadcast_in_dim3A_282 : i32 to vector<16xi32>
      %gather3A_284 = tpu.vector_load_idx %arg14[%add3A_272, %broadcast_in_dim3A_283] : memref<640x16xf32, #tpu.memory_space<vmem>>[vector<16xi32>, vector<16xi32>], vector<16xf32>,
      %mul3A_285 = arith.mulf %gather3A_284, %get3A_268 : vector<16xf32>
      %mul3A_286 = arith.constant 16 : i32
      %mul3A_287 = arith.muli %scan3A_264, %mul3A_286 : i32
      %swap3A_288 = arith.constant 1 : i32
      %swap3A_289 = arith.index_cast %swap3A_288 : i32 to index
      %swap3A_290 = arith.index_cast %mul3A_287 : i32 to index
      %swap3A_291 = tpu.vector_load %arg15[%swap3A_289, %swap3A_290] {strides = array<i32>} : memref<16x640xf32, #tpu.memory_space<vmem>>, vector<16xf32>,
      tpu.vector_store %arg15[%swap3A_289, %swap3A_290], %mul3A_285 {strides = array<i32>} : memref<16x640xf32, #tpu.memory_space<vmem>>, vector<16xf32>,
      %broadcast_in_dim3A_292 = arith.constant 2 : i32
      %broadcast_in_dim3A_293 = vector.broadcast %broadcast_in_dim3A_292 : i32 to vector<16xi32>
      %gather3A_294 = tpu.vector_load_idx %arg14[%add3A_272, %broadcast_in_dim3A_293] : memref<640x16xf32, #tpu.memory_space<vmem>>[vector<16xi32>, vector<16xi32>], vector<16xf32>,
      %mul3A_295 = arith.mulf %gather3A_294, %get3A_268 : vector<16xf32>
      %mul3A_296 = arith.constant 16 : i32
      %mul3A_297 = arith.muli %scan3A_264, %mul3A_296 : i32
      %swap3A_298 = arith.constant 2 : i32
      %swap3A_299 = arith.index_cast %swap3A_298 : i32 to index
      %swap3A_300 = arith.index_cast %mul3A_297 : i32 to index
      %swap3A_301 = tpu.vector_load %arg15[%swap3A_299, %swap3A_300] {strides = array<i32>} : memref<16x640xf32, #tpu.memory_space<vmem>>, vector<16xf32>,
      tpu.vector_store %arg15[%swap3A_299, %swap3A_300], %mul3A_295 {strides = array<i32>} : memref<16x640xf32, #tpu.memory_space<vmem>>, vector<16xf32>,
      %broadcast_in_dim3A_302 = arith.constant 3 : i32
      %broadcast_in_dim3A_303 = vector.broadcast %broadcast_in_dim3A_302 : i32 to vector<16xi32>
      %gather3A_304 = tpu.vector_load_idx %arg14[%add3A_272, %broadcast_in_dim3A_303] : memref<640x16xf32, #tpu.memory_space<vmem>>[vector<16xi32>, vector<16xi32>], vector<16xf32>,
      %mul3A_305 = arith.mulf %gather3A_304, %get3A_268 : vector<16xf32>
      %mul3A_306 = arith.constant 16 : i32
      %mul3A_307 = arith.muli %scan3A_264, %mul3A_306 : i32
      %swap3A_308 = arith.constant 3 : i32
      %swap3A_309 = arith.index_cast %swap3A_308 : i32 to index
      %swap3A_310 = arith.index_cast %mul3A_307 : i32 to index
      %swap3A_311 = tpu.vector_load %arg15[%swap3A_309, %swap3A_310] {strides = array<i32>} : memref<16x640xf32, #tpu.memory_space<vmem>>, vector<16xf32>,
      tpu.vector_store %arg15[%swap3A_309, %swap3A_310], %mul3A_305 {strides = array<i32>} : memref<16x640xf32, #tpu.memory_space<vmem>>, vector<16xf32>,
      %broadcast_in_dim3A_312 = arith.constant 4 : i32
      %broadcast_in_dim3A_313 = vector.broadcast %broadcast_in_dim3A_312 : i32 to vector<16xi32>
      %gather3A_314 = tpu.vector_load_idx %arg14[%add3A_272, %broadcast_in_dim3A_313] : memref<640x16xf32, #tpu.memory_space<vmem>>[vector<16xi32>, vector<16xi32>], vector<16xf32>,
      %mul3A_315 = arith.mulf %gather3A_314, %get3A_268 : vector<16xf32>
      %mul3A_316 = arith.constant 16 : i32
      %mul3A_317 = arith.muli %scan3A_264, %mul3A_316 : i32
      %swap3A_318 = arith.constant 4 : i32
      %swap3A_319 = arith.index_cast %swap3A_318 : i32 to index
      %swap3A_320 = arith.index_cast %mul3A_317 : i32 to index
      %swap3A_321 = tpu.vector_load %arg15[%swap3A_319, %swap3A_320] {strides = array<i32>} : memref<16x640xf32, #tpu.memory_space<vmem>>, vector<16xf32>,
      tpu.vector_store %arg15[%swap3A_319, %swap3A_320], %mul3A_315 {strides = array<i32>} : memref<16x640xf32, #tpu.memory_space<vmem>>, vector<16xf32>,
      %broadcast_in_dim3A_322 = arith.constant 5 : i32
      %broadcast_in_dim3A_323 = vector.broadcast %broadcast_in_dim3A_322 : i32 to vector<16xi32>
      %gather3A_324 = tpu.vector_load_idx %arg14[%add3A_272, %broadcast_in_dim3A_323] : memref<640x16xf32, #tpu.memory_space<vmem>>[vector<16xi32>, vector<16xi32>], vector<16xf32>,
      %mul3A_325 = arith.mulf %gather3A_324, %get3A_268 : vector<16xf32>
      %mul3A_326 = arith.constant 16 : i32
      %mul3A_327 = arith.muli %scan3A_264, %mul3A_326 : i32
      %swap3A_328 = arith.constant 5 : i32
      %swap3A_329 = arith.index_cast %swap3A_328 : i32 to index
      %swap3A_330 = arith.index_cast %mul3A_327 : i32 to index
      %swap3A_331 = tpu.vector_load %arg15[%swap3A_329, %swap3A_330] {strides = array<i32>} : memref<16x640xf32, #tpu.memory_space<vmem>>, vector<16xf32>,
      tpu.vector_store %arg15[%swap3A_329, %swap3A_330], %mul3A_325 {strides = array<i32>} : memref<16x640xf32, #tpu.memory_space<vmem>>, vector<16xf32>,
      %broadcast_in_dim3A_332 = arith.constant 6 : i32
      %broadcast_in_dim3A_333 = vector.broadcast %broadcast_in_dim3A_332 : i32 to vector<16xi32>
      %gather3A_334 = tpu.vector_load_idx %arg14[%add3A_272, %broadcast_in_dim3A_333] : memref<640x16xf32, #tpu.memory_space<vmem>>[vector<16xi32>, vector<16xi32>], vector<16xf32>,
      %mul3A_335 = arith.mulf %gather3A_334, %get3A_268 : vector<16xf32>
      %mul3A_336 = arith.constant 16 : i32
      %mul3A_337 = arith.muli %scan3A_264, %mul3A_336 : i32
      %swap3A_338 = arith.constant 6 : i32
      %swap3A_339 = arith.index_cast %swap3A_338 : i32 to index
      %swap3A_340 = arith.index_cast %mul3A_337 : i32 to index
      %swap3A_341 = tpu.vector_load %arg15[%swap3A_339, %swap3A_340] {strides = array<i32>} : memref<16x640xf32, #tpu.memory_space<vmem>>, vector<16xf32>,
      tpu.vector_store %arg15[%swap3A_339, %swap3A_340], %mul3A_335 {strides = array<i32>} : memref<16x640xf32, #tpu.memory_space<vmem>>, vector<16xf32>,
      %broadcast_in_dim3A_342 = arith.constant 7 : i32
      %broadcast_in_dim3A_343 = vector.broadcast %broadcast_in_dim3A_342 : i32 to vector<16xi32>
      %gather3A_344 = tpu.vector_load_idx %arg14[%add3A_272, %broadcast_in_dim3A_343] : memref<640x16xf32, #tpu.memory_space<vmem>>[vector<16xi32>, vector<16xi32>], vector<16xf32>,
      %mul3A_345 = arith.mulf %gather3A_344, %get3A_268 : vector<16xf32>
      %mul3A_346 = arith.constant 16 : i32
      %mul3A_347 = arith.muli %scan3A_264, %mul3A_346 : i32
      %swap3A_348 = arith.constant 7 : i32
      %swap3A_349 = arith.index_cast %swap3A_348 : i32 to index
      %swap3A_350 = arith.index_cast %mul3A_347 : i32 to index
      %swap3A_351 = tpu.vector_load %arg15[%swap3A_349, %swap3A_350] {strides = array<i32>} : memref<16x640xf32, #tpu.memory_space<vmem>>, vector<16xf32>,
      tpu.vector_store %arg15[%swap3A_349, %swap3A_350], %mul3A_345 {strides = array<i32>} : memref<16x640xf32, #tpu.memory_space<vmem>>, vector<16xf32>,
      %broadcast_in_dim3A_352 = arith.constant 8 : i32
      %broadcast_in_dim3A_353 = vector.broadcast %broadcast_in_dim3A_352 : i32 to vector<16xi32>
      %gather3A_354 = tpu.vector_load_idx %arg14[%add3A_272, %broadcast_in_dim3A_353] : memref<640x16xf32, #tpu.memory_space<vmem>>[vector<16xi32>, vector<16xi32>], vector<16xf32>,
      %mul3A_355 = arith.mulf %gather3A_354, %get3A_268 : vector<16xf32>
      %mul3A_356 = arith.constant 16 : i32
      %mul3A_357 = arith.muli %scan3A_264, %mul3A_356 : i32
      %swap3A_358 = arith.constant 8 : i32
      %swap3A_359 = arith.index_cast %swap3A_358 : i32 to index
      %swap3A_360 = arith.index_cast %mul3A_357 : i32 to index
      %swap3A_361 = tpu.vector_load %arg15[%swap3A_359, %swap3A_360] {strides = array<i32>} : memref<16x640xf32, #tpu.memory_space<vmem>>, vector<16xf32>,
      tpu.vector_store %arg15[%swap3A_359, %swap3A_360], %mul3A_355 {strides = array<i32>} : memref<16x640xf32, #tpu.memory_space<vmem>>, vector<16xf32>,
      %broadcast_in_dim3A_362 = arith.constant 9 : i32
      %broadcast_in_dim3A_363 = vector.broadcast %broadcast_in_dim3A_362 : i32 to vector<16xi32>
      %gather3A_364 = tpu.vector_load_idx %arg14[%add3A_272, %broadcast_in_dim3A_363] : memref<640x16xf32, #tpu.memory_space<vmem>>[vector<16xi32>, vector<16xi32>], vector<16xf32>,
      %mul3A_365 = arith.mulf %gather3A_364, %get3A_268 : vector<16xf32>
      %mul3A_366 = arith.constant 16 : i32
      %mul3A_367 = arith.muli %scan3A_264, %mul3A_366 : i32
      %swap3A_368 = arith.constant 9 : i32
      %swap3A_369 = arith.index_cast %swap3A_368 : i32 to index
      %swap3A_370 = arith.index_cast %mul3A_367 : i32 to index
      %swap3A_371 = tpu.vector_load %arg15[%swap3A_369, %swap3A_370] {strides = array<i32>} : memref<16x640xf32, #tpu.memory_space<vmem>>, vector<16xf32>,
      tpu.vector_store %arg15[%swap3A_369, %swap3A_370], %mul3A_365 {strides = array<i32>} : memref<16x640xf32, #tpu.memory_space<vmem>>, vector<16xf32>,
      %broadcast_in_dim3A_372 = arith.constant 10 : i32
      %broadcast_in_dim3A_373 = vector.broadcast %broadcast_in_dim3A_372 : i32 to vector<16xi32>
      %gather3A_374 = tpu.vector_load_idx %arg14[%add3A_272, %broadcast_in_dim3A_373] : memref<640x16xf32, #tpu.memory_space<vmem>>[vector<16xi32>, vector<16xi32>], vector<16xf32>,
      %mul3A_375 = arith.mulf %gather3A_374, %get3A_268 : vector<16xf32>
      %mul3A_376 = arith.constant 16 : i32
      %mul3A_377 = arith.muli %scan3A_264, %mul3A_376 : i32
      %swap3A_378 = arith.constant 10 : i32
      %swap3A_379 = arith.index_cast %swap3A_378 : i32 to index
      %swap3A_380 = arith.index_cast %mul3A_377 : i32 to index
      %swap3A_381 = tpu.vector_load %arg15[%swap3A_379, %swap3A_380] {strides = array<i32>} : memref<16x640xf32, #tpu.memory_space<vmem>>, vector<16xf32>,
      tpu.vector_store %arg15[%swap3A_379, %swap3A_380], %mul3A_375 {strides = array<i32>} : memref<16x640xf32, #tpu.memory_space<vmem>>, vector<16xf32>,
      %broadcast_in_dim3A_382 = arith.constant 11 : i32
      %broadcast_in_dim3A_383 = vector.broadcast %broadcast_in_dim3A_382 : i32 to vector<16xi32>
      %gather3A_384 = tpu.vector_load_idx %arg14[%add3A_272, %broadcast_in_dim3A_383] : memref<640x16xf32, #tpu.memory_space<vmem>>[vector<16xi32>, vector<16xi32>], vector<16xf32>,
      %mul3A_385 = arith.mulf %gather3A_384, %get3A_268 : vector<16xf32>
      %mul3A_386 = arith.constant 16 : i32
      %mul3A_387 = arith.muli %scan3A_264, %mul3A_386 : i32
      %swap3A_388 = arith.constant 11 : i32
      %swap3A_389 = arith.index_cast %swap3A_388 : i32 to index
      %swap3A_390 = arith.index_cast %mul3A_387 : i32 to index
      %swap3A_391 = tpu.vector_load %arg15[%swap3A_389, %swap3A_390] {strides = array<i32>} : memref<16x640xf32, #tpu.memory_space<vmem>>, vector<16xf32>,
      tpu.vector_store %arg15[%swap3A_389, %swap3A_390], %mul3A_385 {strides = array<i32>} : memref<16x640xf32, #tpu.memory_space<vmem>>, vector<16xf32>,
      %broadcast_in_dim3A_392 = arith.constant 12 : i32
      %broadcast_in_dim3A_393 = vector.broadcast %broadcast_in_dim3A_392 : i32 to vector<16xi32>
      %gather3A_394 = tpu.vector_load_idx %arg14[%add3A_272, %broadcast_in_dim3A_393] : memref<640x16xf32, #tpu.memory_space<vmem>>[vector<16xi32>, vector<16xi32>], vector<16xf32>,
      %mul3A_395 = arith.mulf %gather3A_394, %get3A_268 : vector<16xf32>
      %mul3A_396 = arith.constant 16 : i32
      %mul3A_397 = arith.muli %scan3A_264, %mul3A_396 : i32
      %swap3A_398 = arith.constant 12 : i32
      %swap3A_399 = arith.index_cast %swap3A_398 : i32 to index
      %swap3A_400 = arith.index_cast %mul3A_397 : i32 to index
      %swap3A_401 = tpu.vector_load %arg15[%swap3A_399, %swap3A_400] {strides = array<i32>} : memref<16x640xf32, #tpu.memory_space<vmem>>, vector<16xf32>,
      tpu.vector_store %arg15[%swap3A_399, %swap3A_400], %mul3A_395 {strides = array<i32>} : memref<16x640xf32, #tpu.memory_space<vmem>>, vector<16xf32>,
      %broadcast_in_dim3A_402 = arith.constant 13 : i32
      %broadcast_in_dim3A_403 = vector.broadcast %broadcast_in_dim3A_402 : i32 to vector<16xi32>
      %gather3A_404 = tpu.vector_load_idx %arg14[%add3A_272, %broadcast_in_dim3A_403] : memref<640x16xf32, #tpu.memory_space<vmem>>[vector<16xi32>, vector<16xi32>], vector<16xf32>,
      %mul3A_405 = arith.mulf %gather3A_404, %get3A_268 : vector<16xf32>
      %mul3A_406 = arith.constant 16 : i32
      %mul3A_407 = arith.muli %scan3A_264, %mul3A_406 : i32
      %swap3A_408 = arith.constant 13 : i32
      %swap3A_409 = arith.index_cast %swap3A_408 : i32 to index
      %swap3A_410 = arith.index_cast %mul3A_407 : i32 to index
      %swap3A_411 = tpu.vector_load %arg15[%swap3A_409, %swap3A_410] {strides = array<i32>} : memref<16x640xf32, #tpu.memory_space<vmem>>, vector<16xf32>,
      tpu.vector_store %arg15[%swap3A_409, %swap3A_410], %mul3A_405 {strides = array<i32>} : memref<16x640xf32, #tpu.memory_space<vmem>>, vector<16xf32>,
      %broadcast_in_dim3A_412 = arith.constant 14 : i32
      %broadcast_in_dim3A_413 = vector.broadcast %broadcast_in_dim3A_412 : i32 to vector<16xi32>
      %gather3A_414 = tpu.vector_load_idx %arg14[%add3A_272, %broadcast_in_dim3A_413] : memref<640x16xf32, #tpu.memory_space<vmem>>[vector<16xi32>, vector<16xi32>], vector<16xf32>,
      %mul3A_415 = arith.mulf %gather3A_414, %get3A_268 : vector<16xf32>
      %mul3A_416 = arith.constant 16 : i32
      %mul3A_417 = arith.muli %scan3A_264, %mul3A_416 : i32
      %swap3A_418 = arith.constant 14 : i32
      %swap3A_419 = arith.index_cast %swap3A_418 : i32 to index
      %swap3A_420 = arith.index_cast %mul3A_417 : i32 to index
      %swap3A_421 = tpu.vector_load %arg15[%swap3A_419, %swap3A_420] {strides = array<i32>} : memref<16x640xf32, #tpu.memory_space<vmem>>, vector<16xf32>,
      tpu.vector_store %arg15[%swap3A_419, %swap3A_420], %mul3A_415 {strides = array<i32>} : memref<16x640xf32, #tpu.memory_space<vmem>>, vector<16xf32>,
      %broadcast_in_dim3A_422 = arith.constant 15 : i32
      %broadcast_in_dim3A_423 = vector.broadcast %broadcast_in_dim3A_422 : i32 to vector<16xi32>
      %gather3A_424 = tpu.vector_load_idx %arg14[%add3A_272, %broadcast_in_dim3A_423] : memref<640x16xf32, #tpu.memory_space<vmem>>[vector<16xi32>, vector<16xi32>], vector<16xf32>,
      %mul3A_425 = arith.mulf %gather3A_424, %get3A_268 : vector<16xf32>
      %mul3A_426 = arith.constant 16 : i32
      %mul3A_427 = arith.muli %scan3A_264, %mul3A_426 : i32
      %swap3A_428 = arith.constant 15 : i32
      %swap3A_429 = arith.index_cast %swap3A_428 : i32 to index
      %swap3A_430 = arith.index_cast %mul3A_427 : i32 to index
      %swap3A_431 = tpu.vector_load %arg15[%swap3A_429, %swap3A_430] {strides = array<i32>} : memref<16x640xf32, #tpu.memory_space<vmem>>, vector<16xf32>,
      tpu.vector_store %arg15[%swap3A_429, %swap3A_430], %mul3A_425 {strides = array<i32>} : memref<16x640xf32, #tpu.memory_space<vmem>>, vector<16xf32>,
      %scan3A_432 = arith.constant 0 : i32
      scf.yield %scan3A_432 : i32
    }
    %scan3A_261 = arith.constant 40 : i32
    %mul3A_262 = arith.constant 640 : i32
    %mul3A_263 = arith.muli %arg1, %mul3A_262 : i32
    "tpu.region"() ({
      %run_scoped3A = tpu.sem_alloc : memref<!tpu.dma_semaphore, #tpu.memory_space<semaphore_mem>>
      %dma_start3A_264 = arith.constant 0 : i32
      %dma_start3A_265 = tpu.memref_slice %arg5[%arg0, %dma_start3A_264, %mul3A_263] : memref<2x16x10240xf32, #tpu.memory_space<hbm>> -> memref<1x16x640xf32, #tpu.memory_space<hbm>>
      %dma_start3A_266 = tpu.memref_squeeze %dma_start3A_265 : memref<1x16x640xf32, #tpu.memory_space<hbm>> -> memref<16x640xf32, #tpu.memory_space<hbm>>
      %dma_start3A_267 = arith.constant 0 : i32
      %dma_start3A_268 = tpu.memref_slice %arg5[%arg0, %dma_start3A_267, %mul3A_263] : memref<2x16x10240xf32, #tpu.memory_space<hbm>> -> memref<1x16x640xf32, #tpu.memory_space<hbm>>
      %dma_start3A_269 = tpu.memref_squeeze %dma_start3A_268 : memref<1x16x640xf32, #tpu.memory_space<hbm>> -> memref<16x640xf32, #tpu.memory_space<hbm>>
      tpu.enqueue_dma source(%arg15 : memref<16x640xf32, #tpu.memory_space<vmem>>) target(%dma_start3A_269 : memref<16x640xf32, #tpu.memory_space<hbm>>) target_semaphore(%run_scoped3A : memref<!tpu.dma_semaphore, #tpu.memory_space<semaphore_mem>>)
      %dma_wait3A_270 = arith.constant 0 : i32
      %dma_wait3A_271 = tpu.memref_slice %arg5[%arg0, %dma_wait3A_270, %mul3A_263] : memref<2x16x10240xf32, #tpu.memory_space<hbm>> -> memref<1x16x640xf32, #tpu.memory_space<hbm>>
      %dma_wait3A_272 = tpu.memref_squeeze %dma_wait3A_271 : memref<1x16x640xf32, #tpu.memory_space<hbm>> -> memref<16x640xf32, #tpu.memory_space<hbm>>
      %dma_wait3A_273 = arith.constant 0 : i32
      %dma_wait3A_274 = tpu.memref_slice %arg5[%arg0, %dma_wait3A_273, %mul3A_263] : memref<2x16x10240xf32, #tpu.memory_space<hbm>> -> memref<1x16x640xf32, #tpu.memory_space<hbm>>
      %dma_wait3A_275 = tpu.memref_squeeze %dma_wait3A_274 : memref<1x16x640xf32, #tpu.memory_space<hbm>> -> memref<16x640xf32, #tpu.memory_space<hbm>>
      tpu.wait_dma2 semaphore(%run_scoped3A : memref<!tpu.dma_semaphore, #tpu.memory_space<semaphore_mem>>) src(%arg15 : memref<16x640xf32, #tpu.memory_space<vmem>>) dst(%dma_wait3A_275 : memref<16x640xf32, #tpu.memory_space<hbm>>)
      tpu.yield
    }) : () -> ()
    "tpu.trace_stop"() : () -> ()
    return
  }
}

module attributes {stable_mosaic.version = 14 : i64} {
  func.func @_gru_body(%arg0: i32, %arg1: memref<2x16x1280xf32, #tpu.memory_space<vmem>>, %arg2: memref<16x2xf32, #tpu.memory_space<vmem>>, %arg3: memref<96x16xf32, #tpu.memory_space<vmem>>, %arg4: memref<96x32xf32, #tpu.memory_space<vmem>>, %arg5: memref<96x2xf32, #tpu.memory_space<vmem>>, %arg6: memref<96x1xf32, #tpu.memory_space<vmem>>, %arg7: memref<2x66xf32, #tpu.memory_space<vmem>>, %arg8: memref<2x1280xf32, #tpu.memory_space<vmem>>) attributes {dimension_semantics = [#tpu.dimension_semantics<arbitrary>], iteration_bounds = array<i64: 8>, scalar_prefetch = 0 : i64, scratch_operands = 0 : i64, tpu.core_type = #tpu.core_type<tc>, window_params = [{transform_indices = @transform_0, window_bounds = array<i64: 2, 16, 1280>}, {pipeline_mode = #tpu.pipeline_mode<synchronous>, transform_indices = @transform_1, window_bounds = array<i64: 16, 2>}, {pipeline_mode = #tpu.pipeline_mode<synchronous>, transform_indices = @transform_2, window_bounds = array<i64: 96, 16>}, {pipeline_mode = #tpu.pipeline_mode<synchronous>, transform_indices = @transform_3, window_bounds = array<i64: 96, 32>}, {pipeline_mode = #tpu.pipeline_mode<synchronous>, transform_indices = @transform_4, window_bounds = array<i64: 96, 2>}, {pipeline_mode = #tpu.pipeline_mode<synchronous>, transform_indices = @transform_5, window_bounds = array<i64: 96, 1>}, {pipeline_mode = #tpu.pipeline_mode<synchronous>, transform_indices = @transform_6, window_bounds = array<i64: 2, 66>}, {transform_indices = @transform_7, window_bounds = array<i64: 2, 1280>}]} {
    %get3A = arith.constant 0 : index
    %get3A_0 = arith.constant 0 : index
    %get3A_1 = arith.constant 0 : index
    %get3A_2 = vector.load %arg1[%get3A, %get3A_0, %get3A_1] : memref<2x16x1280xf32, #tpu.memory_space<vmem>>, vector<1x16x1280xf32>
    %get3A_3 = vector.shape_cast %get3A_2 : vector<1x16x1280xf32> to vector<16x1280xf32>
    %get3A_4 = arith.constant 1 : index
    %get3A_5 = arith.constant 0 : index
    %get3A_6 = arith.constant 0 : index
    %get3A_7 = vector.load %arg1[%get3A_4, %get3A_5, %get3A_6] : memref<2x16x1280xf32, #tpu.memory_space<vmem>>, vector<1x16x1280xf32>
    %get3A_8 = vector.shape_cast %get3A_7 : vector<1x16x1280xf32> to vector<16x1280xf32>
    %add3A = arith.addf %get3A_3, %get3A_8 : vector<16x1280xf32>
    %broadcast_in_dim3A = arith.constant 1.000000e+00 : f32
    %broadcast_in_dim3A_9 = vector.broadcast %broadcast_in_dim3A : f32 to vector<1x1280xf32>
    %get3A_10 = arith.constant 0 : index
    %get3A_11 = arith.constant 0 : index
    %get3A_12 = vector.load %arg3[%get3A_10, %get3A_11] : memref<96x16xf32, #tpu.memory_space<vmem>>, vector<96x16xf32>
    %get3A_13 = arith.constant 0 : index
    %get3A_14 = arith.constant 0 : index
    %get3A_15 = vector.load %arg2[%get3A_13, %get3A_14] : memref<16x2xf32, #tpu.memory_space<vmem>>, vector<16x2xf32>
    %dot_general3A = arith.constant dense<0.000000e+00> : vector<96x2xf32>
    %dot_general3A_16 = tpu.matmul %get3A_12, %get3A_15, %dot_general3A {dimension_numbers = #tpu.dot_dimension_numbers<[1], [0], [0], [1], [0, 0, 1, 1], [], []>, transpose_lhs_hint = false} : vector<96x16xf32>, vector<16x2xf32>, vector<96x2xf32> -> vector<96x2xf32>
    %get3A_17 = arith.constant 0 : index
    %get3A_18 = arith.constant 0 : index
    %get3A_19 = vector.load %arg5[%get3A_17, %get3A_18] : memref<96x2xf32, #tpu.memory_space<vmem>>, vector<96x2xf32>
    %add3A_20 = arith.addf %dot_general3A_16, %get3A_19 : vector<96x2xf32>
    %get3A_21 = arith.constant 0 : index
    %get3A_22 = arith.constant 0 : index
    %get3A_23 = vector.load %arg4[%get3A_21, %get3A_22] : memref<96x32xf32, #tpu.memory_space<vmem>>, vector<96x32xf32>
    %get3A_24 = arith.constant 0 : index
    %get3A_25 = arith.constant 0 : index
    %get3A_26 = vector.load %arg6[%get3A_24, %get3A_25] : memref<96x1xf32, #tpu.memory_space<vmem>>, vector<96x1xf32>
    %dot_general3A_27 = arith.constant dense<0.000000e+00> : vector<96x1280xf32>
    %dot_general3A_28 = tpu.matmul %get3A_26, %broadcast_in_dim3A_9, %dot_general3A_27 {dimension_numbers = #tpu.dot_dimension_numbers<[1], [0], [0], [1], [0, 0, 1, 1], [], []>, transpose_lhs_hint = false} : vector<96x1xf32>, vector<1x1280xf32>, vector<96x1280xf32> -> vector<96x1280xf32>
    %broadcast_in_dim3A_29 = arith.constant 0.000000e+00 : f32
    %broadcast_in_dim3A_30 = vector.broadcast %broadcast_in_dim3A_29 : f32 to vector<32x1280xf32>
    %slice3A = vector.extract_strided_slice %add3A {offsets = [0, 0], sizes = [1, 1280], strides = [1, 1]} : vector<16x1280xf32> to vector<1x1280xf32>
    %concatenate3A = tpu.concatenate %slice3A, %broadcast_in_dim3A_9 in 0 : vector<1x1280xf32>, vector<1x1280xf32> -> vector<2x1280xf32>
    %dot_general3A_31 = arith.constant dense<0.000000e+00> : vector<96x1280xf32>
    %dot_general3A_32 = tpu.matmul %add3A_20, %concatenate3A, %dot_general3A_31 {dimension_numbers = #tpu.dot_dimension_numbers<[1], [0], [0], [1], [0, 0, 1, 1], [], []>, transpose_lhs_hint = false} : vector<96x2xf32>, vector<2x1280xf32>, vector<96x1280xf32> -> vector<96x1280xf32>
    %dot_general3A_33 = arith.constant dense<0.000000e+00> : vector<96x1280xf32>
    %dot_general3A_34 = tpu.matmul %get3A_23, %broadcast_in_dim3A_30, %dot_general3A_33 {dimension_numbers = #tpu.dot_dimension_numbers<[1], [0], [0], [1], [0, 0, 1, 1], [], []>, transpose_lhs_hint = false} : vector<96x32xf32>, vector<32x1280xf32>, vector<96x1280xf32> -> vector<96x1280xf32>
    %add3A_35 = arith.addf %dot_general3A_34, %dot_general3A_28 : vector<96x1280xf32>
    %slice3A_36 = vector.extract_strided_slice %dot_general3A_32 {offsets = [0, 0], sizes = [32, 1280], strides = [1, 1]} : vector<96x1280xf32> to vector<32x1280xf32>
    %slice3A_37 = vector.extract_strided_slice %add3A_35 {offsets = [0, 0], sizes = [32, 1280], strides = [1, 1]} : vector<96x1280xf32> to vector<32x1280xf32>
    %add3A_38 = arith.addf %slice3A_36, %slice3A_37 : vector<32x1280xf32>
    %logistic3A = arith.negf %add3A_38 : vector<32x1280xf32>
    %logistic3A_39 = math.exp %logistic3A : vector<32x1280xf32>
    %logistic3A_40 = arith.constant 1.000000e+00 : f32
    %logistic3A_41 = vector.broadcast %logistic3A_40 : f32 to vector<32x1280xf32>
    %logistic3A_42 = arith.addf %logistic3A_41, %logistic3A_39 : vector<32x1280xf32>
    %logistic3A_43 = arith.divf %logistic3A_41, %logistic3A_42 : vector<32x1280xf32>
    %slice3A_44 = vector.extract_strided_slice %dot_general3A_32 {offsets = [32, 0], sizes = [32, 1280], strides = [1, 1]} : vector<96x1280xf32> to vector<32x1280xf32>
    %slice3A_45 = vector.extract_strided_slice %add3A_35 {offsets = [32, 0], sizes = [32, 1280], strides = [1, 1]} : vector<96x1280xf32> to vector<32x1280xf32>
    %add3A_46 = arith.addf %slice3A_44, %slice3A_45 : vector<32x1280xf32>
    %logistic3A_47 = arith.negf %add3A_46 : vector<32x1280xf32>
    %logistic3A_48 = math.exp %logistic3A_47 : vector<32x1280xf32>
    %logistic3A_49 = arith.constant 1.000000e+00 : f32
    %logistic3A_50 = vector.broadcast %logistic3A_49 : f32 to vector<32x1280xf32>
    %logistic3A_51 = arith.addf %logistic3A_50, %logistic3A_48 : vector<32x1280xf32>
    %logistic3A_52 = arith.divf %logistic3A_50, %logistic3A_51 : vector<32x1280xf32>
    %slice3A_53 = vector.extract_strided_slice %dot_general3A_32 {offsets = [64, 0], sizes = [32, 1280], strides = [1, 1]} : vector<96x1280xf32> to vector<32x1280xf32>
    %slice3A_54 = vector.extract_strided_slice %add3A_35 {offsets = [64, 0], sizes = [32, 1280], strides = [1, 1]} : vector<96x1280xf32> to vector<32x1280xf32>
    %mul3A = arith.mulf %logistic3A_43, %slice3A_54 : vector<32x1280xf32>
    %add3A_55 = arith.addf %slice3A_53, %mul3A : vector<32x1280xf32>
    %tanh3A = math.tanh %add3A_55 : vector<32x1280xf32>
    %sub3A = arith.constant 1.000000e+00 : f32
    %sub3A_56 = vector.broadcast %sub3A : f32 to vector<32x1280xf32>
    %sub3A_57 = arith.subf %sub3A_56, %logistic3A_52 : vector<32x1280xf32>
    %mul3A_58 = arith.mulf %sub3A_57, %tanh3A : vector<32x1280xf32>
    %mul3A_59 = arith.mulf %logistic3A_52, %broadcast_in_dim3A_30 : vector<32x1280xf32>
    %add3A_60 = arith.addf %mul3A_58, %mul3A_59 : vector<32x1280xf32>
    %slice3A_61 = vector.extract_strided_slice %add3A {offsets = [1, 0], sizes = [1, 1280], strides = [1, 1]} : vector<16x1280xf32> to vector<1x1280xf32>
    %concatenate3A_62 = tpu.concatenate %slice3A_61, %broadcast_in_dim3A_9 in 0 : vector<1x1280xf32>, vector<1x1280xf32> -> vector<2x1280xf32>
    %dot_general3A_63 = arith.constant dense<0.000000e+00> : vector<96x1280xf32>
    %dot_general3A_64 = tpu.matmul %add3A_20, %concatenate3A_62, %dot_general3A_63 {dimension_numbers = #tpu.dot_dimension_numbers<[1], [0], [0], [1], [0, 0, 1, 1], [], []>, transpose_lhs_hint = false} : vector<96x2xf32>, vector<2x1280xf32>, vector<96x1280xf32> -> vector<96x1280xf32>
    %dot_general3A_65 = arith.constant dense<0.000000e+00> : vector<96x1280xf32>
    %dot_general3A_66 = tpu.matmul %get3A_23, %add3A_60, %dot_general3A_65 {dimension_numbers = #tpu.dot_dimension_numbers<[1], [0], [0], [1], [0, 0, 1, 1], [], []>, transpose_lhs_hint = false} : vector<96x32xf32>, vector<32x1280xf32>, vector<96x1280xf32> -> vector<96x1280xf32>
    %add3A_67 = arith.addf %dot_general3A_66, %dot_general3A_28 : vector<96x1280xf32>
    %slice3A_68 = vector.extract_strided_slice %dot_general3A_64 {offsets = [0, 0], sizes = [32, 1280], strides = [1, 1]} : vector<96x1280xf32> to vector<32x1280xf32>
    %slice3A_69 = vector.extract_strided_slice %add3A_67 {offsets = [0, 0], sizes = [32, 1280], strides = [1, 1]} : vector<96x1280xf32> to vector<32x1280xf32>
    %add3A_70 = arith.addf %slice3A_68, %slice3A_69 : vector<32x1280xf32>
    %logistic3A_71 = arith.negf %add3A_70 : vector<32x1280xf32>
    %logistic3A_72 = math.exp %logistic3A_71 : vector<32x1280xf32>
    %logistic3A_73 = arith.constant 1.000000e+00 : f32
    %logistic3A_74 = vector.broadcast %logistic3A_73 : f32 to vector<32x1280xf32>
    %logistic3A_75 = arith.addf %logistic3A_74, %logistic3A_72 : vector<32x1280xf32>
    %logistic3A_76 = arith.divf %logistic3A_74, %logistic3A_75 : vector<32x1280xf32>
    %slice3A_77 = vector.extract_strided_slice %dot_general3A_64 {offsets = [32, 0], sizes = [32, 1280], strides = [1, 1]} : vector<96x1280xf32> to vector<32x1280xf32>
    %slice3A_78 = vector.extract_strided_slice %add3A_67 {offsets = [32, 0], sizes = [32, 1280], strides = [1, 1]} : vector<96x1280xf32> to vector<32x1280xf32>
    %add3A_79 = arith.addf %slice3A_77, %slice3A_78 : vector<32x1280xf32>
    %logistic3A_80 = arith.negf %add3A_79 : vector<32x1280xf32>
    %logistic3A_81 = math.exp %logistic3A_80 : vector<32x1280xf32>
    %logistic3A_82 = arith.constant 1.000000e+00 : f32
    %logistic3A_83 = vector.broadcast %logistic3A_82 : f32 to vector<32x1280xf32>
    %logistic3A_84 = arith.addf %logistic3A_83, %logistic3A_81 : vector<32x1280xf32>
    %logistic3A_85 = arith.divf %logistic3A_83, %logistic3A_84 : vector<32x1280xf32>
    %slice3A_86 = vector.extract_strided_slice %dot_general3A_64 {offsets = [64, 0], sizes = [32, 1280], strides = [1, 1]} : vector<96x1280xf32> to vector<32x1280xf32>
    %slice3A_87 = vector.extract_strided_slice %add3A_67 {offsets = [64, 0], sizes = [32, 1280], strides = [1, 1]} : vector<96x1280xf32> to vector<32x1280xf32>
    %mul3A_88 = arith.mulf %logistic3A_76, %slice3A_87 : vector<32x1280xf32>
    %add3A_89 = arith.addf %slice3A_86, %mul3A_88 : vector<32x1280xf32>
    %tanh3A_90 = math.tanh %add3A_89 : vector<32x1280xf32>
    %sub3A_91 = arith.constant 1.000000e+00 : f32
    %sub3A_92 = vector.broadcast %sub3A_91 : f32 to vector<32x1280xf32>
    %sub3A_93 = arith.subf %sub3A_92, %logistic3A_85 : vector<32x1280xf32>
    %mul3A_94 = arith.mulf %sub3A_93, %tanh3A_90 : vector<32x1280xf32>
    %mul3A_95 = arith.mulf %logistic3A_85, %add3A_60 : vector<32x1280xf32>
    %add3A_96 = arith.addf %mul3A_94, %mul3A_95 : vector<32x1280xf32>
    %slice3A_97 = vector.extract_strided_slice %add3A {offsets = [2, 0], sizes = [1, 1280], strides = [1, 1]} : vector<16x1280xf32> to vector<1x1280xf32>
    %concatenate3A_98 = tpu.concatenate %slice3A_97, %broadcast_in_dim3A_9 in 0 : vector<1x1280xf32>, vector<1x1280xf32> -> vector<2x1280xf32>
    %dot_general3A_99 = arith.constant dense<0.000000e+00> : vector<96x1280xf32>
    %dot_general3A_100 = tpu.matmul %add3A_20, %concatenate3A_98, %dot_general3A_99 {dimension_numbers = #tpu.dot_dimension_numbers<[1], [0], [0], [1], [0, 0, 1, 1], [], []>, transpose_lhs_hint = false} : vector<96x2xf32>, vector<2x1280xf32>, vector<96x1280xf32> -> vector<96x1280xf32>
    %dot_general3A_101 = arith.constant dense<0.000000e+00> : vector<96x1280xf32>
    %dot_general3A_102 = tpu.matmul %get3A_23, %add3A_96, %dot_general3A_101 {dimension_numbers = #tpu.dot_dimension_numbers<[1], [0], [0], [1], [0, 0, 1, 1], [], []>, transpose_lhs_hint = false} : vector<96x32xf32>, vector<32x1280xf32>, vector<96x1280xf32> -> vector<96x1280xf32>
    %add3A_103 = arith.addf %dot_general3A_102, %dot_general3A_28 : vector<96x1280xf32>
    %slice3A_104 = vector.extract_strided_slice %dot_general3A_100 {offsets = [0, 0], sizes = [32, 1280], strides = [1, 1]} : vector<96x1280xf32> to vector<32x1280xf32>
    %slice3A_105 = vector.extract_strided_slice %add3A_103 {offsets = [0, 0], sizes = [32, 1280], strides = [1, 1]} : vector<96x1280xf32> to vector<32x1280xf32>
    %add3A_106 = arith.addf %slice3A_104, %slice3A_105 : vector<32x1280xf32>
    %logistic3A_107 = arith.negf %add3A_106 : vector<32x1280xf32>
    %logistic3A_108 = math.exp %logistic3A_107 : vector<32x1280xf32>
    %logistic3A_109 = arith.constant 1.000000e+00 : f32
    %logistic3A_110 = vector.broadcast %logistic3A_109 : f32 to vector<32x1280xf32>
    %logistic3A_111 = arith.addf %logistic3A_110, %logistic3A_108 : vector<32x1280xf32>
    %logistic3A_112 = arith.divf %logistic3A_110, %logistic3A_111 : vector<32x1280xf32>
    %slice3A_113 = vector.extract_strided_slice %dot_general3A_100 {offsets = [32, 0], sizes = [32, 1280], strides = [1, 1]} : vector<96x1280xf32> to vector<32x1280xf32>
    %slice3A_114 = vector.extract_strided_slice %add3A_103 {offsets = [32, 0], sizes = [32, 1280], strides = [1, 1]} : vector<96x1280xf32> to vector<32x1280xf32>
    %add3A_115 = arith.addf %slice3A_113, %slice3A_114 : vector<32x1280xf32>
    %logistic3A_116 = arith.negf %add3A_115 : vector<32x1280xf32>
    %logistic3A_117 = math.exp %logistic3A_116 : vector<32x1280xf32>
    %logistic3A_118 = arith.constant 1.000000e+00 : f32
    %logistic3A_119 = vector.broadcast %logistic3A_118 : f32 to vector<32x1280xf32>
    %logistic3A_120 = arith.addf %logistic3A_119, %logistic3A_117 : vector<32x1280xf32>
    %logistic3A_121 = arith.divf %logistic3A_119, %logistic3A_120 : vector<32x1280xf32>
    %slice3A_122 = vector.extract_strided_slice %dot_general3A_100 {offsets = [64, 0], sizes = [32, 1280], strides = [1, 1]} : vector<96x1280xf32> to vector<32x1280xf32>
    %slice3A_123 = vector.extract_strided_slice %add3A_103 {offsets = [64, 0], sizes = [32, 1280], strides = [1, 1]} : vector<96x1280xf32> to vector<32x1280xf32>
    %mul3A_124 = arith.mulf %logistic3A_112, %slice3A_123 : vector<32x1280xf32>
    %add3A_125 = arith.addf %slice3A_122, %mul3A_124 : vector<32x1280xf32>
    %tanh3A_126 = math.tanh %add3A_125 : vector<32x1280xf32>
    %sub3A_127 = arith.constant 1.000000e+00 : f32
    %sub3A_128 = vector.broadcast %sub3A_127 : f32 to vector<32x1280xf32>
    %sub3A_129 = arith.subf %sub3A_128, %logistic3A_121 : vector<32x1280xf32>
    %mul3A_130 = arith.mulf %sub3A_129, %tanh3A_126 : vector<32x1280xf32>
    %mul3A_131 = arith.mulf %logistic3A_121, %add3A_96 : vector<32x1280xf32>
    %add3A_132 = arith.addf %mul3A_130, %mul3A_131 : vector<32x1280xf32>
    %slice3A_133 = vector.extract_strided_slice %add3A {offsets = [3, 0], sizes = [1, 1280], strides = [1, 1]} : vector<16x1280xf32> to vector<1x1280xf32>
    %concatenate3A_134 = tpu.concatenate %slice3A_133, %broadcast_in_dim3A_9 in 0 : vector<1x1280xf32>, vector<1x1280xf32> -> vector<2x1280xf32>
    %dot_general3A_135 = arith.constant dense<0.000000e+00> : vector<96x1280xf32>
    %dot_general3A_136 = tpu.matmul %add3A_20, %concatenate3A_134, %dot_general3A_135 {dimension_numbers = #tpu.dot_dimension_numbers<[1], [0], [0], [1], [0, 0, 1, 1], [], []>, transpose_lhs_hint = false} : vector<96x2xf32>, vector<2x1280xf32>, vector<96x1280xf32> -> vector<96x1280xf32>
    %dot_general3A_137 = arith.constant dense<0.000000e+00> : vector<96x1280xf32>
    %dot_general3A_138 = tpu.matmul %get3A_23, %add3A_132, %dot_general3A_137 {dimension_numbers = #tpu.dot_dimension_numbers<[1], [0], [0], [1], [0, 0, 1, 1], [], []>, transpose_lhs_hint = false} : vector<96x32xf32>, vector<32x1280xf32>, vector<96x1280xf32> -> vector<96x1280xf32>
    %add3A_139 = arith.addf %dot_general3A_138, %dot_general3A_28 : vector<96x1280xf32>
    %slice3A_140 = vector.extract_strided_slice %dot_general3A_136 {offsets = [0, 0], sizes = [32, 1280], strides = [1, 1]} : vector<96x1280xf32> to vector<32x1280xf32>
    %slice3A_141 = vector.extract_strided_slice %add3A_139 {offsets = [0, 0], sizes = [32, 1280], strides = [1, 1]} : vector<96x1280xf32> to vector<32x1280xf32>
    %add3A_142 = arith.addf %slice3A_140, %slice3A_141 : vector<32x1280xf32>
    %logistic3A_143 = arith.negf %add3A_142 : vector<32x1280xf32>
    %logistic3A_144 = math.exp %logistic3A_143 : vector<32x1280xf32>
    %logistic3A_145 = arith.constant 1.000000e+00 : f32
    %logistic3A_146 = vector.broadcast %logistic3A_145 : f32 to vector<32x1280xf32>
    %logistic3A_147 = arith.addf %logistic3A_146, %logistic3A_144 : vector<32x1280xf32>
    %logistic3A_148 = arith.divf %logistic3A_146, %logistic3A_147 : vector<32x1280xf32>
    %slice3A_149 = vector.extract_strided_slice %dot_general3A_136 {offsets = [32, 0], sizes = [32, 1280], strides = [1, 1]} : vector<96x1280xf32> to vector<32x1280xf32>
    %slice3A_150 = vector.extract_strided_slice %add3A_139 {offsets = [32, 0], sizes = [32, 1280], strides = [1, 1]} : vector<96x1280xf32> to vector<32x1280xf32>
    %add3A_151 = arith.addf %slice3A_149, %slice3A_150 : vector<32x1280xf32>
    %logistic3A_152 = arith.negf %add3A_151 : vector<32x1280xf32>
    %logistic3A_153 = math.exp %logistic3A_152 : vector<32x1280xf32>
    %logistic3A_154 = arith.constant 1.000000e+00 : f32
    %logistic3A_155 = vector.broadcast %logistic3A_154 : f32 to vector<32x1280xf32>
    %logistic3A_156 = arith.addf %logistic3A_155, %logistic3A_153 : vector<32x1280xf32>
    %logistic3A_157 = arith.divf %logistic3A_155, %logistic3A_156 : vector<32x1280xf32>
    %slice3A_158 = vector.extract_strided_slice %dot_general3A_136 {offsets = [64, 0], sizes = [32, 1280], strides = [1, 1]} : vector<96x1280xf32> to vector<32x1280xf32>
    %slice3A_159 = vector.extract_strided_slice %add3A_139 {offsets = [64, 0], sizes = [32, 1280], strides = [1, 1]} : vector<96x1280xf32> to vector<32x1280xf32>
    %mul3A_160 = arith.mulf %logistic3A_148, %slice3A_159 : vector<32x1280xf32>
    %add3A_161 = arith.addf %slice3A_158, %mul3A_160 : vector<32x1280xf32>
    %tanh3A_162 = math.tanh %add3A_161 : vector<32x1280xf32>
    %sub3A_163 = arith.constant 1.000000e+00 : f32
    %sub3A_164 = vector.broadcast %sub3A_163 : f32 to vector<32x1280xf32>
    %sub3A_165 = arith.subf %sub3A_164, %logistic3A_157 : vector<32x1280xf32>
    %mul3A_166 = arith.mulf %sub3A_165, %tanh3A_162 : vector<32x1280xf32>
    %mul3A_167 = arith.mulf %logistic3A_157, %add3A_132 : vector<32x1280xf32>
    %add3A_168 = arith.addf %mul3A_166, %mul3A_167 : vector<32x1280xf32>
    %slice3A_169 = vector.extract_strided_slice %add3A {offsets = [4, 0], sizes = [1, 1280], strides = [1, 1]} : vector<16x1280xf32> to vector<1x1280xf32>
    %concatenate3A_170 = tpu.concatenate %slice3A_169, %broadcast_in_dim3A_9 in 0 : vector<1x1280xf32>, vector<1x1280xf32> -> vector<2x1280xf32>
    %dot_general3A_171 = arith.constant dense<0.000000e+00> : vector<96x1280xf32>
    %dot_general3A_172 = tpu.matmul %add3A_20, %concatenate3A_170, %dot_general3A_171 {dimension_numbers = #tpu.dot_dimension_numbers<[1], [0], [0], [1], [0, 0, 1, 1], [], []>, transpose_lhs_hint = false} : vector<96x2xf32>, vector<2x1280xf32>, vector<96x1280xf32> -> vector<96x1280xf32>
    %dot_general3A_173 = arith.constant dense<0.000000e+00> : vector<96x1280xf32>
    %dot_general3A_174 = tpu.matmul %get3A_23, %add3A_168, %dot_general3A_173 {dimension_numbers = #tpu.dot_dimension_numbers<[1], [0], [0], [1], [0, 0, 1, 1], [], []>, transpose_lhs_hint = false} : vector<96x32xf32>, vector<32x1280xf32>, vector<96x1280xf32> -> vector<96x1280xf32>
    %add3A_175 = arith.addf %dot_general3A_174, %dot_general3A_28 : vector<96x1280xf32>
    %slice3A_176 = vector.extract_strided_slice %dot_general3A_172 {offsets = [0, 0], sizes = [32, 1280], strides = [1, 1]} : vector<96x1280xf32> to vector<32x1280xf32>
    %slice3A_177 = vector.extract_strided_slice %add3A_175 {offsets = [0, 0], sizes = [32, 1280], strides = [1, 1]} : vector<96x1280xf32> to vector<32x1280xf32>
    %add3A_178 = arith.addf %slice3A_176, %slice3A_177 : vector<32x1280xf32>
    %logistic3A_179 = arith.negf %add3A_178 : vector<32x1280xf32>
    %logistic3A_180 = math.exp %logistic3A_179 : vector<32x1280xf32>
    %logistic3A_181 = arith.constant 1.000000e+00 : f32
    %logistic3A_182 = vector.broadcast %logistic3A_181 : f32 to vector<32x1280xf32>
    %logistic3A_183 = arith.addf %logistic3A_182, %logistic3A_180 : vector<32x1280xf32>
    %logistic3A_184 = arith.divf %logistic3A_182, %logistic3A_183 : vector<32x1280xf32>
    %slice3A_185 = vector.extract_strided_slice %dot_general3A_172 {offsets = [32, 0], sizes = [32, 1280], strides = [1, 1]} : vector<96x1280xf32> to vector<32x1280xf32>
    %slice3A_186 = vector.extract_strided_slice %add3A_175 {offsets = [32, 0], sizes = [32, 1280], strides = [1, 1]} : vector<96x1280xf32> to vector<32x1280xf32>
    %add3A_187 = arith.addf %slice3A_185, %slice3A_186 : vector<32x1280xf32>
    %logistic3A_188 = arith.negf %add3A_187 : vector<32x1280xf32>
    %logistic3A_189 = math.exp %logistic3A_188 : vector<32x1280xf32>
    %logistic3A_190 = arith.constant 1.000000e+00 : f32
    %logistic3A_191 = vector.broadcast %logistic3A_190 : f32 to vector<32x1280xf32>
    %logistic3A_192 = arith.addf %logistic3A_191, %logistic3A_189 : vector<32x1280xf32>
    %logistic3A_193 = arith.divf %logistic3A_191, %logistic3A_192 : vector<32x1280xf32>
    %slice3A_194 = vector.extract_strided_slice %dot_general3A_172 {offsets = [64, 0], sizes = [32, 1280], strides = [1, 1]} : vector<96x1280xf32> to vector<32x1280xf32>
    %slice3A_195 = vector.extract_strided_slice %add3A_175 {offsets = [64, 0], sizes = [32, 1280], strides = [1, 1]} : vector<96x1280xf32> to vector<32x1280xf32>
    %mul3A_196 = arith.mulf %logistic3A_184, %slice3A_195 : vector<32x1280xf32>
    %add3A_197 = arith.addf %slice3A_194, %mul3A_196 : vector<32x1280xf32>
    %tanh3A_198 = math.tanh %add3A_197 : vector<32x1280xf32>
    %sub3A_199 = arith.constant 1.000000e+00 : f32
    %sub3A_200 = vector.broadcast %sub3A_199 : f32 to vector<32x1280xf32>
    %sub3A_201 = arith.subf %sub3A_200, %logistic3A_193 : vector<32x1280xf32>
    %mul3A_202 = arith.mulf %sub3A_201, %tanh3A_198 : vector<32x1280xf32>
    %mul3A_203 = arith.mulf %logistic3A_193, %add3A_168 : vector<32x1280xf32>
    %add3A_204 = arith.addf %mul3A_202, %mul3A_203 : vector<32x1280xf32>
    %slice3A_205 = vector.extract_strided_slice %add3A {offsets = [5, 0], sizes = [1, 1280], strides = [1, 1]} : vector<16x1280xf32> to vector<1x1280xf32>
    %concatenate3A_206 = tpu.concatenate %slice3A_205, %broadcast_in_dim3A_9 in 0 : vector<1x1280xf32>, vector<1x1280xf32> -> vector<2x1280xf32>
    %dot_general3A_207 = arith.constant dense<0.000000e+00> : vector<96x1280xf32>
    %dot_general3A_208 = tpu.matmul %add3A_20, %concatenate3A_206, %dot_general3A_207 {dimension_numbers = #tpu.dot_dimension_numbers<[1], [0], [0], [1], [0, 0, 1, 1], [], []>, transpose_lhs_hint = false} : vector<96x2xf32>, vector<2x1280xf32>, vector<96x1280xf32> -> vector<96x1280xf32>
    %dot_general3A_209 = arith.constant dense<0.000000e+00> : vector<96x1280xf32>
    %dot_general3A_210 = tpu.matmul %get3A_23, %add3A_204, %dot_general3A_209 {dimension_numbers = #tpu.dot_dimension_numbers<[1], [0], [0], [1], [0, 0, 1, 1], [], []>, transpose_lhs_hint = false} : vector<96x32xf32>, vector<32x1280xf32>, vector<96x1280xf32> -> vector<96x1280xf32>
    %add3A_211 = arith.addf %dot_general3A_210, %dot_general3A_28 : vector<96x1280xf32>
    %slice3A_212 = vector.extract_strided_slice %dot_general3A_208 {offsets = [0, 0], sizes = [32, 1280], strides = [1, 1]} : vector<96x1280xf32> to vector<32x1280xf32>
    %slice3A_213 = vector.extract_strided_slice %add3A_211 {offsets = [0, 0], sizes = [32, 1280], strides = [1, 1]} : vector<96x1280xf32> to vector<32x1280xf32>
    %add3A_214 = arith.addf %slice3A_212, %slice3A_213 : vector<32x1280xf32>
    %logistic3A_215 = arith.negf %add3A_214 : vector<32x1280xf32>
    %logistic3A_216 = math.exp %logistic3A_215 : vector<32x1280xf32>
    %logistic3A_217 = arith.constant 1.000000e+00 : f32
    %logistic3A_218 = vector.broadcast %logistic3A_217 : f32 to vector<32x1280xf32>
    %logistic3A_219 = arith.addf %logistic3A_218, %logistic3A_216 : vector<32x1280xf32>
    %logistic3A_220 = arith.divf %logistic3A_218, %logistic3A_219 : vector<32x1280xf32>
    %slice3A_221 = vector.extract_strided_slice %dot_general3A_208 {offsets = [32, 0], sizes = [32, 1280], strides = [1, 1]} : vector<96x1280xf32> to vector<32x1280xf32>
    %slice3A_222 = vector.extract_strided_slice %add3A_211 {offsets = [32, 0], sizes = [32, 1280], strides = [1, 1]} : vector<96x1280xf32> to vector<32x1280xf32>
    %add3A_223 = arith.addf %slice3A_221, %slice3A_222 : vector<32x1280xf32>
    %logistic3A_224 = arith.negf %add3A_223 : vector<32x1280xf32>
    %logistic3A_225 = math.exp %logistic3A_224 : vector<32x1280xf32>
    %logistic3A_226 = arith.constant 1.000000e+00 : f32
    %logistic3A_227 = vector.broadcast %logistic3A_226 : f32 to vector<32x1280xf32>
    %logistic3A_228 = arith.addf %logistic3A_227, %logistic3A_225 : vector<32x1280xf32>
    %logistic3A_229 = arith.divf %logistic3A_227, %logistic3A_228 : vector<32x1280xf32>
    %slice3A_230 = vector.extract_strided_slice %dot_general3A_208 {offsets = [64, 0], sizes = [32, 1280], strides = [1, 1]} : vector<96x1280xf32> to vector<32x1280xf32>
    %slice3A_231 = vector.extract_strided_slice %add3A_211 {offsets = [64, 0], sizes = [32, 1280], strides = [1, 1]} : vector<96x1280xf32> to vector<32x1280xf32>
    %mul3A_232 = arith.mulf %logistic3A_220, %slice3A_231 : vector<32x1280xf32>
    %add3A_233 = arith.addf %slice3A_230, %mul3A_232 : vector<32x1280xf32>
    %tanh3A_234 = math.tanh %add3A_233 : vector<32x1280xf32>
    %sub3A_235 = arith.constant 1.000000e+00 : f32
    %sub3A_236 = vector.broadcast %sub3A_235 : f32 to vector<32x1280xf32>
    %sub3A_237 = arith.subf %sub3A_236, %logistic3A_229 : vector<32x1280xf32>
    %mul3A_238 = arith.mulf %sub3A_237, %tanh3A_234 : vector<32x1280xf32>
    %mul3A_239 = arith.mulf %logistic3A_229, %add3A_204 : vector<32x1280xf32>
    %add3A_240 = arith.addf %mul3A_238, %mul3A_239 : vector<32x1280xf32>
    %slice3A_241 = vector.extract_strided_slice %add3A {offsets = [6, 0], sizes = [1, 1280], strides = [1, 1]} : vector<16x1280xf32> to vector<1x1280xf32>
    %concatenate3A_242 = tpu.concatenate %slice3A_241, %broadcast_in_dim3A_9 in 0 : vector<1x1280xf32>, vector<1x1280xf32> -> vector<2x1280xf32>
    %dot_general3A_243 = arith.constant dense<0.000000e+00> : vector<96x1280xf32>
    %dot_general3A_244 = tpu.matmul %add3A_20, %concatenate3A_242, %dot_general3A_243 {dimension_numbers = #tpu.dot_dimension_numbers<[1], [0], [0], [1], [0, 0, 1, 1], [], []>, transpose_lhs_hint = false} : vector<96x2xf32>, vector<2x1280xf32>, vector<96x1280xf32> -> vector<96x1280xf32>
    %dot_general3A_245 = arith.constant dense<0.000000e+00> : vector<96x1280xf32>
    %dot_general3A_246 = tpu.matmul %get3A_23, %add3A_240, %dot_general3A_245 {dimension_numbers = #tpu.dot_dimension_numbers<[1], [0], [0], [1], [0, 0, 1, 1], [], []>, transpose_lhs_hint = false} : vector<96x32xf32>, vector<32x1280xf32>, vector<96x1280xf32> -> vector<96x1280xf32>
    %add3A_247 = arith.addf %dot_general3A_246, %dot_general3A_28 : vector<96x1280xf32>
    %slice3A_248 = vector.extract_strided_slice %dot_general3A_244 {offsets = [0, 0], sizes = [32, 1280], strides = [1, 1]} : vector<96x1280xf32> to vector<32x1280xf32>
    %slice3A_249 = vector.extract_strided_slice %add3A_247 {offsets = [0, 0], sizes = [32, 1280], strides = [1, 1]} : vector<96x1280xf32> to vector<32x1280xf32>
    %add3A_250 = arith.addf %slice3A_248, %slice3A_249 : vector<32x1280xf32>
    %logistic3A_251 = arith.negf %add3A_250 : vector<32x1280xf32>
    %logistic3A_252 = math.exp %logistic3A_251 : vector<32x1280xf32>
    %logistic3A_253 = arith.constant 1.000000e+00 : f32
    %logistic3A_254 = vector.broadcast %logistic3A_253 : f32 to vector<32x1280xf32>
    %logistic3A_255 = arith.addf %logistic3A_254, %logistic3A_252 : vector<32x1280xf32>
    %logistic3A_256 = arith.divf %logistic3A_254, %logistic3A_255 : vector<32x1280xf32>
    %slice3A_257 = vector.extract_strided_slice %dot_general3A_244 {offsets = [32, 0], sizes = [32, 1280], strides = [1, 1]} : vector<96x1280xf32> to vector<32x1280xf32>
    %slice3A_258 = vector.extract_strided_slice %add3A_247 {offsets = [32, 0], sizes = [32, 1280], strides = [1, 1]} : vector<96x1280xf32> to vector<32x1280xf32>
    %add3A_259 = arith.addf %slice3A_257, %slice3A_258 : vector<32x1280xf32>
    %logistic3A_260 = arith.negf %add3A_259 : vector<32x1280xf32>
    %logistic3A_261 = math.exp %logistic3A_260 : vector<32x1280xf32>
    %logistic3A_262 = arith.constant 1.000000e+00 : f32
    %logistic3A_263 = vector.broadcast %logistic3A_262 : f32 to vector<32x1280xf32>
    %logistic3A_264 = arith.addf %logistic3A_263, %logistic3A_261 : vector<32x1280xf32>
    %logistic3A_265 = arith.divf %logistic3A_263, %logistic3A_264 : vector<32x1280xf32>
    %slice3A_266 = vector.extract_strided_slice %dot_general3A_244 {offsets = [64, 0], sizes = [32, 1280], strides = [1, 1]} : vector<96x1280xf32> to vector<32x1280xf32>
    %slice3A_267 = vector.extract_strided_slice %add3A_247 {offsets = [64, 0], sizes = [32, 1280], strides = [1, 1]} : vector<96x1280xf32> to vector<32x1280xf32>
    %mul3A_268 = arith.mulf %logistic3A_256, %slice3A_267 : vector<32x1280xf32>
    %add3A_269 = arith.addf %slice3A_266, %mul3A_268 : vector<32x1280xf32>
    %tanh3A_270 = math.tanh %add3A_269 : vector<32x1280xf32>
    %sub3A_271 = arith.constant 1.000000e+00 : f32
    %sub3A_272 = vector.broadcast %sub3A_271 : f32 to vector<32x1280xf32>
    %sub3A_273 = arith.subf %sub3A_272, %logistic3A_265 : vector<32x1280xf32>
    %mul3A_274 = arith.mulf %sub3A_273, %tanh3A_270 : vector<32x1280xf32>
    %mul3A_275 = arith.mulf %logistic3A_265, %add3A_240 : vector<32x1280xf32>
    %add3A_276 = arith.addf %mul3A_274, %mul3A_275 : vector<32x1280xf32>
    %slice3A_277 = vector.extract_strided_slice %add3A {offsets = [7, 0], sizes = [1, 1280], strides = [1, 1]} : vector<16x1280xf32> to vector<1x1280xf32>
    %concatenate3A_278 = tpu.concatenate %slice3A_277, %broadcast_in_dim3A_9 in 0 : vector<1x1280xf32>, vector<1x1280xf32> -> vector<2x1280xf32>
    %dot_general3A_279 = arith.constant dense<0.000000e+00> : vector<96x1280xf32>
    %dot_general3A_280 = tpu.matmul %add3A_20, %concatenate3A_278, %dot_general3A_279 {dimension_numbers = #tpu.dot_dimension_numbers<[1], [0], [0], [1], [0, 0, 1, 1], [], []>, transpose_lhs_hint = false} : vector<96x2xf32>, vector<2x1280xf32>, vector<96x1280xf32> -> vector<96x1280xf32>
    %dot_general3A_281 = arith.constant dense<0.000000e+00> : vector<96x1280xf32>
    %dot_general3A_282 = tpu.matmul %get3A_23, %add3A_276, %dot_general3A_281 {dimension_numbers = #tpu.dot_dimension_numbers<[1], [0], [0], [1], [0, 0, 1, 1], [], []>, transpose_lhs_hint = false} : vector<96x32xf32>, vector<32x1280xf32>, vector<96x1280xf32> -> vector<96x1280xf32>
    %add3A_283 = arith.addf %dot_general3A_282, %dot_general3A_28 : vector<96x1280xf32>
    %slice3A_284 = vector.extract_strided_slice %dot_general3A_280 {offsets = [0, 0], sizes = [32, 1280], strides = [1, 1]} : vector<96x1280xf32> to vector<32x1280xf32>
    %slice3A_285 = vector.extract_strided_slice %add3A_283 {offsets = [0, 0], sizes = [32, 1280], strides = [1, 1]} : vector<96x1280xf32> to vector<32x1280xf32>
    %add3A_286 = arith.addf %slice3A_284, %slice3A_285 : vector<32x1280xf32>
    %logistic3A_287 = arith.negf %add3A_286 : vector<32x1280xf32>
    %logistic3A_288 = math.exp %logistic3A_287 : vector<32x1280xf32>
    %logistic3A_289 = arith.constant 1.000000e+00 : f32
    %logistic3A_290 = vector.broadcast %logistic3A_289 : f32 to vector<32x1280xf32>
    %logistic3A_291 = arith.addf %logistic3A_290, %logistic3A_288 : vector<32x1280xf32>
    %logistic3A_292 = arith.divf %logistic3A_290, %logistic3A_291 : vector<32x1280xf32>
    %slice3A_293 = vector.extract_strided_slice %dot_general3A_280 {offsets = [32, 0], sizes = [32, 1280], strides = [1, 1]} : vector<96x1280xf32> to vector<32x1280xf32>
    %slice3A_294 = vector.extract_strided_slice %add3A_283 {offsets = [32, 0], sizes = [32, 1280], strides = [1, 1]} : vector<96x1280xf32> to vector<32x1280xf32>
    %add3A_295 = arith.addf %slice3A_293, %slice3A_294 : vector<32x1280xf32>
    %logistic3A_296 = arith.negf %add3A_295 : vector<32x1280xf32>
    %logistic3A_297 = math.exp %logistic3A_296 : vector<32x1280xf32>
    %logistic3A_298 = arith.constant 1.000000e+00 : f32
    %logistic3A_299 = vector.broadcast %logistic3A_298 : f32 to vector<32x1280xf32>
    %logistic3A_300 = arith.addf %logistic3A_299, %logistic3A_297 : vector<32x1280xf32>
    %logistic3A_301 = arith.divf %logistic3A_299, %logistic3A_300 : vector<32x1280xf32>
    %slice3A_302 = vector.extract_strided_slice %dot_general3A_280 {offsets = [64, 0], sizes = [32, 1280], strides = [1, 1]} : vector<96x1280xf32> to vector<32x1280xf32>
    %slice3A_303 = vector.extract_strided_slice %add3A_283 {offsets = [64, 0], sizes = [32, 1280], strides = [1, 1]} : vector<96x1280xf32> to vector<32x1280xf32>
    %mul3A_304 = arith.mulf %logistic3A_292, %slice3A_303 : vector<32x1280xf32>
    %add3A_305 = arith.addf %slice3A_302, %mul3A_304 : vector<32x1280xf32>
    %tanh3A_306 = math.tanh %add3A_305 : vector<32x1280xf32>
    %sub3A_307 = arith.constant 1.000000e+00 : f32
    %sub3A_308 = vector.broadcast %sub3A_307 : f32 to vector<32x1280xf32>
    %sub3A_309 = arith.subf %sub3A_308, %logistic3A_301 : vector<32x1280xf32>
    %mul3A_310 = arith.mulf %sub3A_309, %tanh3A_306 : vector<32x1280xf32>
    %mul3A_311 = arith.mulf %logistic3A_301, %add3A_276 : vector<32x1280xf32>
    %add3A_312 = arith.addf %mul3A_310, %mul3A_311 : vector<32x1280xf32>
    %broadcast_in_dim3A_313 = arith.constant 0.000000e+00 : f32
    %broadcast_in_dim3A_314 = vector.broadcast %broadcast_in_dim3A_313 : f32 to vector<32x1280xf32>
    %slice3A_315 = vector.extract_strided_slice %add3A {offsets = [8, 0], sizes = [1, 1280], strides = [1, 1]} : vector<16x1280xf32> to vector<1x1280xf32>
    %concatenate3A_316 = tpu.concatenate %slice3A_315, %broadcast_in_dim3A_9 in 0 : vector<1x1280xf32>, vector<1x1280xf32> -> vector<2x1280xf32>
    %dot_general3A_317 = arith.constant dense<0.000000e+00> : vector<96x1280xf32>
    %dot_general3A_318 = tpu.matmul %add3A_20, %concatenate3A_316, %dot_general3A_317 {dimension_numbers = #tpu.dot_dimension_numbers<[1], [0], [0], [1], [0, 0, 1, 1], [], []>, transpose_lhs_hint = false} : vector<96x2xf32>, vector<2x1280xf32>, vector<96x1280xf32> -> vector<96x1280xf32>
    %dot_general3A_319 = arith.constant dense<0.000000e+00> : vector<96x1280xf32>
    %dot_general3A_320 = tpu.matmul %get3A_23, %broadcast_in_dim3A_314, %dot_general3A_319 {dimension_numbers = #tpu.dot_dimension_numbers<[1], [0], [0], [1], [0, 0, 1, 1], [], []>, transpose_lhs_hint = false} : vector<96x32xf32>, vector<32x1280xf32>, vector<96x1280xf32> -> vector<96x1280xf32>
    %add3A_321 = arith.addf %dot_general3A_320, %dot_general3A_28 : vector<96x1280xf32>
    %slice3A_322 = vector.extract_strided_slice %dot_general3A_318 {offsets = [0, 0], sizes = [32, 1280], strides = [1, 1]} : vector<96x1280xf32> to vector<32x1280xf32>
    %slice3A_323 = vector.extract_strided_slice %add3A_321 {offsets = [0, 0], sizes = [32, 1280], strides = [1, 1]} : vector<96x1280xf32> to vector<32x1280xf32>
    %add3A_324 = arith.addf %slice3A_322, %slice3A_323 : vector<32x1280xf32>
    %logistic3A_325 = arith.negf %add3A_324 : vector<32x1280xf32>
    %logistic3A_326 = math.exp %logistic3A_325 : vector<32x1280xf32>
    %logistic3A_327 = arith.constant 1.000000e+00 : f32
    %logistic3A_328 = vector.broadcast %logistic3A_327 : f32 to vector<32x1280xf32>
    %logistic3A_329 = arith.addf %logistic3A_328, %logistic3A_326 : vector<32x1280xf32>
    %logistic3A_330 = arith.divf %logistic3A_328, %logistic3A_329 : vector<32x1280xf32>
    %slice3A_331 = vector.extract_strided_slice %dot_general3A_318 {offsets = [32, 0], sizes = [32, 1280], strides = [1, 1]} : vector<96x1280xf32> to vector<32x1280xf32>
    %slice3A_332 = vector.extract_strided_slice %add3A_321 {offsets = [32, 0], sizes = [32, 1280], strides = [1, 1]} : vector<96x1280xf32> to vector<32x1280xf32>
    %add3A_333 = arith.addf %slice3A_331, %slice3A_332 : vector<32x1280xf32>
    %logistic3A_334 = arith.negf %add3A_333 : vector<32x1280xf32>
    %logistic3A_335 = math.exp %logistic3A_334 : vector<32x1280xf32>
    %logistic3A_336 = arith.constant 1.000000e+00 : f32
    %logistic3A_337 = vector.broadcast %logistic3A_336 : f32 to vector<32x1280xf32>
    %logistic3A_338 = arith.addf %logistic3A_337, %logistic3A_335 : vector<32x1280xf32>
    %logistic3A_339 = arith.divf %logistic3A_337, %logistic3A_338 : vector<32x1280xf32>
    %slice3A_340 = vector.extract_strided_slice %dot_general3A_318 {offsets = [64, 0], sizes = [32, 1280], strides = [1, 1]} : vector<96x1280xf32> to vector<32x1280xf32>
    %slice3A_341 = vector.extract_strided_slice %add3A_321 {offsets = [64, 0], sizes = [32, 1280], strides = [1, 1]} : vector<96x1280xf32> to vector<32x1280xf32>
    %mul3A_342 = arith.mulf %logistic3A_330, %slice3A_341 : vector<32x1280xf32>
    %add3A_343 = arith.addf %slice3A_340, %mul3A_342 : vector<32x1280xf32>
    %tanh3A_344 = math.tanh %add3A_343 : vector<32x1280xf32>
    %sub3A_345 = arith.constant 1.000000e+00 : f32
    %sub3A_346 = vector.broadcast %sub3A_345 : f32 to vector<32x1280xf32>
    %sub3A_347 = arith.subf %sub3A_346, %logistic3A_339 : vector<32x1280xf32>
    %mul3A_348 = arith.mulf %sub3A_347, %tanh3A_344 : vector<32x1280xf32>
    %mul3A_349 = arith.mulf %logistic3A_339, %broadcast_in_dim3A_314 : vector<32x1280xf32>
    %add3A_350 = arith.addf %mul3A_348, %mul3A_349 : vector<32x1280xf32>
    %slice3A_351 = vector.extract_strided_slice %add3A {offsets = [9, 0], sizes = [1, 1280], strides = [1, 1]} : vector<16x1280xf32> to vector<1x1280xf32>
    %concatenate3A_352 = tpu.concatenate %slice3A_351, %broadcast_in_dim3A_9 in 0 : vector<1x1280xf32>, vector<1x1280xf32> -> vector<2x1280xf32>
    %dot_general3A_353 = arith.constant dense<0.000000e+00> : vector<96x1280xf32>
    %dot_general3A_354 = tpu.matmul %add3A_20, %concatenate3A_352, %dot_general3A_353 {dimension_numbers = #tpu.dot_dimension_numbers<[1], [0], [0], [1], [0, 0, 1, 1], [], []>, transpose_lhs_hint = false} : vector<96x2xf32>, vector<2x1280xf32>, vector<96x1280xf32> -> vector<96x1280xf32>
    %dot_general3A_355 = arith.constant dense<0.000000e+00> : vector<96x1280xf32>
    %dot_general3A_356 = tpu.matmul %get3A_23, %add3A_350, %dot_general3A_355 {dimension_numbers = #tpu.dot_dimension_numbers<[1], [0], [0], [1], [0, 0, 1, 1], [], []>, transpose_lhs_hint = false} : vector<96x32xf32>, vector<32x1280xf32>, vector<96x1280xf32> -> vector<96x1280xf32>
    %add3A_357 = arith.addf %dot_general3A_356, %dot_general3A_28 : vector<96x1280xf32>
    %slice3A_358 = vector.extract_strided_slice %dot_general3A_354 {offsets = [0, 0], sizes = [32, 1280], strides = [1, 1]} : vector<96x1280xf32> to vector<32x1280xf32>
    %slice3A_359 = vector.extract_strided_slice %add3A_357 {offsets = [0, 0], sizes = [32, 1280], strides = [1, 1]} : vector<96x1280xf32> to vector<32x1280xf32>
    %add3A_360 = arith.addf %slice3A_358, %slice3A_359 : vector<32x1280xf32>
    %logistic3A_361 = arith.negf %add3A_360 : vector<32x1280xf32>
    %logistic3A_362 = math.exp %logistic3A_361 : vector<32x1280xf32>
    %logistic3A_363 = arith.constant 1.000000e+00 : f32
    %logistic3A_364 = vector.broadcast %logistic3A_363 : f32 to vector<32x1280xf32>
    %logistic3A_365 = arith.addf %logistic3A_364, %logistic3A_362 : vector<32x1280xf32>
    %logistic3A_366 = arith.divf %logistic3A_364, %logistic3A_365 : vector<32x1280xf32>
    %slice3A_367 = vector.extract_strided_slice %dot_general3A_354 {offsets = [32, 0], sizes = [32, 1280], strides = [1, 1]} : vector<96x1280xf32> to vector<32x1280xf32>
    %slice3A_368 = vector.extract_strided_slice %add3A_357 {offsets = [32, 0], sizes = [32, 1280], strides = [1, 1]} : vector<96x1280xf32> to vector<32x1280xf32>
    %add3A_369 = arith.addf %slice3A_367, %slice3A_368 : vector<32x1280xf32>
    %logistic3A_370 = arith.negf %add3A_369 : vector<32x1280xf32>
    %logistic3A_371 = math.exp %logistic3A_370 : vector<32x1280xf32>
    %logistic3A_372 = arith.constant 1.000000e+00 : f32
    %logistic3A_373 = vector.broadcast %logistic3A_372 : f32 to vector<32x1280xf32>
    %logistic3A_374 = arith.addf %logistic3A_373, %logistic3A_371 : vector<32x1280xf32>
    %logistic3A_375 = arith.divf %logistic3A_373, %logistic3A_374 : vector<32x1280xf32>
    %slice3A_376 = vector.extract_strided_slice %dot_general3A_354 {offsets = [64, 0], sizes = [32, 1280], strides = [1, 1]} : vector<96x1280xf32> to vector<32x1280xf32>
    %slice3A_377 = vector.extract_strided_slice %add3A_357 {offsets = [64, 0], sizes = [32, 1280], strides = [1, 1]} : vector<96x1280xf32> to vector<32x1280xf32>
    %mul3A_378 = arith.mulf %logistic3A_366, %slice3A_377 : vector<32x1280xf32>
    %add3A_379 = arith.addf %slice3A_376, %mul3A_378 : vector<32x1280xf32>
    %tanh3A_380 = math.tanh %add3A_379 : vector<32x1280xf32>
    %sub3A_381 = arith.constant 1.000000e+00 : f32
    %sub3A_382 = vector.broadcast %sub3A_381 : f32 to vector<32x1280xf32>
    %sub3A_383 = arith.subf %sub3A_382, %logistic3A_375 : vector<32x1280xf32>
    %mul3A_384 = arith.mulf %sub3A_383, %tanh3A_380 : vector<32x1280xf32>
    %mul3A_385 = arith.mulf %logistic3A_375, %add3A_350 : vector<32x1280xf32>
    %add3A_386 = arith.addf %mul3A_384, %mul3A_385 : vector<32x1280xf32>
    %slice3A_387 = vector.extract_strided_slice %add3A {offsets = [10, 0], sizes = [1, 1280], strides = [1, 1]} : vector<16x1280xf32> to vector<1x1280xf32>
    %concatenate3A_388 = tpu.concatenate %slice3A_387, %broadcast_in_dim3A_9 in 0 : vector<1x1280xf32>, vector<1x1280xf32> -> vector<2x1280xf32>
    %dot_general3A_389 = arith.constant dense<0.000000e+00> : vector<96x1280xf32>
    %dot_general3A_390 = tpu.matmul %add3A_20, %concatenate3A_388, %dot_general3A_389 {dimension_numbers = #tpu.dot_dimension_numbers<[1], [0], [0], [1], [0, 0, 1, 1], [], []>, transpose_lhs_hint = false} : vector<96x2xf32>, vector<2x1280xf32>, vector<96x1280xf32> -> vector<96x1280xf32>
    %dot_general3A_391 = arith.constant dense<0.000000e+00> : vector<96x1280xf32>
    %dot_general3A_392 = tpu.matmul %get3A_23, %add3A_386, %dot_general3A_391 {dimension_numbers = #tpu.dot_dimension_numbers<[1], [0], [0], [1], [0, 0, 1, 1], [], []>, transpose_lhs_hint = false} : vector<96x32xf32>, vector<32x1280xf32>, vector<96x1280xf32> -> vector<96x1280xf32>
    %add3A_393 = arith.addf %dot_general3A_392, %dot_general3A_28 : vector<96x1280xf32>
    %slice3A_394 = vector.extract_strided_slice %dot_general3A_390 {offsets = [0, 0], sizes = [32, 1280], strides = [1, 1]} : vector<96x1280xf32> to vector<32x1280xf32>
    %slice3A_395 = vector.extract_strided_slice %add3A_393 {offsets = [0, 0], sizes = [32, 1280], strides = [1, 1]} : vector<96x1280xf32> to vector<32x1280xf32>
    %add3A_396 = arith.addf %slice3A_394, %slice3A_395 : vector<32x1280xf32>
    %logistic3A_397 = arith.negf %add3A_396 : vector<32x1280xf32>
    %logistic3A_398 = math.exp %logistic3A_397 : vector<32x1280xf32>
    %logistic3A_399 = arith.constant 1.000000e+00 : f32
    %logistic3A_400 = vector.broadcast %logistic3A_399 : f32 to vector<32x1280xf32>
    %logistic3A_401 = arith.addf %logistic3A_400, %logistic3A_398 : vector<32x1280xf32>
    %logistic3A_402 = arith.divf %logistic3A_400, %logistic3A_401 : vector<32x1280xf32>
    %slice3A_403 = vector.extract_strided_slice %dot_general3A_390 {offsets = [32, 0], sizes = [32, 1280], strides = [1, 1]} : vector<96x1280xf32> to vector<32x1280xf32>
    %slice3A_404 = vector.extract_strided_slice %add3A_393 {offsets = [32, 0], sizes = [32, 1280], strides = [1, 1]} : vector<96x1280xf32> to vector<32x1280xf32>
    %add3A_405 = arith.addf %slice3A_403, %slice3A_404 : vector<32x1280xf32>
    %logistic3A_406 = arith.negf %add3A_405 : vector<32x1280xf32>
    %logistic3A_407 = math.exp %logistic3A_406 : vector<32x1280xf32>
    %logistic3A_408 = arith.constant 1.000000e+00 : f32
    %logistic3A_409 = vector.broadcast %logistic3A_408 : f32 to vector<32x1280xf32>
    %logistic3A_410 = arith.addf %logistic3A_409, %logistic3A_407 : vector<32x1280xf32>
    %logistic3A_411 = arith.divf %logistic3A_409, %logistic3A_410 : vector<32x1280xf32>
    %slice3A_412 = vector.extract_strided_slice %dot_general3A_390 {offsets = [64, 0], sizes = [32, 1280], strides = [1, 1]} : vector<96x1280xf32> to vector<32x1280xf32>
    %slice3A_413 = vector.extract_strided_slice %add3A_393 {offsets = [64, 0], sizes = [32, 1280], strides = [1, 1]} : vector<96x1280xf32> to vector<32x1280xf32>
    %mul3A_414 = arith.mulf %logistic3A_402, %slice3A_413 : vector<32x1280xf32>
    %add3A_415 = arith.addf %slice3A_412, %mul3A_414 : vector<32x1280xf32>
    %tanh3A_416 = math.tanh %add3A_415 : vector<32x1280xf32>
    %sub3A_417 = arith.constant 1.000000e+00 : f32
    %sub3A_418 = vector.broadcast %sub3A_417 : f32 to vector<32x1280xf32>
    %sub3A_419 = arith.subf %sub3A_418, %logistic3A_411 : vector<32x1280xf32>
    %mul3A_420 = arith.mulf %sub3A_419, %tanh3A_416 : vector<32x1280xf32>
    %mul3A_421 = arith.mulf %logistic3A_411, %add3A_386 : vector<32x1280xf32>
    %add3A_422 = arith.addf %mul3A_420, %mul3A_421 : vector<32x1280xf32>
    %slice3A_423 = vector.extract_strided_slice %add3A {offsets = [11, 0], sizes = [1, 1280], strides = [1, 1]} : vector<16x1280xf32> to vector<1x1280xf32>
    %concatenate3A_424 = tpu.concatenate %slice3A_423, %broadcast_in_dim3A_9 in 0 : vector<1x1280xf32>, vector<1x1280xf32> -> vector<2x1280xf32>
    %dot_general3A_425 = arith.constant dense<0.000000e+00> : vector<96x1280xf32>
    %dot_general3A_426 = tpu.matmul %add3A_20, %concatenate3A_424, %dot_general3A_425 {dimension_numbers = #tpu.dot_dimension_numbers<[1], [0], [0], [1], [0, 0, 1, 1], [], []>, transpose_lhs_hint = false} : vector<96x2xf32>, vector<2x1280xf32>, vector<96x1280xf32> -> vector<96x1280xf32>
    %dot_general3A_427 = arith.constant dense<0.000000e+00> : vector<96x1280xf32>
    %dot_general3A_428 = tpu.matmul %get3A_23, %add3A_422, %dot_general3A_427 {dimension_numbers = #tpu.dot_dimension_numbers<[1], [0], [0], [1], [0, 0, 1, 1], [], []>, transpose_lhs_hint = false} : vector<96x32xf32>, vector<32x1280xf32>, vector<96x1280xf32> -> vector<96x1280xf32>
    %add3A_429 = arith.addf %dot_general3A_428, %dot_general3A_28 : vector<96x1280xf32>
    %slice3A_430 = vector.extract_strided_slice %dot_general3A_426 {offsets = [0, 0], sizes = [32, 1280], strides = [1, 1]} : vector<96x1280xf32> to vector<32x1280xf32>
    %slice3A_431 = vector.extract_strided_slice %add3A_429 {offsets = [0, 0], sizes = [32, 1280], strides = [1, 1]} : vector<96x1280xf32> to vector<32x1280xf32>
    %add3A_432 = arith.addf %slice3A_430, %slice3A_431 : vector<32x1280xf32>
    %logistic3A_433 = arith.negf %add3A_432 : vector<32x1280xf32>
    %logistic3A_434 = math.exp %logistic3A_433 : vector<32x1280xf32>
    %logistic3A_435 = arith.constant 1.000000e+00 : f32
    %logistic3A_436 = vector.broadcast %logistic3A_435 : f32 to vector<32x1280xf32>
    %logistic3A_437 = arith.addf %logistic3A_436, %logistic3A_434 : vector<32x1280xf32>
    %logistic3A_438 = arith.divf %logistic3A_436, %logistic3A_437 : vector<32x1280xf32>
    %slice3A_439 = vector.extract_strided_slice %dot_general3A_426 {offsets = [32, 0], sizes = [32, 1280], strides = [1, 1]} : vector<96x1280xf32> to vector<32x1280xf32>
    %slice3A_440 = vector.extract_strided_slice %add3A_429 {offsets = [32, 0], sizes = [32, 1280], strides = [1, 1]} : vector<96x1280xf32> to vector<32x1280xf32>
    %add3A_441 = arith.addf %slice3A_439, %slice3A_440 : vector<32x1280xf32>
    %logistic3A_442 = arith.negf %add3A_441 : vector<32x1280xf32>
    %logistic3A_443 = math.exp %logistic3A_442 : vector<32x1280xf32>
    %logistic3A_444 = arith.constant 1.000000e+00 : f32
    %logistic3A_445 = vector.broadcast %logistic3A_444 : f32 to vector<32x1280xf32>
    %logistic3A_446 = arith.addf %logistic3A_445, %logistic3A_443 : vector<32x1280xf32>
    %logistic3A_447 = arith.divf %logistic3A_445, %logistic3A_446 : vector<32x1280xf32>
    %slice3A_448 = vector.extract_strided_slice %dot_general3A_426 {offsets = [64, 0], sizes = [32, 1280], strides = [1, 1]} : vector<96x1280xf32> to vector<32x1280xf32>
    %slice3A_449 = vector.extract_strided_slice %add3A_429 {offsets = [64, 0], sizes = [32, 1280], strides = [1, 1]} : vector<96x1280xf32> to vector<32x1280xf32>
    %mul3A_450 = arith.mulf %logistic3A_438, %slice3A_449 : vector<32x1280xf32>
    %add3A_451 = arith.addf %slice3A_448, %mul3A_450 : vector<32x1280xf32>
    %tanh3A_452 = math.tanh %add3A_451 : vector<32x1280xf32>
    %sub3A_453 = arith.constant 1.000000e+00 : f32
    %sub3A_454 = vector.broadcast %sub3A_453 : f32 to vector<32x1280xf32>
    %sub3A_455 = arith.subf %sub3A_454, %logistic3A_447 : vector<32x1280xf32>
    %mul3A_456 = arith.mulf %sub3A_455, %tanh3A_452 : vector<32x1280xf32>
    %mul3A_457 = arith.mulf %logistic3A_447, %add3A_422 : vector<32x1280xf32>
    %add3A_458 = arith.addf %mul3A_456, %mul3A_457 : vector<32x1280xf32>
    %slice3A_459 = vector.extract_strided_slice %add3A {offsets = [12, 0], sizes = [1, 1280], strides = [1, 1]} : vector<16x1280xf32> to vector<1x1280xf32>
    %concatenate3A_460 = tpu.concatenate %slice3A_459, %broadcast_in_dim3A_9 in 0 : vector<1x1280xf32>, vector<1x1280xf32> -> vector<2x1280xf32>
    %dot_general3A_461 = arith.constant dense<0.000000e+00> : vector<96x1280xf32>
    %dot_general3A_462 = tpu.matmul %add3A_20, %concatenate3A_460, %dot_general3A_461 {dimension_numbers = #tpu.dot_dimension_numbers<[1], [0], [0], [1], [0, 0, 1, 1], [], []>, transpose_lhs_hint = false} : vector<96x2xf32>, vector<2x1280xf32>, vector<96x1280xf32> -> vector<96x1280xf32>
    %dot_general3A_463 = arith.constant dense<0.000000e+00> : vector<96x1280xf32>
    %dot_general3A_464 = tpu.matmul %get3A_23, %add3A_458, %dot_general3A_463 {dimension_numbers = #tpu.dot_dimension_numbers<[1], [0], [0], [1], [0, 0, 1, 1], [], []>, transpose_lhs_hint = false} : vector<96x32xf32>, vector<32x1280xf32>, vector<96x1280xf32> -> vector<96x1280xf32>
    %add3A_465 = arith.addf %dot_general3A_464, %dot_general3A_28 : vector<96x1280xf32>
    %slice3A_466 = vector.extract_strided_slice %dot_general3A_462 {offsets = [0, 0], sizes = [32, 1280], strides = [1, 1]} : vector<96x1280xf32> to vector<32x1280xf32>
    %slice3A_467 = vector.extract_strided_slice %add3A_465 {offsets = [0, 0], sizes = [32, 1280], strides = [1, 1]} : vector<96x1280xf32> to vector<32x1280xf32>
    %add3A_468 = arith.addf %slice3A_466, %slice3A_467 : vector<32x1280xf32>
    %logistic3A_469 = arith.negf %add3A_468 : vector<32x1280xf32>
    %logistic3A_470 = math.exp %logistic3A_469 : vector<32x1280xf32>
    %logistic3A_471 = arith.constant 1.000000e+00 : f32
    %logistic3A_472 = vector.broadcast %logistic3A_471 : f32 to vector<32x1280xf32>
    %logistic3A_473 = arith.addf %logistic3A_472, %logistic3A_470 : vector<32x1280xf32>
    %logistic3A_474 = arith.divf %logistic3A_472, %logistic3A_473 : vector<32x1280xf32>
    %slice3A_475 = vector.extract_strided_slice %dot_general3A_462 {offsets = [32, 0], sizes = [32, 1280], strides = [1, 1]} : vector<96x1280xf32> to vector<32x1280xf32>
    %slice3A_476 = vector.extract_strided_slice %add3A_465 {offsets = [32, 0], sizes = [32, 1280], strides = [1, 1]} : vector<96x1280xf32> to vector<32x1280xf32>
    %add3A_477 = arith.addf %slice3A_475, %slice3A_476 : vector<32x1280xf32>
    %logistic3A_478 = arith.negf %add3A_477 : vector<32x1280xf32>
    %logistic3A_479 = math.exp %logistic3A_478 : vector<32x1280xf32>
    %logistic3A_480 = arith.constant 1.000000e+00 : f32
    %logistic3A_481 = vector.broadcast %logistic3A_480 : f32 to vector<32x1280xf32>
    %logistic3A_482 = arith.addf %logistic3A_481, %logistic3A_479 : vector<32x1280xf32>
    %logistic3A_483 = arith.divf %logistic3A_481, %logistic3A_482 : vector<32x1280xf32>
    %slice3A_484 = vector.extract_strided_slice %dot_general3A_462 {offsets = [64, 0], sizes = [32, 1280], strides = [1, 1]} : vector<96x1280xf32> to vector<32x1280xf32>
    %slice3A_485 = vector.extract_strided_slice %add3A_465 {offsets = [64, 0], sizes = [32, 1280], strides = [1, 1]} : vector<96x1280xf32> to vector<32x1280xf32>
    %mul3A_486 = arith.mulf %logistic3A_474, %slice3A_485 : vector<32x1280xf32>
    %add3A_487 = arith.addf %slice3A_484, %mul3A_486 : vector<32x1280xf32>
    %tanh3A_488 = math.tanh %add3A_487 : vector<32x1280xf32>
    %sub3A_489 = arith.constant 1.000000e+00 : f32
    %sub3A_490 = vector.broadcast %sub3A_489 : f32 to vector<32x1280xf32>
    %sub3A_491 = arith.subf %sub3A_490, %logistic3A_483 : vector<32x1280xf32>
    %mul3A_492 = arith.mulf %sub3A_491, %tanh3A_488 : vector<32x1280xf32>
    %mul3A_493 = arith.mulf %logistic3A_483, %add3A_458 : vector<32x1280xf32>
    %add3A_494 = arith.addf %mul3A_492, %mul3A_493 : vector<32x1280xf32>
    %slice3A_495 = vector.extract_strided_slice %add3A {offsets = [13, 0], sizes = [1, 1280], strides = [1, 1]} : vector<16x1280xf32> to vector<1x1280xf32>
    %concatenate3A_496 = tpu.concatenate %slice3A_495, %broadcast_in_dim3A_9 in 0 : vector<1x1280xf32>, vector<1x1280xf32> -> vector<2x1280xf32>
    %dot_general3A_497 = arith.constant dense<0.000000e+00> : vector<96x1280xf32>
    %dot_general3A_498 = tpu.matmul %add3A_20, %concatenate3A_496, %dot_general3A_497 {dimension_numbers = #tpu.dot_dimension_numbers<[1], [0], [0], [1], [0, 0, 1, 1], [], []>, transpose_lhs_hint = false} : vector<96x2xf32>, vector<2x1280xf32>, vector<96x1280xf32> -> vector<96x1280xf32>
    %dot_general3A_499 = arith.constant dense<0.000000e+00> : vector<96x1280xf32>
    %dot_general3A_500 = tpu.matmul %get3A_23, %add3A_494, %dot_general3A_499 {dimension_numbers = #tpu.dot_dimension_numbers<[1], [0], [0], [1], [0, 0, 1, 1], [], []>, transpose_lhs_hint = false} : vector<96x32xf32>, vector<32x1280xf32>, vector<96x1280xf32> -> vector<96x1280xf32>
    %add3A_501 = arith.addf %dot_general3A_500, %dot_general3A_28 : vector<96x1280xf32>
    %slice3A_502 = vector.extract_strided_slice %dot_general3A_498 {offsets = [0, 0], sizes = [32, 1280], strides = [1, 1]} : vector<96x1280xf32> to vector<32x1280xf32>
    %slice3A_503 = vector.extract_strided_slice %add3A_501 {offsets = [0, 0], sizes = [32, 1280], strides = [1, 1]} : vector<96x1280xf32> to vector<32x1280xf32>
    %add3A_504 = arith.addf %slice3A_502, %slice3A_503 : vector<32x1280xf32>
    %logistic3A_505 = arith.negf %add3A_504 : vector<32x1280xf32>
    %logistic3A_506 = math.exp %logistic3A_505 : vector<32x1280xf32>
    %logistic3A_507 = arith.constant 1.000000e+00 : f32
    %logistic3A_508 = vector.broadcast %logistic3A_507 : f32 to vector<32x1280xf32>
    %logistic3A_509 = arith.addf %logistic3A_508, %logistic3A_506 : vector<32x1280xf32>
    %logistic3A_510 = arith.divf %logistic3A_508, %logistic3A_509 : vector<32x1280xf32>
    %slice3A_511 = vector.extract_strided_slice %dot_general3A_498 {offsets = [32, 0], sizes = [32, 1280], strides = [1, 1]} : vector<96x1280xf32> to vector<32x1280xf32>
    %slice3A_512 = vector.extract_strided_slice %add3A_501 {offsets = [32, 0], sizes = [32, 1280], strides = [1, 1]} : vector<96x1280xf32> to vector<32x1280xf32>
    %add3A_513 = arith.addf %slice3A_511, %slice3A_512 : vector<32x1280xf32>
    %logistic3A_514 = arith.negf %add3A_513 : vector<32x1280xf32>
    %logistic3A_515 = math.exp %logistic3A_514 : vector<32x1280xf32>
    %logistic3A_516 = arith.constant 1.000000e+00 : f32
    %logistic3A_517 = vector.broadcast %logistic3A_516 : f32 to vector<32x1280xf32>
    %logistic3A_518 = arith.addf %logistic3A_517, %logistic3A_515 : vector<32x1280xf32>
    %logistic3A_519 = arith.divf %logistic3A_517, %logistic3A_518 : vector<32x1280xf32>
    %slice3A_520 = vector.extract_strided_slice %dot_general3A_498 {offsets = [64, 0], sizes = [32, 1280], strides = [1, 1]} : vector<96x1280xf32> to vector<32x1280xf32>
    %slice3A_521 = vector.extract_strided_slice %add3A_501 {offsets = [64, 0], sizes = [32, 1280], strides = [1, 1]} : vector<96x1280xf32> to vector<32x1280xf32>
    %mul3A_522 = arith.mulf %logistic3A_510, %slice3A_521 : vector<32x1280xf32>
    %add3A_523 = arith.addf %slice3A_520, %mul3A_522 : vector<32x1280xf32>
    %tanh3A_524 = math.tanh %add3A_523 : vector<32x1280xf32>
    %sub3A_525 = arith.constant 1.000000e+00 : f32
    %sub3A_526 = vector.broadcast %sub3A_525 : f32 to vector<32x1280xf32>
    %sub3A_527 = arith.subf %sub3A_526, %logistic3A_519 : vector<32x1280xf32>
    %mul3A_528 = arith.mulf %sub3A_527, %tanh3A_524 : vector<32x1280xf32>
    %mul3A_529 = arith.mulf %logistic3A_519, %add3A_494 : vector<32x1280xf32>
    %add3A_530 = arith.addf %mul3A_528, %mul3A_529 : vector<32x1280xf32>
    %slice3A_531 = vector.extract_strided_slice %add3A {offsets = [14, 0], sizes = [1, 1280], strides = [1, 1]} : vector<16x1280xf32> to vector<1x1280xf32>
    %concatenate3A_532 = tpu.concatenate %slice3A_531, %broadcast_in_dim3A_9 in 0 : vector<1x1280xf32>, vector<1x1280xf32> -> vector<2x1280xf32>
    %dot_general3A_533 = arith.constant dense<0.000000e+00> : vector<96x1280xf32>
    %dot_general3A_534 = tpu.matmul %add3A_20, %concatenate3A_532, %dot_general3A_533 {dimension_numbers = #tpu.dot_dimension_numbers<[1], [0], [0], [1], [0, 0, 1, 1], [], []>, transpose_lhs_hint = false} : vector<96x2xf32>, vector<2x1280xf32>, vector<96x1280xf32> -> vector<96x1280xf32>
    %dot_general3A_535 = arith.constant dense<0.000000e+00> : vector<96x1280xf32>
    %dot_general3A_536 = tpu.matmul %get3A_23, %add3A_530, %dot_general3A_535 {dimension_numbers = #tpu.dot_dimension_numbers<[1], [0], [0], [1], [0, 0, 1, 1], [], []>, transpose_lhs_hint = false} : vector<96x32xf32>, vector<32x1280xf32>, vector<96x1280xf32> -> vector<96x1280xf32>
    %add3A_537 = arith.addf %dot_general3A_536, %dot_general3A_28 : vector<96x1280xf32>
    %slice3A_538 = vector.extract_strided_slice %dot_general3A_534 {offsets = [0, 0], sizes = [32, 1280], strides = [1, 1]} : vector<96x1280xf32> to vector<32x1280xf32>
    %slice3A_539 = vector.extract_strided_slice %add3A_537 {offsets = [0, 0], sizes = [32, 1280], strides = [1, 1]} : vector<96x1280xf32> to vector<32x1280xf32>
    %add3A_540 = arith.addf %slice3A_538, %slice3A_539 : vector<32x1280xf32>
    %logistic3A_541 = arith.negf %add3A_540 : vector<32x1280xf32>
    %logistic3A_542 = math.exp %logistic3A_541 : vector<32x1280xf32>
    %logistic3A_543 = arith.constant 1.000000e+00 : f32
    %logistic3A_544 = vector.broadcast %logistic3A_543 : f32 to vector<32x1280xf32>
    %logistic3A_545 = arith.addf %logistic3A_544, %logistic3A_542 : vector<32x1280xf32>
    %logistic3A_546 = arith.divf %logistic3A_544, %logistic3A_545 : vector<32x1280xf32>
    %slice3A_547 = vector.extract_strided_slice %dot_general3A_534 {offsets = [32, 0], sizes = [32, 1280], strides = [1, 1]} : vector<96x1280xf32> to vector<32x1280xf32>
    %slice3A_548 = vector.extract_strided_slice %add3A_537 {offsets = [32, 0], sizes = [32, 1280], strides = [1, 1]} : vector<96x1280xf32> to vector<32x1280xf32>
    %add3A_549 = arith.addf %slice3A_547, %slice3A_548 : vector<32x1280xf32>
    %logistic3A_550 = arith.negf %add3A_549 : vector<32x1280xf32>
    %logistic3A_551 = math.exp %logistic3A_550 : vector<32x1280xf32>
    %logistic3A_552 = arith.constant 1.000000e+00 : f32
    %logistic3A_553 = vector.broadcast %logistic3A_552 : f32 to vector<32x1280xf32>
    %logistic3A_554 = arith.addf %logistic3A_553, %logistic3A_551 : vector<32x1280xf32>
    %logistic3A_555 = arith.divf %logistic3A_553, %logistic3A_554 : vector<32x1280xf32>
    %slice3A_556 = vector.extract_strided_slice %dot_general3A_534 {offsets = [64, 0], sizes = [32, 1280], strides = [1, 1]} : vector<96x1280xf32> to vector<32x1280xf32>
    %slice3A_557 = vector.extract_strided_slice %add3A_537 {offsets = [64, 0], sizes = [32, 1280], strides = [1, 1]} : vector<96x1280xf32> to vector<32x1280xf32>
    %mul3A_558 = arith.mulf %logistic3A_546, %slice3A_557 : vector<32x1280xf32>
    %add3A_559 = arith.addf %slice3A_556, %mul3A_558 : vector<32x1280xf32>
    %tanh3A_560 = math.tanh %add3A_559 : vector<32x1280xf32>
    %sub3A_561 = arith.constant 1.000000e+00 : f32
    %sub3A_562 = vector.broadcast %sub3A_561 : f32 to vector<32x1280xf32>
    %sub3A_563 = arith.subf %sub3A_562, %logistic3A_555 : vector<32x1280xf32>
    %mul3A_564 = arith.mulf %sub3A_563, %tanh3A_560 : vector<32x1280xf32>
    %mul3A_565 = arith.mulf %logistic3A_555, %add3A_530 : vector<32x1280xf32>
    %add3A_566 = arith.addf %mul3A_564, %mul3A_565 : vector<32x1280xf32>
    %slice3A_567 = vector.extract_strided_slice %add3A {offsets = [15, 0], sizes = [1, 1280], strides = [1, 1]} : vector<16x1280xf32> to vector<1x1280xf32>
    %concatenate3A_568 = tpu.concatenate %slice3A_567, %broadcast_in_dim3A_9 in 0 : vector<1x1280xf32>, vector<1x1280xf32> -> vector<2x1280xf32>
    %dot_general3A_569 = arith.constant dense<0.000000e+00> : vector<96x1280xf32>
    %dot_general3A_570 = tpu.matmul %add3A_20, %concatenate3A_568, %dot_general3A_569 {dimension_numbers = #tpu.dot_dimension_numbers<[1], [0], [0], [1], [0, 0, 1, 1], [], []>, transpose_lhs_hint = false} : vector<96x2xf32>, vector<2x1280xf32>, vector<96x1280xf32> -> vector<96x1280xf32>
    %dot_general3A_571 = arith.constant dense<0.000000e+00> : vector<96x1280xf32>
    %dot_general3A_572 = tpu.matmul %get3A_23, %add3A_566, %dot_general3A_571 {dimension_numbers = #tpu.dot_dimension_numbers<[1], [0], [0], [1], [0, 0, 1, 1], [], []>, transpose_lhs_hint = false} : vector<96x32xf32>, vector<32x1280xf32>, vector<96x1280xf32> -> vector<96x1280xf32>
    %add3A_573 = arith.addf %dot_general3A_572, %dot_general3A_28 : vector<96x1280xf32>
    %slice3A_574 = vector.extract_strided_slice %dot_general3A_570 {offsets = [0, 0], sizes = [32, 1280], strides = [1, 1]} : vector<96x1280xf32> to vector<32x1280xf32>
    %slice3A_575 = vector.extract_strided_slice %add3A_573 {offsets = [0, 0], sizes = [32, 1280], strides = [1, 1]} : vector<96x1280xf32> to vector<32x1280xf32>
    %add3A_576 = arith.addf %slice3A_574, %slice3A_575 : vector<32x1280xf32>
    %logistic3A_577 = arith.negf %add3A_576 : vector<32x1280xf32>
    %logistic3A_578 = math.exp %logistic3A_577 : vector<32x1280xf32>
    %logistic3A_579 = arith.constant 1.000000e+00 : f32
    %logistic3A_580 = vector.broadcast %logistic3A_579 : f32 to vector<32x1280xf32>
    %logistic3A_581 = arith.addf %logistic3A_580, %logistic3A_578 : vector<32x1280xf32>
    %logistic3A_582 = arith.divf %logistic3A_580, %logistic3A_581 : vector<32x1280xf32>
    %slice3A_583 = vector.extract_strided_slice %dot_general3A_570 {offsets = [32, 0], sizes = [32, 1280], strides = [1, 1]} : vector<96x1280xf32> to vector<32x1280xf32>
    %slice3A_584 = vector.extract_strided_slice %add3A_573 {offsets = [32, 0], sizes = [32, 1280], strides = [1, 1]} : vector<96x1280xf32> to vector<32x1280xf32>
    %add3A_585 = arith.addf %slice3A_583, %slice3A_584 : vector<32x1280xf32>
    %logistic3A_586 = arith.negf %add3A_585 : vector<32x1280xf32>
    %logistic3A_587 = math.exp %logistic3A_586 : vector<32x1280xf32>
    %logistic3A_588 = arith.constant 1.000000e+00 : f32
    %logistic3A_589 = vector.broadcast %logistic3A_588 : f32 to vector<32x1280xf32>
    %logistic3A_590 = arith.addf %logistic3A_589, %logistic3A_587 : vector<32x1280xf32>
    %logistic3A_591 = arith.divf %logistic3A_589, %logistic3A_590 : vector<32x1280xf32>
    %slice3A_592 = vector.extract_strided_slice %dot_general3A_570 {offsets = [64, 0], sizes = [32, 1280], strides = [1, 1]} : vector<96x1280xf32> to vector<32x1280xf32>
    %slice3A_593 = vector.extract_strided_slice %add3A_573 {offsets = [64, 0], sizes = [32, 1280], strides = [1, 1]} : vector<96x1280xf32> to vector<32x1280xf32>
    %mul3A_594 = arith.mulf %logistic3A_582, %slice3A_593 : vector<32x1280xf32>
    %add3A_595 = arith.addf %slice3A_592, %mul3A_594 : vector<32x1280xf32>
    %tanh3A_596 = math.tanh %add3A_595 : vector<32x1280xf32>
    %sub3A_597 = arith.constant 1.000000e+00 : f32
    %sub3A_598 = vector.broadcast %sub3A_597 : f32 to vector<32x1280xf32>
    %sub3A_599 = arith.subf %sub3A_598, %logistic3A_591 : vector<32x1280xf32>
    %mul3A_600 = arith.mulf %sub3A_599, %tanh3A_596 : vector<32x1280xf32>
    %mul3A_601 = arith.mulf %logistic3A_591, %add3A_566 : vector<32x1280xf32>
    %add3A_602 = arith.addf %mul3A_600, %mul3A_601 : vector<32x1280xf32>
    %concatenate3A_603 = tpu.concatenate %add3A_312, %broadcast_in_dim3A_9, %add3A_602, %broadcast_in_dim3A_9 in 0 : vector<32x1280xf32>, vector<1x1280xf32>, vector<32x1280xf32>, vector<1x1280xf32> -> vector<66x1280xf32>
    %get3A_604 = arith.constant 0 : index
    %get3A_605 = arith.constant 0 : index
    %get3A_606 = vector.load %arg7[%get3A_604, %get3A_605] : memref<2x66xf32, #tpu.memory_space<vmem>>, vector<2x66xf32>
    %dot_general3A_607 = arith.constant dense<0.000000e+00> : vector<2x1280xf32>
    %dot_general3A_608 = tpu.matmul %get3A_606, %concatenate3A_603, %dot_general3A_607 {dimension_numbers = #tpu.dot_dimension_numbers<[1], [0], [0], [1], [0, 0, 1, 1], [], []>, transpose_lhs_hint = false} : vector<2x66xf32>, vector<66x1280xf32>, vector<2x1280xf32> -> vector<2x1280xf32>
    %swap3A = arith.constant 0 : index
    %swap3A_609 = arith.constant 0 : index
    %swap3A_610 = vector.load %arg8[%swap3A, %swap3A_609] : memref<2x1280xf32, #tpu.memory_space<vmem>>, vector<2x1280xf32>
    tpu.vector_store %arg8[%swap3A, %swap3A_609], %dot_general3A_608 {strides = array<i32>} : memref<2x1280xf32, #tpu.memory_space<vmem>>, vector<2x1280xf32>,
    return
  }
  func.func @transform_0(%arg0: i32) -> (i32, i32, i32) {
    %c0_i32 = arith.constant 0 : i32
    %c0_i32_0 = arith.constant 0 : i32
    %c0_i32_1 = arith.constant 0 : i32
    return %c0_i32, %c0_i32_0, %arg0 : i32, i32, i32
  }
  func.func @transform_1(%arg0: i32) -> (i32, i32) {
    %c0_i32 = arith.constant 0 : i32
    %c0_i32_0 = arith.constant 0 : i32
    %c0_i32_1 = arith.constant 0 : i32
    return %c0_i32, %c0_i32_0 : i32, i32
  }
  func.func @transform_2(%arg0: i32) -> (i32, i32) {
    %c0_i32 = arith.constant 0 : i32
    %c0_i32_0 = arith.constant 0 : i32
    %c0_i32_1 = arith.constant 0 : i32
    return %c0_i32, %c0_i32_0 : i32, i32
  }
  func.func @transform_3(%arg0: i32) -> (i32, i32) {
    %c0_i32 = arith.constant 0 : i32
    %c0_i32_0 = arith.constant 0 : i32
    %c0_i32_1 = arith.constant 0 : i32
    return %c0_i32, %c0_i32_0 : i32, i32
  }
  func.func @transform_4(%arg0: i32) -> (i32, i32) {
    %c0_i32 = arith.constant 0 : i32
    %c0_i32_0 = arith.constant 0 : i32
    %c0_i32_1 = arith.constant 0 : i32
    return %c0_i32, %c0_i32_0 : i32, i32
  }
  func.func @transform_5(%arg0: i32) -> (i32, i32) {
    %c0_i32 = arith.constant 0 : i32
    %c0_i32_0 = arith.constant 0 : i32
    %c0_i32_1 = arith.constant 0 : i32
    return %c0_i32, %c0_i32_0 : i32, i32
  }
  func.func @transform_6(%arg0: i32) -> (i32, i32) {
    %c0_i32 = arith.constant 0 : i32
    %c0_i32_0 = arith.constant 0 : i32
    %c0_i32_1 = arith.constant 0 : i32
    return %c0_i32, %c0_i32_0 : i32, i32
  }
  func.func @transform_7(%arg0: i32) -> (i32, i32) {
    %c0_i32 = arith.constant 0 : i32
    %c0_i32_0 = arith.constant 0 : i32
    return %c0_i32, %arg0 : i32, i32
  }
}

</mosaic_0001>

<sc_bundles>
// kernel: kernel.4.cloned.1.call-start
scs
__scs_entry_jumppad:
0x0: {  	(pc) =	sbr.rel $0x88, $3  }
0x1: {  	(tag) =	ssettag $0x0;
	lr =	simm.s32 $0x1  }
0x2: {  	[smem:$0x3F97] =	sst lr;
	_ =	strace $0xD0000000  }
0x3: {  	_ = 	snop  }
0x4: {  	_ = 	snop  }
0x5: {  	_ = 	snop  }
0x6: {  	_ = 	snop  }
0x7: {  	_ = 	snop  }
__scs_overlays_trampoline_lowered:
0x8: {  	[smem:$0x3FA6] =	sst s0  }
0x9: {  	[smem:$0x3FA7] =	sst s1  }
0xa: {  	[smem:$0x3FA8] =	sst s2  }
0xb: {  	[smem:$0x3FA9] =	sst s3  }
0xc: {  	[smem:$0x3FAA] =	sst s4  }
0xd: {  	[smem:$0x3FAB] =	sst s5  }
0xe: {  	[smem:$0x3FAC] =	sst s6  }
0xf: {  	[smem:$0x3FAD] =	sst s7  }
0x10: {  	[smem:$0x3FAE] =	sst s8  }
0x11: {  	[smem:$0x3FAF] =	sst s9;
	s0 =	simm.s32 @!p0 $0x0  }
0x12: {  	s1 =	sld [smem:$0x3F95];
	s0 =	simm.s32 @p0 $0x1  }
0x13: {  	[smem:$0x3FB0] =	sst s0;
	s0 =	simm.s32 @!p1 $0x0  }
0x14: {  	s2 =	sld [smem:$0x3F94];
	s0 =	simm.s32 @p1 $0x1  }
0x15: {  	[smem:$0x3FB1] =	sst s0;
	s0 =	simm.s32 @!p2 $0x0  }
0x16: {  	s3 =	sld [smem:$0x3FDB];
	s0 =	simm.s32 @p2 $0x1  }
0x17: {  	s4 =	simm.s32 $0x1BF5;
	[smem:$0x3FB3] =	sst s0  }
0x18: {  	s0 =	sld [smem:$0x3F96];
	_ =	swait.ge [sflag:s4], $0x0  }
0x19: {  	s7 =	sld [smem:$0x3F97]  }
0x1a: {  	s8 =	sadd.s32 $0xFFFFE003, lr  }
0x1b: {  	s9 =	sadd.s32 $0xFFFFFEF7, lr;
	s5 =	simm.s32 $0xFFFFFFFF;
	p2 =	slt.u32 s8, $0xFFFFF086  }
0x1c: {  	p1 =	slt.u32 s9, $0xF7A;
	s5 =	simm.s32 @!p2 $0x0  }
0x1d: {  	s5 =	simm.s32 @p1 $0x1;
	p0 =	seq.s32 s7, s2  }
0x1e: {  	s7 =	smul.u32 @!p0 $0xF7A, s2;
	p2 =	seq.s32 @!p0 s5, $0x0  }
0x1f: {  	s9 =	smul.u32 $0xF7A, s1;
	s8 =	simm.s32 @!p0 $0x1BF5;
	p2 =	por !p2, p0  }
0x20: {  	[sflag:s8] =	ssyncset.s32 @!p0 $0xFFFFF086;
	s6 =	sadd.s32 @!p0 s3, s7;
	s7 =	simm.s32 @!p0 $0x108  }
0x21: {  	s3 =	sadd.s32 s3, s9;
	s6 =	sadd.s32 @!p0 $0x88, s6;
	s7 =	simm.s32 @p2 $0x1082  }
0x22: {  	[simem:s7], [sflag:s8] =	dma.local @!p0 [hbm:s6], $0xF7A  }
0x23: {  	s9 =	sor.u32 $0xD0000000, s2;
	s6 =	simm.s32 $0x108;
	_ =	swait.ge @!p0 [sflag:s8], $0x0  }
0x24: {  	s3 =	sadd.s32 $0x88, s3;
	s6 =	simm.s32 @!p1 $0x1082;
	[sflag:s4] =	ssyncset.s32 $0xFFFFF086  }
0x25: {  	[simem:s6], [sflag:s4] =	dma.local [hbm:s3], $0xF7A  }
0x26: {  	[smem:$0x3F97] =	sst s1;
	(tag) =	ssettag s2;
	_ =	strace s9  }
0x27: {  	s1 =	sld [smem:$0x3FA7]  }
0x28: {  	s2 =	sld [smem:$0x3FA8]  }
0x29: {  	s4 =	sld [smem:$0x3FAA]  }
0x2a: {  	p0 =	seq.s32 s5, $0x0;
	s5 =	sld [smem:$0x3FAB]  }
0x2b: {  	s6 =	sld [smem:$0x3FAC]  }
0x2c: {  	s7 =	sld [smem:$0x3FAD]  }
0x2d: {  	s3 =	simm.s32 $0x108;
	s8 =	sld [smem:$0x3FAE]  }
0x2e: {  	s3 =	simm.s32 @!p0 $0x1082;
	s9 =	sld [smem:$0x3FAF]  }
0x2f: {  	lr =	sadd.s32 s0, s3;
	s0 =	sld [smem:$0x3FA6]  }
0x30: {  	s3 =	sld [smem:$0x3FA9]  }
0x31: {  	[smem:$0x3FB2] =	sst s10  }
0x32: {  	s10 =	sld [smem:$0x3FB0];
	_ =	sdelay $0x3  }
0x33: {  	p0 =	seq.s32 s10, $0x1;
	s10 =	sld [smem:$0x3FB2];
	_ =	sdelay $0x3  }
0x34: {  	[smem:$0x3FB2] =	sst s10  }
0x35: {  	s10 =	sld [smem:$0x3FB1];
	_ =	sdelay $0x3  }
0x36: {  	p1 =	seq.s32 s10, $0x1;
	s10 =	sld [smem:$0x3FB2];
	_ =	sdelay $0x3  }
0x37: {  	[smem:$0x3FB2] =	sst s10  }
0x38: {  	s10 =	sld [smem:$0x3FB3]  }
0x39: {  	_ = 	snop;
	(pc) =	sbr.ind lr, $3  }
0x3a: {  	_ = 	snop  }
0x3b: {  	_ = 	snop  }
0x3c: {  	p2 =	seq.s32 s10, $0x1;
	s10 =	sld [smem:$0x3FB2]  }
0x3d: {  	_ =	shalt  }
0x3e: {  	_ =	shalt  }
0x3f: {  	_ =	shalt  }
0x40: {  	_ =	shalt  }
0x41: {  	_ =	shalt  }
0x42: {  	_ =	shalt  }
0x43: {  	_ =	shalt  }
0x44: {  	_ =	shalt  }
0x45: {  	_ =	shalt  }
0x46: {  	_ =	shalt  }
0x47: {  	_ =	shalt  }
0x48: {  	_ =	shalt  }
0x49: {  	_ =	shalt  }
0x4a: {  	_ =	shalt  }
0x4b: {  	_ =	shalt  }
0x4c: {  	_ =	shalt  }
0x4d: {  	_ =	shalt  }
0x4e: {  	_ =	shalt  }
0x4f: {  	_ =	shalt  }
0x50: {  	_ =	shalt  }
0x51: {  	_ =	shalt  }
0x52: {  	_ =	shalt  }
0x53: {  	_ =	shalt  }
0x54: {  	_ =	shalt  }
0x55: {  	_ =	shalt  }
0x56: {  	_ =	shalt  }
0x57: {  	_ =	shalt  }
0x58: {  	_ =	shalt  }
0x59: {  	_ =	shalt  }
0x5a: {  	_ =	shalt  }
0x5b: {  	_ =	shalt  }
0x5c: {  	_ =	shalt  }
0x5d: {  	_ =	shalt  }
0x5e: {  	_ =	shalt  }
0x5f: {  	_ =	shalt  }
0x60: {  	_ =	shalt  }
0x61: {  	_ =	shalt  }
0x62: {  	_ =	shalt  }
0x63: {  	_ =	shalt  }
0x64: {  	_ =	shalt  }
0x65: {  	_ =	shalt  }
0x66: {  	_ =	shalt  }
0x67: {  	_ =	shalt  }
0x68: {  	_ =	shalt  }
0x69: {  	_ =	shalt  }
0x6a: {  	_ =	shalt  }
0x6b: {  	_ =	shalt  }
0x6c: {  	_ =	shalt  }
0x6d: {  	_ =	shalt  }
0x6e: {  	_ =	shalt  }
0x6f: {  	_ =	shalt  }
0x70: {  	_ =	shalt  }
0x71: {  	_ =	shalt  }
0x72: {  	_ =	shalt  }
0x73: {  	_ =	shalt  }
0x74: {  	_ =	shalt  }
0x75: {  	_ =	shalt  }
0x76: {  	_ =	shalt  }
0x77: {  	_ =	shalt  }
0x78: {  	_ =	shalt  }
0x79: {  	_ =	shalt  }
0x7a: {  	_ =	shalt  }
0x7b: {  	_ =	shalt  }
0x7c: {  	_ =	shalt  }
0x7d: {  	_ =	shalt  }
0x7e: {  	_ =	shalt  }
0x7f: {  	_ =	shalt  }
0x80: {  	_ =	shalt  }
0x81: {  	_ =	shalt  }
0x82: {  	_ =	shalt  }
0x83: {  	_ =	shalt  }
0x84: {  	_ =	shalt  }
0x85: {  	_ =	shalt  }
0x86: {  	_ =	shalt  }
0x87: {  	_ =	shalt  }
.Lfunc_end0:
.L_simem_size_0:
called_computation_lowered:
.L_overlay_start_0:
0x88: {  	s2 =	sld [smem:$0x3FD9]  }
0x89: {  	s3 =	sld [smem:$0x3FFE];
	_ =	sdelay $0x1  }
0x8a: {  	s1 =	srdreg.scid  }
0x8b: {  	s0 =	sand.u32 $0x1, s1  }
0x8c: {  	s16 =	sshll.u32 s0, $0xA;
	s2 =	sadd.s32 s3, s2  }
0x8d: {  	s2 =	sadd.s32 s2, s16  }
0x8e: {  	[smem:$0x3FBE] =	sst s2  }
0x8f: {  	_ = 	snop  }
0x90: {  	(tm) =	ssettm $0x1  }
0x91: {  	s17 =	sld [smem:$0x3FFB];
	_ =	sdelay $0x3  }
0x92: {  	_ =	strace s17  }
0x93: {  	s2 =	sld [smem:$0x3FFC];
	_ =	sdelay $0x3  }
0x94: {  	_ =	strace s2  }
0x95: {  	s2 =	sld [smem:$0x3FFD];
	_ =	sdelay $0x3  }
0x96: {  	_ =	strace s2  }
0x97: {  	_ =	strace $0x8FFFFFFF  }
0x98: {  	s18 =	sld [smem:$0x3FDB];
	_ =	sdelay $0x1  }
0x99: {  	s19 =	simm.s32 $_scs_section_size  }
0x9a: {  	s4 =	simm.s32 $_size__tile_overlayer_lowered;
	s5 =	simm.s32 $_tile_overlayer_lowered  }
0x9b: {  	s22 =	simm.s32 $0x1BFF;
	s21 =	sshll.u32 s5, $0x1;
	s2 =	sadd.s32 s19, s18  }
0x9c: {  	s6 =	simm.s32 $0x0;
	s20 =	sshll.u32 s4, $0x1;
	s4 =	sadd.s32 s21, s2  }
0x9d: {  	[timem:s6], [sflag:s22] =	dma.local [hbm:s4], s20  }
0x9e: {  	_ =	swait.ge [sflag:s22], s20  }
0x9f: {  	s3 =	ssub.s32 $0x0, s20;
	[sflag:s22] =	ssyncset.done $0x0  }
0xa0: {  	[sflag:s22] =	ssyncadd.s32 s3;
	_ =	sdelay $0x1  }
0xa1: {  	s23 =	simm.s32 $0x1B8B  }
0xa2: {  	_ =	swait.ge [sflag:s23], $0x1  }
0xa3: {  	[sflag:s23] =	ssyncset.done $0x0  }
0xa4: {  	s25 =	simm.s32 $0x1B8E;
	s24 =	sld [smem:$0x3FFE];
	[sflag:s23] =	ssyncadd.s32 $0xFFFFFFFF  }
0xa5: {  	s26 =	simm.s32 $execute0_lowered;
	[smem:$0x3FD2] =	sst s25  }
0xa6: {  	s4 =	sshll.u32 s26, $0x1;
	_ =	strace $0x80000046;
	[dreg:$0x1] =	wrdreg $0xFFFFFFFF  }
0xa7: {  	s28 =	simm.s32 $_size_execute0_lowered;
	s2 =	sadd.s32 s2, s4;
	[dreg:$0x0] =	wrdreg $0x0  }
0xa8: {  	s4 =	sshll.u32 s28, $0x1;
	[dreg:$0x2] =	wrdreg s2  }
0xa9: {  	[dreg:$0x3] =	wrdreg s4  }
0xaa: {  	[dreg:$0x4] =	wrdreg $0xC0  }
0xab: {  	_ =	task [dreg:s6], $0x5FFFF  }
0xac: {  	[dreg:$0x1] =	wrdreg $0xFFFFFFFF  }
0xad: {  	[dreg:$0x0] =	wrdreg $0x60  }
0xae: {  	[dreg:$0x2] =	wrdreg s24  }
0xaf: {  	[dreg:$0x3] =	wrdreg $0x116100  }
0xb0: {  	[dreg:$0x4] =	wrdreg $0x118900  }
0xb1: {  	[dreg:$0x5] =	wrdreg $0x140900  }
0xb2: {  	[dreg:$0x6] =	wrdreg $0x9  }
0xb3: {  	_ =	task.clear_ibuf [dreg:s6], $0x7FFFF;
	_ =	strace $0x90000046  }
0xb4: {  	s29 =	simm.s32 $0x9;
	_ =	strace $0x8000004C  }
0xb5: {  	_ =	swait.ge [sflag:s29], $0x1  }
0xb6: {  	[sflag:s29] =	ssyncadd.s32 $0xFFFFFFFF  }
0xb7: {  	_ =	strace $0x9000004C  }
0xb8: {  	_ =	sfence  }
0xb9: {  	s30 =	sld [smem:$0x0];
	_ =	sdelay $0x2  }
0xba: {  	s31 =	sshll.u32 s1, $0xD;
	s1 =	sshrl.u32 s1, $0x2  }
0xbb: {  	s3 =	sand.u32 $0x4000, s31;
	s1 =	sadd.s32 s1, s30  }
0xbc: {  	s0 =	sor.u32 s3, s0;
	s1 =	sshll.u32 s1, $0x11  }
0xbd: {  	s0 =	sor.u32 s1, s0  }
0xbe: {  	s0 =	sadd.s32 $0x8F2B, s0  }
0xbf: {  	[sflag:s0] =	ssyncadd.remote.s32 $0x1  }
0xc0: {  	_ =	sfence.sel $0xFFFF  }
0xc1: {  	[dreg:$0x0] =	wrdreg $0xFFFFFFFF;
	(pc) =	sbr.abs _section_cstart, $3  }
0xc2: {  	[dreg:$0x1] =	wrdreg $0xFFFFFFFF  }
0xc3: {  	_ =	task.clear_ibuf [dreg:s6], $0x2FFFF;
	_ =	strace $0x9FFFFFFF  }
0xc4: {  	(tm) =	ssettm $0x7FFFFFFF  }
0xc5: {  	_ =	shalt  }
tec
execute0_lowered:
.L_overlay_start_1:
0x0: {  	(tag) =	ssettag $0x1  }
0x1: {  	s0 =	rddreg [dreg:$0x0]  }
0x2: {  	s11 =	stileid.u32;
	s1 =	rddreg [dreg:$0x1]  }
0x3: {  	s2 =	srdreg.scid;
	s3 =	rddreg [dreg:$0x2];
	s8 =	simm.s32 $0x0  }
0x4: {  	s28 =	simm.s32 $0x80;
	s29 =	simm.s32 $0x7800;
	s5 =	smul.u32 $0xA00, s11  }
0x5: {  	s30 =	simm.s32 $0x1;
	s31 =	simm.s32 $0x3;
	s7 =	smul.u32 $0x280, s11  }
0x6: {  	s13 =	simm.s32 $0x9;
	s2 =	sand.u32 $0x1, s2;
	s16 =	smul.u32 $0x2800, s11  }
0x7: {  	s4 =	sshll.u32 s11, $0x1;
	[smem:$0x7FF] =	sst s8;
	s17 =	smul.u32 $0xA000, s11  }
0x8: {  	s6 =	sor.u32 s2, s4;
	s4 =	rddreg [dreg:$0x3];
	s14 =	smul.u32 $0x28000, s2  }
0x9: {  	_ =	strace $0x80000047;
	s10 =	ssub.s32 $0x2, s2;
	s19 =	smul.u32 $0xA000, s2  }
0xa: {  	p0 =	seq.s32 s2, $0x1;
	s2 =	simm.s32 $0xA610;
	s6 =	smul.u32 $0x500, s6  }
0xb: {  	s5 =	sadd.s32 s5, s0;
	s9 =	sshrl.u32 s7, $0x3;
	s15 =	sshrl.u32 s10, $0x1  }
0xc: {  	s18 =	sadd.s32 s16, s3;
	s20 =	sadd.s32 s16, s4;
	s21 =	sshrl.u32 s17, $0x2  }
0xd: {  	s17 =	simm.s32 $0x280;
	s8 =	sor.u32 s7, s14;
	[dreg:$0x8] =	wrdreg s18  }
0xe: {  	s9 =	sadd.s32 s9, s0;
	s5 =	sadd.s32 $0xFC00, s5;
	[dreg:$0x9] =	wrdreg s20  }
0xf: {  	s12 =	sadd.s32 s21, s4;
	s14 =	sshrl.u32 s19, $0x2;
	s18 =	simm.s32 $0x2800  }
0x10: {  	s20 =	simm.s32 $0x10E10;
	s21 =	simm.s32 $0x6;
	s6 =	sadd.s32 s6, s0  }
0x11: {  	s8 =	sshrl.u32 s8, $0x3;
	[dreg:$0x5] =	wrdreg s5;
	s9 =	sadd.s32 $0xC00, s9  }
0x12: {  	s23 =	sadd.s32 $0x2600, s14;
	s24 =	sadd.s32 $0x2680, s14;
	[dreg:$0x6] =	wrdreg s9  }
0x13: {  	s25 =	sadd.s32 $0x2700, s14;
	s26 =	sadd.s32 $0x2780, s14;
	[dreg:$0xc] =	wrdreg s23  }
0x14: {  	s5 =	simm.s32 $0xF610;
	s0 =	sadd.s32 s8, s0;
	[dreg:$0xd] =	wrdreg s24  }
0x15: {  	s8 =	ssub.s32 s10, s15;
	s6 =	sadd.s32 $0x5C00, s6;
	[dreg:$0xe] =	wrdreg s25  }
0x16: {  	s9 =	sadd.s32 s7, s1;
	[dreg:$0xf] =	wrdreg s26;
	s24 =	simm.s32 $0x7880  }
0x17: {  	s25 =	simm.s32 $0xA;
	s26 =	simm.s32 $0x2;
	s7 =	simm.s32 $0x10610  }
0x18: {  	s23 =	simm.s32 $0x7;
	s10 =	simm.s32 $0x8;
	s15 =	simm.s32 $0x0  }
0x19: {  	[dreg:$0x7] =	wrdreg s6;
	s0 =	sadd.s32 $0x19C00, s0;
	s22 =	smax.u32 s8, $0x1  }
0x1a: {  	v2 =	vlaneseq.u32;
	s6 =	simm.s32 $0xFE10;
	s8 =	simm.s32 $0x5;
	[dreg:$0xa] =	wrdreg s0  }
0x1b: {  	v0 =	vimm.f32 $1.000000000e+00;
	v1 =	vimm.f32 $0.0e+00;
	v2 =	vmul.u32 $0x10, v2;
	[dreg:$0xb] =	wrdreg s22;
	s0 =	simm.s32 $0x7890;
	s22 =	simm.s32 $0x4  }
.LBB2_1:
0x1c: {  	s11 =	simm.s32 $0x0;
	s16 =	rddreg [dreg:$0x5]  }
0x1d: {  	[tilespmem:s11], [sflag:$0x2] =	stream.linear.gather [hbm4b:s16+s11], $0x5000, $0x38;
	[tilespmem:$0x16890] =	vst v63  }
0x1e: {  	s19 =	simm.s32 $0x7910;
	s16 =	rddreg [dreg:$0x6]  }
0x1f: {  	[tilespmem:s19], [sflag:$0x3] =	stream.strided.gather [hbm4b:s16+s17], $0x2800, s18, s17, $0x38;
	[tilespmem:$0x16890] =	vst v63  }
0x20: {  	s17 =	rddreg [dreg:$0x7];
	s18 =	simm.s32 $0x5000  }
0x21: {  	[tilespmem:s18], [sflag:$0x4] =	stream.linear.gather [hbm4b:s17+s11], $0x2800, $0x38;
	[tilespmem:$0x16890] =	vst v63  }
0x22: {  	[tilespmem:$0x7800] =	vst v0  }
0x23: {  	[tilespmem:$0x7810] =	vst v0  }
0x24: {  	[tilespmem:$0x7820] =	vst v0  }
0x25: {  	[tilespmem:$0x7830] =	vst v0  }
0x26: {  	[tilespmem:$0x7840] =	vst v0  }
0x27: {  	[tilespmem:$0x7850] =	vst v0  }
0x28: {  	[tilespmem:$0x7860] =	vst v0  }
0x29: {  	[tilespmem:$0x7870] =	vst v0  }
0x2a: {  	[tilespmem:$0x7880] =	vst v1  }
0x2b: {  	[tilespmem:$0x7890] =	vst v1  }
0x2c: {  	[tilespmem:$0x78A0] =	vst v1  }
0x2d: {  	[tilespmem:$0x78B0] =	vst v1  }
0x2e: {  	[tilespmem:$0x78C0] =	vst v1  }
0x2f: {  	[tilespmem:$0x78D0] =	vst v1  }
0x30: {  	[tilespmem:$0x78E0] =	vst v1  }
0x31: {  	[tilespmem:$0x78F0] =	vst v1  }
0x32: {  	s19 =	sadd.s32 $0x0, s9;
	[tilespmem:$0x7900] =	vst v1  }
0x33: {  	[spmem:s19] =	stream.linear.scatter [tilespmem:s24], [sflag:$0xA], $0x10, $0x38;
	[tilespmem:$0x16890] =	vst v63  }
0x34: {  	s16 =	simm.s32 $0x40;
	_ =	swait.ge [sflag:s25], $0x10  }
.LBB2_2:
0x35: {  	s11 =	sshra.s32 s16, $0x2;
	[sflag:s25] =	ssyncset.done $0x0;
	p1 =	sne.s32 s16, $0x9C0  }
.Ltmp0:
0x36: {  	s11 =	sadd.s32 s11, s9;
	[sflag:s25] =	ssyncadd.s32 $0xFFFFFFF0;
	(pc) =	sbr.rel @p1 .LBB2_2-.Ltmp0, $3  }
0x37: {  	[spmem:s11] =	stream.linear.scatter [tilespmem:s24], [sflag:$0xA], $0x10, $0x38;
	[tilespmem:$0x16890] =	vst v63  }
0x38: {  	s16 =	sadd.s32 $0x40, s16;
	_ =	sdelay $0x1  }
0x39: {  	_ =	swait.ge [sflag:s25], $0x10  }
0x3a: {  	[sflag:s25] =	ssyncset.done $0x0  }
0x3b: {  	[sflag:s25] =	ssyncadd.s32 $0xFFFFFFF0  }
0x3c: {  	[bflag:$0x0] =	sbarrier.arrive $0xFFFF  }
0x3d: {  	_ =	strace $0x80000048  }
0x3e: {  	_ =	swait.ge [sflag:s26], $0x5000  }
0x3f: {  	[sflag:s26] =	ssyncset.done $0x0  }
0x40: {  	s11 =	simm.s32 $0x0;
	[sflag:s26] =	ssyncadd.s32 $0xFFFFB000  }
.LBB2_4:
0x41: {  	p1 =	sne.s32 s11, $0x13E00  }
.Ltmp1:
0x42: {  	_ = 	snop;
	(pc) =	sbr.rel @p1 .LBB2_4-.Ltmp1, $3  }
0x43: {  	_ =	sdelay $0x1  }
0x44: {  	s16 =	sshra.s32 s11, $0x2;
	s11 =	sadd.s32 $0x200, s11  }
0x45: {  	[spmem:s1] =	stream.indirect.scatter.add.f32 [tilespmem:s29], [sflag:$0x1], $0x1, s16, s28, $0x2000b8;
	[tilespmem:$0x16890] =	vst v63  }
0x46: {  	_ =	swait.ge [sflag:s30], $0x80  }
0x47: {  	s16 =	simm.s32 $0x9F;
	[sflag:s30] =	ssyncset.done $0x0  }
.LBB2_6:
0x48: {  	p1 =	sne.s32 s16, $0x1;
	s16 =	sadd.s32 $0xFFFFFFFF, s16;
	[sflag:s30] =	ssyncadd.s32 $0xFFFFFF80  }
.Ltmp2:
0x49: {  	(pc) =	sbr.rel @p1 .LBB2_6-.Ltmp2, $3  }
0x4a: {  	_ =	sdelay $0x1  }
0x4b: {  	_ =	swait.ge [sflag:s30], $0x80  }
0x4c: {  	[sflag:s30] =	ssyncset.done $0x0  }
0x4d: {  	[sflag:s30] =	ssyncadd.s32 $0xFFFFFF80  }
0x4e: {  	[bflag:$0x0] =	sbarrier.arrive $0xFFFF  }
0x4f: {  	_ =	strace $0x90000048  }
0x50: {  	s16 =	simm.s32 $0xA110;
	_ =	strace $0x80000049  }
0x51: {  	[tilespmem:s16], [sflag:$0xA] =	stream.linear.gather [spmem:s9], $0x280, $0x200038;
	[tilespmem:$0x16890] =	vst v63  }
0x52: {  	_ =	swait.ge [sflag:s25], $0x280  }
0x53: {  	[sflag:s25] =	ssyncset.done $0x0  }
0x54: {  	[sflag:s25] =	ssyncadd.s32 $0xFFFFFD80  }
0x55: {  	_ =	swait.ge [sflag:s31], $0x2800  }
0x56: {  	[sflag:s31] =	ssyncset.done $0x0  }
0x57: {  	[sflag:s31] =	ssyncadd.s32 $0xFFFFD800  }
0x58: {  	v3 =	vld [tilespmem:s16+$0x0];
	_ =	sdelay $0x4  }
0x59: {  	v3 =	vadd.f32 $1.000000000e+00, v3;
	_ =	sdelay $0x1  }
0x5a: {  	v4 =	vshra.s32 v3, $0x1;
	v3 =	vmul.f32 $5.000000000e-01, v3  }
0x5b: {  	v4 =	vsub.s32 $0x5F3759DF, v4  }
0x5c: {  	v5 =	vmul.f32 v4, v3;
	_ =	sdelay $0x1  }
0x5d: {  	v5 =	vmul.f32 v4, v5;
	_ =	sdelay $0x1  }
0x5e: {  	v5 =	vsub.f32 $1.500000000e+00, v5;
	_ =	sdelay $0x1  }
0x5f: {  	v4 =	vmul.f32 v4, v5;
	_ =	sdelay $0x1  }
0x60: {  	v5 =	vmul.f32 v4, v3;
	_ =	sdelay $0x1  }
0x61: {  	v5 =	vmul.f32 v5, v4;
	_ =	sdelay $0x1  }
0x62: {  	v5 =	vsub.f32 $1.500000000e+00, v5;
	_ =	sdelay $0x1  }
0x63: {  	v4 =	vmul.f32 v5, v4;
	_ =	sdelay $0x1  }
0x64: {  	v3 =	vmul.f32 v4, v3;
	_ =	sdelay $0x1  }
0x65: {  	v3 =	vmul.f32 v3, v4;
	_ =	sdelay $0x1  }
0x66: {  	v3 =	vsub.f32 $1.500000000e+00, v3;
	_ =	sdelay $0x1  }
0x67: {  	v3 =	vmul.f32 v3, v4  }
0x68: {  	s17 =	simm.s32 $0xA390  }
0x69: {  	s11 =	simm.s32 $0x0;
	s18 =	simm.s32 $0x8D10;
	[tilespmem:s17+$0x0] =	vst v3  }
0x6a: {  	v4 =	vmov s11;
	v5 =	vld [tilespmem:s18+$0xFFFFEC00]  }
0x6b: {  	v4 =	vshll.u32 v4, $0x4  }
0x6c: {  	v4 =	vor.u32 v2, v4;
	_ =	sdelay $0x2  }
0x6d: {  	v5 =	vmul.f32 v3, v5;
	_ =	sdelay $0x1  }
0x6e: {  	[tilespmem:v4+s2+$0x0] =	vst.idx.msk $0xffff, v5  }
0x6f: {  	v5 =	vld [tilespmem:s18+$0xFFFFEE80];
	_ =	sdelay $0x1  }
0x70: {  	v6 =	vor.u32 $0x1, v4;
	_ =	sdelay $0x2  }
0x71: {  	v5 =	vmul.f32 v3, v5;
	_ =	sdelay $0x1  }
0x72: {  	[tilespmem:v6+s2+$0x0] =	vst.idx.msk $0xffff, v5  }
0x73: {  	v5 =	vld [tilespmem:s18+$0xFFFFF100];
	_ =	sdelay $0x1  }
0x74: {  	v6 =	vor.u32 $0x2, v4;
	_ =	sdelay $0x2  }
0x75: {  	v5 =	vmul.f32 v3, v5;
	_ =	sdelay $0x1  }
0x76: {  	[tilespmem:v6+s2+$0x0] =	vst.idx.msk $0xffff, v5  }
0x77: {  	v5 =	vld [tilespmem:s18+$0xFFFFF380];
	_ =	sdelay $0x1  }
0x78: {  	v6 =	vor.u32 $0x3, v4;
	_ =	sdelay $0x2  }
0x79: {  	v5 =	vmul.f32 v3, v5;
	_ =	sdelay $0x1  }
0x7a: {  	[tilespmem:v6+s2+$0x0] =	vst.idx.msk $0xffff, v5  }
0x7b: {  	v5 =	vld [tilespmem:s18+$0xFFFFF600];
	_ =	sdelay $0x1  }
0x7c: {  	v6 =	vor.u32 $0x4, v4;
	_ =	sdelay $0x2  }
0x7d: {  	v5 =	vmul.f32 v3, v5;
	_ =	sdelay $0x1  }
0x7e: {  	[tilespmem:v6+s2+$0x0] =	vst.idx.msk $0xffff, v5  }
0x7f: {  	v5 =	vld [tilespmem:s18+$0xFFFFF880];
	_ =	sdelay $0x1  }
0x80: {  	v6 =	vor.u32 $0x5, v4;
	_ =	sdelay $0x2  }
0x81: {  	v5 =	vmul.f32 v3, v5;
	_ =	sdelay $0x1  }
0x82: {  	[tilespmem:v6+s2+$0x0] =	vst.idx.msk $0xffff, v5  }
0x83: {  	v5 =	vld [tilespmem:s18+$0xFFFFFB00];
	_ =	sdelay $0x1  }
0x84: {  	v6 =	vor.u32 $0x6, v4;
	_ =	sdelay $0x2  }
0x85: {  	v5 =	vmul.f32 v3, v5;
	_ =	sdelay $0x1  }
0x86: {  	[tilespmem:v6+s2+$0x0] =	vst.idx.msk $0xffff, v5  }
0x87: {  	v5 =	vld [tilespmem:s18+$0xFFFFFD80];
	_ =	sdelay $0x1  }
0x88: {  	v6 =	vor.u32 $0x7, v4;
	_ =	sdelay $0x2  }
0x89: {  	v5 =	vmul.f32 v3, v5;
	_ =	sdelay $0x1  }
0x8a: {  	[tilespmem:v6+s2+$0x0] =	vst.idx.msk $0xffff, v5  }
0x8b: {  	v5 =	vld [tilespmem:s18+$0x0];
	_ =	sdelay $0x1  }
0x8c: {  	v6 =	vor.u32 $0x8, v4;
	_ =	sdelay $0x2  }
0x8d: {  	v5 =	vmul.f32 v5, v3;
	_ =	sdelay $0x1  }
0x8e: {  	[tilespmem:v6+s2+$0x0] =	vst.idx.msk $0xffff, v5  }
0x8f: {  	v5 =	vld [tilespmem:s18+$0x280];
	_ =	sdelay $0x1  }
0x90: {  	v6 =	vor.u32 $0x9, v4;
	_ =	sdelay $0x2  }
0x91: {  	v5 =	vmul.f32 v5, v3;
	_ =	sdelay $0x1  }
0x92: {  	[tilespmem:v6+s2+$0x0] =	vst.idx.msk $0xffff, v5  }
0x93: {  	v5 =	vld [tilespmem:s18+$0x500];
	_ =	sdelay $0x1  }
0x94: {  	v6 =	vor.u32 $0xA, v4;
	_ =	sdelay $0x2  }
0x95: {  	v5 =	vmul.f32 v5, v3;
	_ =	sdelay $0x1  }
0x96: {  	[tilespmem:v6+s2+$0x0] =	vst.idx.msk $0xffff, v5  }
0x97: {  	v5 =	vld [tilespmem:s18+$0x780];
	_ =	sdelay $0x1  }
0x98: {  	v6 =	vor.u32 $0xB, v4;
	_ =	sdelay $0x2  }
0x99: {  	v5 =	vmul.f32 v5, v3;
	_ =	sdelay $0x1  }
0x9a: {  	[tilespmem:v6+s2+$0x0] =	vst.idx.msk $0xffff, v5  }
0x9b: {  	v5 =	vld [tilespmem:s18+$0xA00];
	_ =	sdelay $0x1  }
0x9c: {  	v6 =	vor.u32 $0xC, v4;
	_ =	sdelay $0x2  }
0x9d: {  	v5 =	vmul.f32 v5, v3;
	_ =	sdelay $0x1  }
0x9e: {  	[tilespmem:v6+s2+$0x0] =	vst.idx.msk $0xffff, v5  }
0x9f: {  	v5 =	vld [tilespmem:s18+$0xC80];
	_ =	sdelay $0x1  }
0xa0: {  	v6 =	vor.u32 $0xD, v4;
	_ =	sdelay $0x2  }
0xa1: {  	v5 =	vmul.f32 v5, v3;
	_ =	sdelay $0x1  }
0xa2: {  	[tilespmem:v6+s2+$0x0] =	vst.idx.msk $0xffff, v5  }
0xa3: {  	v5 =	vld [tilespmem:s18+$0xF00];
	_ =	sdelay $0x1  }
0xa4: {  	v6 =	vor.u32 $0xE, v4;
	_ =	sdelay $0x2  }
0xa5: {  	v5 =	vmul.f32 v5, v3;
	_ =	sdelay $0x1  }
0xa6: {  	[tilespmem:v6+s2+$0x0] =	vst.idx.msk $0xffff, v5  }
0xa7: {  	v5 =	vld [tilespmem:s18+$0x1180];
	_ =	sdelay $0x1  }
0xa8: {  	v4 =	vor.u32 $0xF, v4;
	_ =	sdelay $0x2  }
0xa9: {  	s19 =	simm.s32 $0x10;
	v3 =	vmul.f32 v5, v3  }
.LBB2_8:
0xaa: {  	_ = 	snop  }
0xab: {  	s16 =	sadd.s32 $0x10, s16;
	s17 =	sadd.s32 $0x10, s17;
	s18 =	sadd.s32 $0x10, s18;
	[tilespmem:v4+s2+$0x0] =	vst.idx.msk $0xffff, v3  }
0xac: {  	p1 =	sne.s32 s19, $0x270;
	s11 =	smov.u32 s19;
	s19 =	sadd.s32 $0x10, s19;
	v3 =	vld [tilespmem:s16+$0x0]  }
0xad: {  	_ =	sdelay $0x3  }
0xae: {  	v3 =	vadd.f32 $1.000000000e+00, v3;
	_ =	sdelay $0x1  }
0xaf: {  	v4 =	vshra.s32 v3, $0x1;
	v3 =	vmul.f32 $5.000000000e-01, v3  }
0xb0: {  	v4 =	vsub.s32 $0x5F3759DF, v4  }
0xb1: {  	v5 =	vmul.f32 v4, v3;
	_ =	sdelay $0x1  }
0xb2: {  	v5 =	vmul.f32 v4, v5;
	_ =	sdelay $0x1  }
0xb3: {  	v5 =	vsub.f32 $1.500000000e+00, v5;
	_ =	sdelay $0x1  }
0xb4: {  	v4 =	vmul.f32 v4, v5;
	_ =	sdelay $0x1  }
0xb5: {  	v5 =	vmul.f32 v4, v3;
	_ =	sdelay $0x1  }
0xb6: {  	v5 =	vmul.f32 v5, v4;
	_ =	sdelay $0x1  }
0xb7: {  	v5 =	vsub.f32 $1.500000000e+00, v5;
	_ =	sdelay $0x1  }
0xb8: {  	v4 =	vmul.f32 v5, v4;
	_ =	sdelay $0x1  }
0xb9: {  	v3 =	vmul.f32 v4, v3;
	_ =	sdelay $0x1  }
0xba: {  	v3 =	vmul.f32 v3, v4;
	_ =	sdelay $0x1  }
0xbb: {  	v3 =	vsub.f32 $1.500000000e+00, v3;
	_ =	sdelay $0x1  }
0xbc: {  	v3 =	vmul.f32 v3, v4;
	_ =	sdelay $0x1  }
0xbd: {  	[tilespmem:s17+$0x0] =	vst v3  }
0xbe: {  	v4 =	vmov s11;
	v5 =	vld [tilespmem:s18+$0xFFFFEC00]  }
0xbf: {  	v4 =	vshll.u32 v4, $0x4  }
0xc0: {  	v4 =	vor.u32 v2, v4;
	_ =	sdelay $0x2  }
0xc1: {  	v5 =	vmul.f32 v3, v5;
	_ =	sdelay $0x1  }
0xc2: {  	[tilespmem:v4+s2+$0x0] =	vst.idx.msk $0xffff, v5  }
0xc3: {  	v5 =	vld [tilespmem:s18+$0xFFFFEE80];
	_ =	sdelay $0x1  }
0xc4: {  	v6 =	vor.u32 $0x1, v4;
	_ =	sdelay $0x2  }
0xc5: {  	v5 =	vmul.f32 v3, v5;
	_ =	sdelay $0x1  }
0xc6: {  	[tilespmem:v6+s2+$0x0] =	vst.idx.msk $0xffff, v5  }
0xc7: {  	v5 =	vld [tilespmem:s18+$0xFFFFF100];
	_ =	sdelay $0x1  }
0xc8: {  	v6 =	vor.u32 $0x2, v4;
	_ =	sdelay $0x2  }
0xc9: {  	v5 =	vmul.f32 v3, v5;
	_ =	sdelay $0x1  }
0xca: {  	[tilespmem:v6+s2+$0x0] =	vst.idx.msk $0xffff, v5  }
0xcb: {  	v5 =	vld [tilespmem:s18+$0xFFFFF380];
	_ =	sdelay $0x1  }
0xcc: {  	v6 =	vor.u32 $0x3, v4;
	_ =	sdelay $0x2  }
0xcd: {  	v5 =	vmul.f32 v3, v5;
	_ =	sdelay $0x1  }
0xce: {  	[tilespmem:v6+s2+$0x0] =	vst.idx.msk $0xffff, v5  }
0xcf: {  	v5 =	vld [tilespmem:s18+$0xFFFFF600];
	_ =	sdelay $0x1  }
0xd0: {  	v6 =	vor.u32 $0x4, v4;
	_ =	sdelay $0x2  }
0xd1: {  	v5 =	vmul.f32 v3, v5;
	_ =	sdelay $0x1  }
0xd2: {  	[tilespmem:v6+s2+$0x0] =	vst.idx.msk $0xffff, v5  }
0xd3: {  	v5 =	vld [tilespmem:s18+$0xFFFFF880];
	_ =	sdelay $0x1  }
0xd4: {  	v6 =	vor.u32 $0x5, v4;
	_ =	sdelay $0x2  }
0xd5: {  	v5 =	vmul.f32 v3, v5;
	_ =	sdelay $0x1  }
0xd6: {  	[tilespmem:v6+s2+$0x0] =	vst.idx.msk $0xffff, v5  }
0xd7: {  	v5 =	vld [tilespmem:s18+$0xFFFFFB00];
	_ =	sdelay $0x1  }
0xd8: {  	v6 =	vor.u32 $0x6, v4;
	_ =	sdelay $0x2  }
0xd9: {  	v5 =	vmul.f32 v3, v5;
	_ =	sdelay $0x1  }
0xda: {  	[tilespmem:v6+s2+$0x0] =	vst.idx.msk $0xffff, v5  }
0xdb: {  	v5 =	vld [tilespmem:s18+$0xFFFFFD80];
	_ =	sdelay $0x1  }
0xdc: {  	v6 =	vor.u32 $0x7, v4;
	_ =	sdelay $0x2  }
0xdd: {  	v5 =	vmul.f32 v3, v5;
	_ =	sdelay $0x1  }
0xde: {  	[tilespmem:v6+s2+$0x0] =	vst.idx.msk $0xffff, v5  }
0xdf: {  	v5 =	vld [tilespmem:s18+$0x0];
	_ =	sdelay $0x1  }
0xe0: {  	v6 =	vor.u32 $0x8, v4;
	_ =	sdelay $0x2  }
0xe1: {  	v5 =	vmul.f32 v5, v3;
	_ =	sdelay $0x1  }
0xe2: {  	[tilespmem:v6+s2+$0x0] =	vst.idx.msk $0xffff, v5  }
0xe3: {  	v5 =	vld [tilespmem:s18+$0x280];
	_ =	sdelay $0x1  }
0xe4: {  	v6 =	vor.u32 $0x9, v4;
	_ =	sdelay $0x2  }
0xe5: {  	v5 =	vmul.f32 v5, v3;
	_ =	sdelay $0x1  }
0xe6: {  	[tilespmem:v6+s2+$0x0] =	vst.idx.msk $0xffff, v5  }
0xe7: {  	v5 =	vld [tilespmem:s18+$0x500];
	_ =	sdelay $0x1  }
0xe8: {  	v6 =	vor.u32 $0xA, v4;
	_ =	sdelay $0x2  }
0xe9: {  	v5 =	vmul.f32 v5, v3;
	_ =	sdelay $0x1  }
0xea: {  	[tilespmem:v6+s2+$0x0] =	vst.idx.msk $0xffff, v5  }
0xeb: {  	v5 =	vld [tilespmem:s18+$0x780];
	_ =	sdelay $0x1  }
0xec: {  	v6 =	vor.u32 $0xB, v4;
	_ =	sdelay $0x2  }
0xed: {  	v5 =	vmul.f32 v5, v3;
	_ =	sdelay $0x1  }
0xee: {  	[tilespmem:v6+s2+$0x0] =	vst.idx.msk $0xffff, v5  }
0xef: {  	v5 =	vld [tilespmem:s18+$0xA00];
	_ =	sdelay $0x1  }
0xf0: {  	v6 =	vor.u32 $0xC, v4;
	_ =	sdelay $0x2  }
0xf1: {  	v5 =	vmul.f32 v5, v3;
	_ =	sdelay $0x1  }
0xf2: {  	[tilespmem:v6+s2+$0x0] =	vst.idx.msk $0xffff, v5  }
0xf3: {  	v5 =	vld [tilespmem:s18+$0xC80];
	_ =	sdelay $0x1  }
0xf4: {  	v6 =	vor.u32 $0xD, v4;
	_ =	sdelay $0x2  }
0xf5: {  	v5 =	vmul.f32 v5, v3;
	_ =	sdelay $0x1  }
0xf6: {  	[tilespmem:v6+s2+$0x0] =	vst.idx.msk $0xffff, v5  }
0xf7: {  	v5 =	vld [tilespmem:s18+$0xF00];
	_ =	sdelay $0x1  }
0xf8: {  	v6 =	vor.u32 $0xE, v4;
	_ =	sdelay $0x2  }
0xf9: {  	v5 =	vmul.f32 v5, v3;
	_ =	sdelay $0x1  }
0xfa: {  	[tilespmem:v6+s2+$0x0] =	vst.idx.msk $0xffff, v5  }
0xfb: {  	v5 =	vld [tilespmem:s18+$0x1180]  }
.Ltmp3:
0xfc: {  	(pc) =	sbr.rel @p1 .LBB2_8-.Ltmp3, $2  }
0xfd: {  	v4 =	vor.u32 $0xF, v4;
	_ =	sdelay $0x2  }
0xfe: {  	v3 =	vmul.f32 v5, v3  }
0xff: {  	_ =	sdelay $0x3  }
.Ltmp4:
0x100: {  	s11 =	rddreg [dreg:$0x8];
	[tilespmem:v4+s2+$0x0] =	vst.idx.msk $0xffff, v3;
	(pc) =	sbr.rel @!p0 .LBB2_10-.Ltmp4, $4  }
0x101: {  	[spmem:s11] =	stream.linear.scatter [tilespmem:s2], [sflag:$0xA], $0x2800, $0x200038;
	[tilespmem:$0x16890] =	vst v63  }
0x102: {  	_ =	swait.ge [sflag:s25], $0x2800  }
0x103: {  	[sflag:s25] =	ssyncset.done $0x0  }
0x104: {  	s11 =	simm.s32 $0x0;
	[sflag:s25] =	ssyncadd.s32 $0xFFFFD800  }
0x105: {  	s16 =	sshra.s32 s11, $0x2  }
0x106: {  	s16 =	sadd.s32 s16, s12  }
0x107: {  	[spmem:s16] =	stream.linear.scatter [tilespmem:s0], [sflag:$0xA], $0x80, $0x200038;
	[tilespmem:$0x16890] =	vst v63  }
0x108: {  	s16 =	sadd.s32 $0x200, s11;
	_ =	swait.ge [sflag:s25], $0x80  }
.LBB2_12:
0x109: {  	s11 =	sshra.s32 s16, $0x2;
	[sflag:s25] =	ssyncset.done $0x0;
	p1 =	sne.s32 s16, $0x9E00  }
.Ltmp5:
0x10a: {  	s11 =	sadd.s32 s11, s12;
	[sflag:s25] =	ssyncadd.s32 $0xFFFFFF80;
	(pc) =	sbr.rel @p1 .LBB2_12-.Ltmp5, $3  }
0x10b: {  	[spmem:s11] =	stream.linear.scatter [tilespmem:s0], [sflag:$0xA], $0x80, $0x200038;
	[tilespmem:$0x16890] =	vst v63  }
0x10c: {  	s16 =	sadd.s32 $0x200, s16;
	_ =	sdelay $0x1  }
0x10d: {  	_ =	swait.ge [sflag:s25], $0x80  }
.Ltmp6:
0x10e: {  	(pc) =	sbr.rel .LBB2_14-.Ltmp6, $3  }
0x10f: {  	_ =	sdelay $0x1  }
0x110: {  	[sflag:s25] =	ssyncset.done $0x0  }
0x111: {  	[sflag:s25] =	ssyncadd.s32 $0xFFFFFF80  }
.LBB2_10:
0x112: {  	s11 =	rddreg [dreg:$0x9]  }
0x113: {  	[spmem:s11] =	stream.linear.scatter [tilespmem:s2], [sflag:$0xA], $0x2800, $0x200038;
	[tilespmem:$0x16890] =	vst v63  }
0x114: {  	_ =	swait.ge [sflag:s25], $0x2800  }
0x115: {  	[sflag:s25] =	ssyncset.done $0x0  }
0x116: {  	[sflag:s25] =	ssyncadd.s32 $0xFFFFD800  }
.LBB2_14:
0x117: {  	[bflag:$0x0] =	sbarrier.arrive $0xFFFF  }
0x118: {  	_ =	strace $0x90000049  }
0x119: {  	_ =	strace $0x8000004A  }
0x11a: {  	_ =	swait.ge [sflag:s22], $0x2800  }
0x11b: {  	[sflag:s22] =	ssyncset.done $0x0  }
0x11c: {  	s11 =	simm.s32 $0x5000;
	[sflag:s22] =	ssyncadd.s32 $0xFFFFD800  }
0x11d: {  	[tilespmem:s5], [sflag:$0x2] =	stream.indirect.gather [spmem:s3], $0x10, s11, s28, $0x2000b8;
	[tilespmem:$0x16890] =	vst v63  }
0x11e: {  	s19 =	simm.s32 $0x5080  }
0x11f: {  	[tilespmem:s6], [sflag:$0x3] =	stream.indirect.gather [spmem:s3], $0x10, s19, s28, $0x2000b8;
	[tilespmem:$0x16890] =	vst v63  }
0x120: {  	s16 =	simm.s32 $0x5100  }
0x121: {  	[tilespmem:s7], [sflag:$0x4] =	stream.indirect.gather [spmem:s3], $0x10, s16, s28, $0x2000b8;
	[tilespmem:$0x16890] =	vst v63  }
0x122: {  	s17 =	simm.s32 $0x5180  }
0x123: {  	[tilespmem:s20], [sflag:$0x5] =	stream.indirect.gather [spmem:s3], $0x10, s17, s28, $0x2000b8;
	[tilespmem:$0x16890] =	vst v63  }
0x124: {  	_ =	swait.ge [sflag:s26], $0x800  }
0x125: {  	[sflag:s26] =	ssyncset.done $0x0  }
0x126: {  	s18 =	sadd.s32 $0x0, s14;
	[sflag:s26] =	ssyncadd.s32 $0xFFFFF800  }
0x127: {  	[spmem:s4] =	stream.indirect.scatter.add.f32 [tilespmem:s5], [sflag:$0x6], $0x10, s18, s28, $0x2000b8;
	[tilespmem:$0x16890] =	vst v63  }
0x128: {  	_ =	swait.ge [sflag:s31], $0x800  }
0x129: {  	[sflag:s31] =	ssyncset.done $0x0  }
0x12a: {  	s16 =	sadd.s32 $0x80, s18;
	[sflag:s31] =	ssyncadd.s32 $0xFFFFF800  }
0x12b: {  	[spmem:s4] =	stream.indirect.scatter.add.f32 [tilespmem:s6], [sflag:$0x7], $0x10, s16, s28, $0x2000b8;
	[tilespmem:$0x16890] =	vst v63  }
0x12c: {  	_ =	swait.ge [sflag:s22], $0x800  }
0x12d: {  	[sflag:s22] =	ssyncset.done $0x0  }
0x12e: {  	s19 =	sadd.s32 $0x100, s18;
	[sflag:s22] =	ssyncadd.s32 $0xFFFFF800  }
0x12f: {  	[spmem:s4] =	stream.indirect.scatter.add.f32 [tilespmem:s7], [sflag:$0x8], $0x10, s19, s28, $0x2000b8;
	[tilespmem:$0x16890] =	vst v63  }
0x130: {  	_ =	swait.ge [sflag:s8], $0x800  }
0x131: {  	[sflag:s8] =	ssyncset.done $0x0  }
0x132: {  	s11 =	sadd.s32 $0x180, s18;
	[sflag:s8] =	ssyncadd.s32 $0xFFFFF800  }
0x133: {  	[spmem:s4] =	stream.indirect.scatter.add.f32 [tilespmem:s20], [sflag:$0x9], $0x10, s11, s28, $0x2000b8;
	[tilespmem:$0x16890] =	vst v63  }
0x134: {  	_ =	swait.ge [sflag:s21], $0x800  }
0x135: {  	[sflag:s21] =	ssyncset.done $0x0  }
0x136: {  	s17 =	simm.s32 $0x5200;
	[sflag:s21] =	ssyncadd.s32 $0xFFFFF800  }
0x137: {  	[tilespmem:s5], [sflag:$0x2] =	stream.indirect.gather [spmem:s3], $0x10, s17, s28, $0x2000b8;
	[tilespmem:$0x16890] =	vst v63  }
0x138: {  	_ =	swait.ge [sflag:s23], $0x800  }
0x139: {  	[sflag:s23] =	ssyncset.done $0x0  }
0x13a: {  	s18 =	simm.s32 $0x5280;
	[sflag:s23] =	ssyncadd.s32 $0xFFFFF800  }
0x13b: {  	[tilespmem:s6], [sflag:$0x3] =	stream.indirect.gather [spmem:s3], $0x10, s18, s28, $0x2000b8;
	[tilespmem:$0x16890] =	vst v63  }
0x13c: {  	_ =	swait.ge [sflag:s10], $0x800  }
0x13d: {  	[sflag:s10] =	ssyncset.done $0x0  }
0x13e: {  	s19 =	simm.s32 $0x5300;
	[sflag:s10] =	ssyncadd.s32 $0xFFFFF800  }
0x13f: {  	[tilespmem:s7], [sflag:$0x4] =	stream.indirect.gather [spmem:s3], $0x10, s19, s28, $0x2000b8;
	[tilespmem:$0x16890] =	vst v63  }
0x140: {  	_ =	swait.ge [sflag:s13], $0x800  }
0x141: {  	[sflag:s13] =	ssyncset.done $0x0  }
0x142: {  	s16 =	simm.s32 $0x800;
	s11 =	simm.s32 $0x5380;
	[sflag:s13] =	ssyncadd.s32 $0xFFFFF800  }
.LBB2_15:
0x143: {  	[tilespmem:s20], [sflag:$0x5] =	stream.indirect.gather [spmem:s3], $0x10, s11, s28, $0x2000b8;
	[tilespmem:$0x16890] =	vst v63  }
0x144: {  	s11 =	smov.u32 s16  }
0x145: {  	p1 =	sne.s32 s16, $0x9000;
	s16 =	sadd.s32 $0x800, s16;
	_ =	swait.ge [sflag:s26], $0x800  }
0x146: {  	s17 =	sshra.s32 s11, $0x2;
	[sflag:s26] =	ssyncset.done $0x0  }
0x147: {  	s11 =	sadd.s32 s17, s14;
	[sflag:s26] =	ssyncadd.s32 $0xFFFFF800  }
0x148: {  	[spmem:s4] =	stream.indirect.scatter.add.f32 [tilespmem:s5], [sflag:$0x6], $0x10, s11, s28, $0x2000b8;
	[tilespmem:$0x16890] =	vst v63  }
0x149: {  	_ =	swait.ge [sflag:s31], $0x800  }
0x14a: {  	[sflag:s31] =	ssyncset.done $0x0  }
0x14b: {  	s18 =	sadd.s32 $0x80, s11;
	[sflag:s31] =	ssyncadd.s32 $0xFFFFF800  }
0x14c: {  	[spmem:s4] =	stream.indirect.scatter.add.f32 [tilespmem:s6], [sflag:$0x7], $0x10, s18, s28, $0x2000b8;
	[tilespmem:$0x16890] =	vst v63  }
0x14d: {  	_ =	swait.ge [sflag:s22], $0x800  }
0x14e: {  	[sflag:s22] =	ssyncset.done $0x0  }
0x14f: {  	s18 =	sadd.s32 $0x100, s11;
	[sflag:s22] =	ssyncadd.s32 $0xFFFFF800  }
0x150: {  	[spmem:s4] =	stream.indirect.scatter.add.f32 [tilespmem:s7], [sflag:$0x8], $0x10, s18, s28, $0x2000b8;
	[tilespmem:$0x16890] =	vst v63  }
0x151: {  	_ =	swait.ge [sflag:s8], $0x800  }
0x152: {  	[sflag:s8] =	ssyncset.done $0x0  }
0x153: {  	s11 =	sadd.s32 $0x180, s11;
	[sflag:s8] =	ssyncadd.s32 $0xFFFFF800  }
0x154: {  	[spmem:s4] =	stream.indirect.scatter.add.f32 [tilespmem:s20], [sflag:$0x9], $0x10, s11, s28, $0x2000b8;
	[tilespmem:$0x16890] =	vst v63  }
0x155: {  	_ =	swait.ge [sflag:s21], $0x800  }
0x156: {  	[sflag:s21] =	ssyncset.done $0x0  }
0x157: {  	s11 =	sadd.s32 $0x5200, s17;
	[sflag:s21] =	ssyncadd.s32 $0xFFFFF800  }
0x158: {  	[tilespmem:s5], [sflag:$0x2] =	stream.indirect.gather [spmem:s3], $0x10, s11, s28, $0x2000b8;
	[tilespmem:$0x16890] =	vst v63  }
0x159: {  	_ =	swait.ge [sflag:s23], $0x800  }
0x15a: {  	[sflag:s23] =	ssyncset.done $0x0  }
0x15b: {  	s11 =	sadd.s32 $0x5280, s17;
	[sflag:s23] =	ssyncadd.s32 $0xFFFFF800  }
0x15c: {  	[tilespmem:s6], [sflag:$0x3] =	stream.indirect.gather [spmem:s3], $0x10, s11, s28, $0x2000b8;
	[tilespmem:$0x16890] =	vst v63  }
0x15d: {  	_ =	swait.ge [sflag:s10], $0x800  }
0x15e: {  	[sflag:s10] =	ssyncset.done $0x0  }
.Ltmp7:
0x15f: {  	s11 =	sadd.s32 $0x5300, s17;
	[sflag:s10] =	ssyncadd.s32 $0xFFFFF800;
	(pc) =	sbr.rel @p1 .LBB2_15-.Ltmp7, $4  }
0x160: {  	[tilespmem:s7], [sflag:$0x4] =	stream.indirect.gather [spmem:s3], $0x10, s11, s28, $0x2000b8;
	[tilespmem:$0x16890] =	vst v63  }
0x161: {  	_ =	swait.ge [sflag:s13], $0x800  }
0x162: {  	[sflag:s13] =	ssyncset.done $0x0  }
0x163: {  	s11 =	sadd.s32 $0x5380, s17;
	[sflag:s13] =	ssyncadd.s32 $0xFFFFF800  }
0x164: {  	[tilespmem:s20], [sflag:$0x5] =	stream.indirect.gather [spmem:s3], $0x10, s11, s28, $0x2000b8;
	[tilespmem:$0x16890] =	vst v63  }
0x165: {  	_ =	swait.ge [sflag:s26], $0x800  }
0x166: {  	[sflag:s26] =	ssyncset.done $0x0  }
0x167: {  	s17 =	rddreg [dreg:$0xc];
	[sflag:s26] =	ssyncadd.s32 $0xFFFFF800  }
0x168: {  	[spmem:s4] =	stream.indirect.scatter.add.f32 [tilespmem:s5], [sflag:$0x6], $0x10, s17, s28, $0x2000b8;
	[tilespmem:$0x16890] =	vst v63  }
0x169: {  	_ =	swait.ge [sflag:s31], $0x800  }
0x16a: {  	[sflag:s31] =	ssyncset.done $0x0  }
0x16b: {  	s18 =	rddreg [dreg:$0xd];
	[sflag:s31] =	ssyncadd.s32 $0xFFFFF800  }
0x16c: {  	[spmem:s4] =	stream.indirect.scatter.add.f32 [tilespmem:s6], [sflag:$0x7], $0x10, s18, s28, $0x2000b8;
	[tilespmem:$0x16890] =	vst v63  }
0x16d: {  	_ =	swait.ge [sflag:s22], $0x800  }
0x16e: {  	[sflag:s22] =	ssyncset.done $0x0  }
0x16f: {  	s19 =	rddreg [dreg:$0xe];
	[sflag:s22] =	ssyncadd.s32 $0xFFFFF800  }
0x170: {  	[spmem:s4] =	stream.indirect.scatter.add.f32 [tilespmem:s7], [sflag:$0x8], $0x10, s19, s28, $0x2000b8;
	[tilespmem:$0x16890] =	vst v63  }
0x171: {  	_ =	swait.ge [sflag:s8], $0x800  }
0x172: {  	[sflag:s8] =	ssyncset.done $0x0  }
0x173: {  	s16 =	rddreg [dreg:$0xf];
	[sflag:s8] =	ssyncadd.s32 $0xFFFFF800  }
0x174: {  	[spmem:s4] =	stream.indirect.scatter.add.f32 [tilespmem:s20], [sflag:$0x9], $0x10, s16, s28, $0x2000b8;
	[tilespmem:$0x16890] =	vst v63  }
0x175: {  	_ =	swait.ge [sflag:s21], $0x800  }
0x176: {  	[sflag:s21] =	ssyncset.done $0x0  }
0x177: {  	[sflag:s21] =	ssyncadd.s32 $0xFFFFF800  }
0x178: {  	_ =	swait.ge [sflag:s23], $0x800  }
0x179: {  	[sflag:s23] =	ssyncset.done $0x0  }
0x17a: {  	[sflag:s23] =	ssyncadd.s32 $0xFFFFF800  }
0x17b: {  	_ =	swait.ge [sflag:s10], $0x800  }
0x17c: {  	[sflag:s10] =	ssyncset.done $0x0  }
0x17d: {  	[sflag:s10] =	ssyncadd.s32 $0xFFFFF800  }
0x17e: {  	_ =	swait.ge [sflag:s13], $0x800  }
0x17f: {  	[sflag:s13] =	ssyncset.done $0x0  }
0x180: {  	[sflag:s13] =	ssyncadd.s32 $0xFFFFF800  }
0x181: {  	s17 =	simm.s32 $0x0;
	[bflag:$0x0] =	sbarrier.arrive $0xFFFF  }
0x182: {  	v3 =	vmov s17;
	_ =	strace $0x9000004A  }
0x183: {  	v3 =	vshll.u32 v3, $0x4;
	_ =	strace $0x8000004B  }
0x184: {  	v3 =	vor.u32 v2, v3;
	s18 =	rddreg [dreg:$0x9]  }
0x185: {  	[tilespmem:s2], [sflag:$0xA] =	stream.linear.gather [spmem:s18], $0x2800, $0x200038;
	[tilespmem:$0x16890] =	vst v63  }
0x186: {  	_ =	swait.ge [sflag:s25], $0x2800  }
0x187: {  	[sflag:s25] =	ssyncset.done $0x0  }
0x188: {  	[sflag:s25] =	ssyncadd.s32 $0xFFFFD800  }
0x189: {  	s17 =	simm.s32 $0xA390;
	v4 =	vld.idx.msk [tilespmem:v3+s2+$0x0], $0xffff  }
0x18a: {  	v5 =	vld [tilespmem:s17+$0x0];
	_ =	sdelay $0x2  }
0x18b: {  	v6 =	vor.u32 $0x1, v3;
	_ =	sdelay $0x1  }
0x18c: {  	v4 =	vmul.f32 v4, v5  }
0x18d: {  	s16 =	simm.s32 $0xE210  }
0x18e: {  	[tilespmem:s16+$0xFFFFEC00] =	vst v4  }
0x18f: {  	v4 =	vld.idx.msk [tilespmem:v6+s2+$0x0], $0xffff;
	_ =	sdelay $0x2  }
0x190: {  	v6 =	vor.u32 $0x2, v3;
	_ =	sdelay $0x1  }
0x191: {  	v4 =	vmul.f32 v4, v5;
	_ =	sdelay $0x1  }
0x192: {  	[tilespmem:s16+$0xFFFFEE80] =	vst v4  }
0x193: {  	v4 =	vld.idx.msk [tilespmem:v6+s2+$0x0], $0xffff;
	_ =	sdelay $0x2  }
0x194: {  	v6 =	vor.u32 $0x3, v3;
	_ =	sdelay $0x1  }
0x195: {  	v4 =	vmul.f32 v4, v5;
	_ =	sdelay $0x1  }
0x196: {  	[tilespmem:s16+$0xFFFFF100] =	vst v4  }
0x197: {  	v4 =	vld.idx.msk [tilespmem:v6+s2+$0x0], $0xffff;
	_ =	sdelay $0x2  }
0x198: {  	v6 =	vor.u32 $0x4, v3;
	_ =	sdelay $0x1  }
0x199: {  	v4 =	vmul.f32 v4, v5;
	_ =	sdelay $0x1  }
0x19a: {  	[tilespmem:s16+$0xFFFFF380] =	vst v4  }
0x19b: {  	v4 =	vld.idx.msk [tilespmem:v6+s2+$0x0], $0xffff;
	_ =	sdelay $0x2  }
0x19c: {  	v6 =	vor.u32 $0x5, v3;
	_ =	sdelay $0x1  }
0x19d: {  	v4 =	vmul.f32 v4, v5;
	_ =	sdelay $0x1  }
0x19e: {  	[tilespmem:s16+$0xFFFFF600] =	vst v4  }
0x19f: {  	v4 =	vld.idx.msk [tilespmem:v6+s2+$0x0], $0xffff;
	_ =	sdelay $0x2  }
0x1a0: {  	v6 =	vor.u32 $0x6, v3;
	_ =	sdelay $0x1  }
0x1a1: {  	v4 =	vmul.f32 v4, v5;
	_ =	sdelay $0x1  }
0x1a2: {  	[tilespmem:s16+$0xFFFFF880] =	vst v4  }
0x1a3: {  	v4 =	vld.idx.msk [tilespmem:v6+s2+$0x0], $0xffff;
	_ =	sdelay $0x2  }
0x1a4: {  	v6 =	vor.u32 $0x7, v3;
	_ =	sdelay $0x1  }
0x1a5: {  	v4 =	vmul.f32 v4, v5;
	_ =	sdelay $0x1  }
0x1a6: {  	[tilespmem:s16+$0xFFFFFB00] =	vst v4  }
0x1a7: {  	v4 =	vld.idx.msk [tilespmem:v6+s2+$0x0], $0xffff;
	_ =	sdelay $0x2  }
0x1a8: {  	v6 =	vor.u32 $0x8, v3;
	_ =	sdelay $0x1  }
0x1a9: {  	v4 =	vmul.f32 v4, v5;
	_ =	sdelay $0x1  }
0x1aa: {  	[tilespmem:s16+$0xFFFFFD80] =	vst v4  }
0x1ab: {  	v4 =	vld.idx.msk [tilespmem:v6+s2+$0x0], $0xffff;
	_ =	sdelay $0x2  }
0x1ac: {  	v6 =	vor.u32 $0x9, v3;
	_ =	sdelay $0x1  }
0x1ad: {  	v4 =	vmul.f32 v4, v5;
	_ =	sdelay $0x1  }
0x1ae: {  	[tilespmem:s16+$0x0] =	vst v4  }
0x1af: {  	v4 =	vld.idx.msk [tilespmem:v6+s2+$0x0], $0xffff;
	_ =	sdelay $0x2  }
0x1b0: {  	v6 =	vor.u32 $0xA, v3;
	_ =	sdelay $0x1  }
0x1b1: {  	v4 =	vmul.f32 v4, v5;
	_ =	sdelay $0x1  }
0x1b2: {  	[tilespmem:s16+$0x280] =	vst v4  }
0x1b3: {  	v4 =	vld.idx.msk [tilespmem:v6+s2+$0x0], $0xffff;
	_ =	sdelay $0x2  }
0x1b4: {  	v6 =	vor.u32 $0xB, v3;
	_ =	sdelay $0x1  }
0x1b5: {  	v4 =	vmul.f32 v4, v5;
	_ =	sdelay $0x1  }
0x1b6: {  	[tilespmem:s16+$0x500] =	vst v4  }
0x1b7: {  	v4 =	vld.idx.msk [tilespmem:v6+s2+$0x0], $0xffff;
	_ =	sdelay $0x2  }
0x1b8: {  	v6 =	vor.u32 $0xC, v3;
	_ =	sdelay $0x1  }
0x1b9: {  	v4 =	vmul.f32 v4, v5;
	_ =	sdelay $0x1  }
0x1ba: {  	[tilespmem:s16+$0x780] =	vst v4  }
0x1bb: {  	v4 =	vld.idx.msk [tilespmem:v6+s2+$0x0], $0xffff;
	_ =	sdelay $0x2  }
0x1bc: {  	v6 =	vor.u32 $0xD, v3;
	_ =	sdelay $0x1  }
0x1bd: {  	v4 =	vmul.f32 v4, v5;
	_ =	sdelay $0x1  }
0x1be: {  	[tilespmem:s16+$0xA00] =	vst v4  }
0x1bf: {  	v4 =	vld.idx.msk [tilespmem:v6+s2+$0x0], $0xffff;
	_ =	sdelay $0x2  }
0x1c0: {  	v6 =	vor.u32 $0xE, v3;
	_ =	sdelay $0x1  }
0x1c1: {  	v4 =	vmul.f32 v4, v5;
	_ =	sdelay $0x1  }
0x1c2: {  	[tilespmem:s16+$0xC80] =	vst v4  }
0x1c3: {  	v4 =	vld.idx.msk [tilespmem:v6+s2+$0x0], $0xffff;
	_ =	sdelay $0x2  }
0x1c4: {  	v3 =	vor.u32 $0xF, v3;
	_ =	sdelay $0x1  }
0x1c5: {  	v4 =	vmul.f32 v4, v5;
	_ =	sdelay $0x1  }
0x1c6: {  	[tilespmem:s16+$0xF00] =	vst v4  }
0x1c7: {  	s19 =	simm.s32 $0x10;
	v4 =	vld.idx.msk [tilespmem:v3+s2+$0x0], $0xffff  }
0x1c8: {  	v3 =	vmov s19  }
0x1c9: {  	v3 =	vshll.u32 v3, $0x4  }
0x1ca: {  	v3 =	vor.u32 v2, v3;
	_ =	sdelay $0x1  }
0x1cb: {  	s18 =	simm.s32 $0x20;
	v4 =	vmul.f32 v4, v5  }
.LBB2_17:
0x1cc: {  	s17 =	sadd.s32 $0x10, s17  }
0x1cd: {  	s19 =	smov.u32 s18;
	s11 =	sadd.s32 $0x10, s18;
	[tilespmem:s16+$0x1180] =	vst v4;
	s16 =	sadd.s32 $0x10, s16  }
0x1ce: {  	p1 =	sne.s32 s18, $0x270;
	v5 =	vld.idx.msk [tilespmem:v3+s2+$0x0], $0xffff  }
0x1cf: {  	v4 =	vld [tilespmem:s17+$0x0];
	_ =	sdelay $0x2  }
0x1d0: {  	v6 =	vor.u32 $0x1, v3;
	_ =	sdelay $0x1  }
0x1d1: {  	v5 =	vmul.f32 v5, v4;
	_ =	sdelay $0x1  }
0x1d2: {  	[tilespmem:s16+$0xFFFFEC00] =	vst v5  }
0x1d3: {  	v5 =	vld.idx.msk [tilespmem:v6+s2+$0x0], $0xffff;
	_ =	sdelay $0x3  }
0x1d4: {  	v6 =	vor.u32 $0x2, v3;
	_ =	sdelay $0x1  }
0x1d5: {  	v5 =	vmul.f32 v5, v4;
	_ =	sdelay $0x1  }
0x1d6: {  	[tilespmem:s16+$0xFFFFEE80] =	vst v5  }
0x1d7: {  	v5 =	vld.idx.msk [tilespmem:v6+s2+$0x0], $0xffff;
	_ =	sdelay $0x3  }
0x1d8: {  	v6 =	vor.u32 $0x3, v3;
	_ =	sdelay $0x1  }
0x1d9: {  	v5 =	vmul.f32 v5, v4;
	_ =	sdelay $0x1  }
0x1da: {  	[tilespmem:s16+$0xFFFFF100] =	vst v5  }
0x1db: {  	v5 =	vld.idx.msk [tilespmem:v6+s2+$0x0], $0xffff;
	_ =	sdelay $0x3  }
0x1dc: {  	v6 =	vor.u32 $0x4, v3;
	_ =	sdelay $0x1  }
0x1dd: {  	v5 =	vmul.f32 v5, v4;
	_ =	sdelay $0x1  }
0x1de: {  	[tilespmem:s16+$0xFFFFF380] =	vst v5  }
0x1df: {  	v5 =	vld.idx.msk [tilespmem:v6+s2+$0x0], $0xffff;
	_ =	sdelay $0x3  }
0x1e0: {  	v6 =	vor.u32 $0x5, v3;
	_ =	sdelay $0x1  }
0x1e1: {  	v5 =	vmul.f32 v5, v4;
	_ =	sdelay $0x1  }
0x1e2: {  	[tilespmem:s16+$0xFFFFF600] =	vst v5  }
0x1e3: {  	v5 =	vld.idx.msk [tilespmem:v6+s2+$0x0], $0xffff;
	_ =	sdelay $0x3  }
0x1e4: {  	v6 =	vor.u32 $0x6, v3;
	_ =	sdelay $0x1  }
0x1e5: {  	v5 =	vmul.f32 v5, v4;
	_ =	sdelay $0x1  }
0x1e6: {  	[tilespmem:s16+$0xFFFFF880] =	vst v5  }
0x1e7: {  	v5 =	vld.idx.msk [tilespmem:v6+s2+$0x0], $0xffff;
	_ =	sdelay $0x3  }
0x1e8: {  	v6 =	vor.u32 $0x7, v3;
	_ =	sdelay $0x1  }
0x1e9: {  	v5 =	vmul.f32 v5, v4;
	_ =	sdelay $0x1  }
0x1ea: {  	[tilespmem:s16+$0xFFFFFB00] =	vst v5  }
0x1eb: {  	v5 =	vld.idx.msk [tilespmem:v6+s2+$0x0], $0xffff;
	_ =	sdelay $0x3  }
0x1ec: {  	v6 =	vor.u32 $0x8, v3;
	_ =	sdelay $0x1  }
0x1ed: {  	v5 =	vmul.f32 v5, v4;
	_ =	sdelay $0x1  }
0x1ee: {  	[tilespmem:s16+$0xFFFFFD80] =	vst v5  }
0x1ef: {  	v5 =	vld.idx.msk [tilespmem:v6+s2+$0x0], $0xffff;
	_ =	sdelay $0x3  }
0x1f0: {  	v6 =	vor.u32 $0x9, v3;
	_ =	sdelay $0x1  }
0x1f1: {  	v5 =	vmul.f32 v5, v4;
	_ =	sdelay $0x1  }
0x1f2: {  	[tilespmem:s16+$0x0] =	vst v5  }
0x1f3: {  	v5 =	vld.idx.msk [tilespmem:v6+s2+$0x0], $0xffff;
	_ =	sdelay $0x3  }
0x1f4: {  	v6 =	vor.u32 $0xA, v3;
	_ =	sdelay $0x1  }
0x1f5: {  	v5 =	vmul.f32 v5, v4;
	_ =	sdelay $0x1  }
0x1f6: {  	[tilespmem:s16+$0x280] =	vst v5  }
0x1f7: {  	v5 =	vld.idx.msk [tilespmem:v6+s2+$0x0], $0xffff;
	_ =	sdelay $0x3  }
0x1f8: {  	v6 =	vor.u32 $0xB, v3;
	_ =	sdelay $0x1  }
0x1f9: {  	v5 =	vmul.f32 v5, v4;
	_ =	sdelay $0x1  }
0x1fa: {  	[tilespmem:s16+$0x500] =	vst v5  }
0x1fb: {  	v5 =	vld.idx.msk [tilespmem:v6+s2+$0x0], $0xffff;
	_ =	sdelay $0x3  }
0x1fc: {  	v6 =	vor.u32 $0xC, v3;
	_ =	sdelay $0x1  }
0x1fd: {  	v5 =	vmul.f32 v5, v4;
	_ =	sdelay $0x1  }
0x1fe: {  	[tilespmem:s16+$0x780] =	vst v5  }
0x1ff: {  	v5 =	vld.idx.msk [tilespmem:v6+s2+$0x0], $0xffff;
	_ =	sdelay $0x3  }
0x200: {  	v6 =	vor.u32 $0xD, v3;
	_ =	sdelay $0x1  }
0x201: {  	v5 =	vmul.f32 v5, v4;
	_ =	sdelay $0x1  }
0x202: {  	[tilespmem:s16+$0xA00] =	vst v5  }
0x203: {  	v5 =	vld.idx.msk [tilespmem:v6+s2+$0x0], $0xffff;
	_ =	sdelay $0x3  }
0x204: {  	v6 =	vor.u32 $0xE, v3;
	_ =	sdelay $0x1  }
0x205: {  	v5 =	vmul.f32 v5, v4;
	_ =	sdelay $0x1  }
0x206: {  	[tilespmem:s16+$0xC80] =	vst v5  }
0x207: {  	v5 =	vld.idx.msk [tilespmem:v6+s2+$0x0], $0xffff;
	_ =	sdelay $0x3  }
0x208: {  	v3 =	vor.u32 $0xF, v3;
	_ =	sdelay $0x1  }
0x209: {  	v5 =	vmul.f32 v5, v4;
	_ =	sdelay $0x1  }
0x20a: {  	[tilespmem:s16+$0xF00] =	vst v5  }
0x20b: {  	v5 =	vld.idx.msk [tilespmem:v3+s2+$0x0], $0xffff;
	_ =	sdelay $0x1  }
.Ltmp8:
0x20c: {  	v3 =	vmov s19;
	(pc) =	sbr.rel @p1 .LBB2_17-.Ltmp8, $3  }
0x20d: {  	v3 =	vshll.u32 v3, $0x4  }
0x20e: {  	v3 =	vor.u32 v2, v3;
	_ =	sdelay $0x1  }
0x20f: {  	s18 =	smov.u32 s11;
	v4 =	vmul.f32 v5, v4  }
0x210: {  	_ =	sdelay $0x2  }
0x211: {  	[tilespmem:s16+$0x1180] =	vst v4  }
0x212: {  	s11 =	sadd.s32 $0x10, s17;
	v4 =	vld.idx.msk [tilespmem:v3+s2+$0x0], $0xffff  }
0x213: {  	v5 =	vld [tilespmem:s11+$0x0];
	_ =	sdelay $0x2  }
0x214: {  	v6 =	vor.u32 $0x1, v3;
	_ =	sdelay $0x1  }
0x215: {  	v4 =	vmul.f32 v4, v5  }
0x216: {  	s19 =	sadd.s32 $0x10, s16  }
0x217: {  	[tilespmem:s19+$0xFFFFEC00] =	vst v4  }
0x218: {  	v4 =	vld.idx.msk [tilespmem:v6+s2+$0x0], $0xffff;
	_ =	sdelay $0x2  }
0x219: {  	v51 =	vor.u32 $0x2, v3;
	_ =	sdelay $0x1  }
0x21a: {  	v4 =	vmul.f32 v4, v5;
	_ =	sdelay $0x1  }
0x21b: {  	[tilespmem:s19+$0xFFFFEE80] =	vst v4  }
0x21c: {  	v4 =	vld.idx.msk [tilespmem:v51+s2+$0x0], $0xffff;
	_ =	sdelay $0x2  }
0x21d: {  	v52 =	vor.u32 $0x3, v3;
	_ =	sdelay $0x1  }
0x21e: {  	v4 =	vmul.f32 v4, v5;
	_ =	sdelay $0x1  }
0x21f: {  	[tilespmem:s19+$0xFFFFF100] =	vst v4  }
0x220: {  	v4 =	vld.idx.msk [tilespmem:v52+s2+$0x0], $0xffff;
	_ =	sdelay $0x2  }
0x221: {  	v53 =	vor.u32 $0x4, v3;
	_ =	sdelay $0x1  }
0x222: {  	v4 =	vmul.f32 v4, v5;
	_ =	sdelay $0x1  }
0x223: {  	[tilespmem:s19+$0xFFFFF380] =	vst v4  }
0x224: {  	v4 =	vld.idx.msk [tilespmem:v53+s2+$0x0], $0xffff;
	_ =	sdelay $0x2  }
0x225: {  	v54 =	vor.u32 $0x5, v3;
	_ =	sdelay $0x1  }
0x226: {  	v4 =	vmul.f32 v4, v5;
	_ =	sdelay $0x1  }
0x227: {  	[tilespmem:s19+$0xFFFFF600] =	vst v4  }
0x228: {  	v4 =	vld.idx.msk [tilespmem:v54+s2+$0x0], $0xffff;
	_ =	sdelay $0x2  }
0x229: {  	v55 =	vor.u32 $0x6, v3;
	_ =	sdelay $0x1  }
0x22a: {  	v4 =	vmul.f32 v4, v5;
	_ =	sdelay $0x1  }
0x22b: {  	[tilespmem:s19+$0xFFFFF880] =	vst v4  }
0x22c: {  	v4 =	vld.idx.msk [tilespmem:v55+s2+$0x0], $0xffff;
	_ =	sdelay $0x2  }
0x22d: {  	v56 =	vor.u32 $0x7, v3;
	_ =	sdelay $0x1  }
0x22e: {  	v4 =	vmul.f32 v4, v5;
	_ =	sdelay $0x1  }
0x22f: {  	[tilespmem:s19+$0xFFFFFB00] =	vst v4  }
0x230: {  	v4 =	vld.idx.msk [tilespmem:v56+s2+$0x0], $0xffff;
	_ =	sdelay $0x2  }
0x231: {  	v57 =	vor.u32 $0x8, v3;
	_ =	sdelay $0x1  }
0x232: {  	v4 =	vmul.f32 v4, v5;
	_ =	sdelay $0x1  }
0x233: {  	[tilespmem:s19+$0xFFFFFD80] =	vst v4  }
0x234: {  	v4 =	vld.idx.msk [tilespmem:v57+s2+$0x0], $0xffff;
	_ =	sdelay $0x2  }
0x235: {  	v58 =	vor.u32 $0x9, v3;
	_ =	sdelay $0x1  }
0x236: {  	v4 =	vmul.f32 v4, v5;
	_ =	sdelay $0x1  }
0x237: {  	[tilespmem:s19+$0x0] =	vst v4  }
0x238: {  	v4 =	vld.idx.msk [tilespmem:v58+s2+$0x0], $0xffff;
	_ =	sdelay $0x2  }
0x239: {  	v59 =	vor.u32 $0xA, v3;
	_ =	sdelay $0x1  }
0x23a: {  	v4 =	vmul.f32 v4, v5;
	_ =	sdelay $0x1  }
0x23b: {  	[tilespmem:s19+$0x280] =	vst v4  }
0x23c: {  	v4 =	vld.idx.msk [tilespmem:v59+s2+$0x0], $0xffff;
	_ =	sdelay $0x2  }
0x23d: {  	v60 =	vor.u32 $0xB, v3;
	_ =	sdelay $0x1  }
0x23e: {  	v4 =	vmul.f32 v4, v5;
	_ =	sdelay $0x1  }
0x23f: {  	[tilespmem:s19+$0x500] =	vst v4  }
0x240: {  	v4 =	vld.idx.msk [tilespmem:v60+s2+$0x0], $0xffff;
	_ =	sdelay $0x2  }
0x241: {  	v61 =	vor.u32 $0xC, v3;
	_ =	sdelay $0x1  }
0x242: {  	v4 =	vmul.f32 v4, v5;
	_ =	sdelay $0x1  }
0x243: {  	[tilespmem:s19+$0x780] =	vst v4  }
0x244: {  	v4 =	vld.idx.msk [tilespmem:v61+s2+$0x0], $0xffff;
	_ =	sdelay $0x2  }
0x245: {  	v62 =	vor.u32 $0xD, v3;
	_ =	sdelay $0x1  }
0x246: {  	v4 =	vmul.f32 v4, v5;
	_ =	sdelay $0x1  }
0x247: {  	[tilespmem:s19+$0xA00] =	vst v4  }
0x248: {  	v4 =	vld.idx.msk [tilespmem:v62+s2+$0x0], $0xffff;
	_ =	sdelay $0x2  }
0x249: {  	v63 =	vor.u32 $0xE, v3;
	_ =	sdelay $0x1  }
0x24a: {  	v4 =	vmul.f32 v4, v5;
	_ =	sdelay $0x1  }
0x24b: {  	[tilespmem:s19+$0xC80] =	vst v4  }
0x24c: {  	v4 =	vld.idx.msk [tilespmem:v63+s2+$0x0], $0xffff;
	_ =	sdelay $0x2  }
0x24d: {  	v3 =	vor.u32 $0xF, v3;
	_ =	sdelay $0x1  }
0x24e: {  	v4 =	vmul.f32 v4, v5;
	_ =	sdelay $0x1  }
0x24f: {  	[tilespmem:s19+$0xF00] =	vst v4  }
0x250: {  	v3 =	vld.idx.msk [tilespmem:v3+s2+$0x0], $0xffff;
	_ =	sdelay $0x4  }
0x251: {  	v3 =	vmul.f32 v3, v5  }
0x252: {  	s17 =	simm.s32 $0x280  }
0x253: {  	s18 =	simm.s32 $0x2800;
	s16 =	rddreg [dreg:$0xa];
	[tilespmem:s19+$0x1180] =	vst v3;
	s19 =	simm.s32 $0xCE10  }
0x254: {  	[hbm4b:s16+s17] =	stream.strided.scatter [tilespmem:s19], [sflag:$0xA], $0x2800, s18, s17, $0x200038;
	[tilespmem:$0x16890] =	vst v63  }
0x255: {  	_ =	swait.ge [sflag:s25], $0x2800  }
0x256: {  	s15 =	sadd.s32 $0x1, s15;
	s19 =	rddreg [dreg:$0xb]  }
0x257: {  	p1 =	sne.s32 s15, s19  }
.Ltmp9:
0x258: {  	_ = 	snop;
	(pc) =	sbr.rel @p1 .LBB2_1-.Ltmp9, $4  }
0x259: {  	_ = 	snop  }
0x25a: {  	[sflag:s25] =	ssyncset.done $0x0  }
0x25b: {  	[sflag:s25] =	ssyncadd.s32 $0xFFFFD800  }
0x25c: {  	_ =	strace $0x9000004B  }
0x25d: {  	_ =	sfence.sel $0x180000  }
0x25e: {  	[bflag:$0x0] =	sbarrier.arrive $0xFFFF  }
0x25f: {  	_ =	strace $0x90000047  }
0x260: {  	s0 =	stileid.u32;
	[bflag:$0x2] =	sbarrier.arrive $0xFFFF  }
0x261: {  	p0 =	sne.s32 s0, $0x0;
	s0 =	rddreg [dreg:$0x4]  }
0x262: {  	s0 =	sadd.s32 @!p0 $0x100000, s0  }
0x263: {  	[sflag:s0] =	ssyncadd.tile.s32 @!p0 $0x1;
	_ =	shalt  }
.Lfunc_end2:
_tile_overlayer_lowered:
.L_overlay_start_2:
0x264: {  	(tag) =	ssettag $0x2  }
0x265: {  	s0 =	rddreg [dreg:$0x0];
	s2 =	stileid.u32  }
0x266: {  	s1 =	rddreg [dreg:$0x1];
	p0 =	sne.s32 s2, $0x0  }
0x267: {  	s3 =	rddreg [dreg:$0x2];
	[bflag:$0x3] =	sbarrier.arrive $0xFFFF;
	s2 =	simm.s32 @!p0 $0x1C0A  }
0x268: {  	[timem:s3], [sflag:s2] =	dma.local @!p0 [hbm:s0], s1  }
0x269: {  	s0 =	simm.s32 @!p0 $0xA  }
0x26a: {  	_ =	swait.ge @!p0 [sflag:s0], s1  }
0x26b: {  	s1 =	ssub.s32 @!p0 $0x0, s1;
	[sflag:s0] =	ssyncset.done @!p0 $0x0  }
0x26c: {  	[sflag:s0] =	ssyncadd.s32 @!p0 s1  }
0x26d: {  	[bflag:$0x3] =	sbarrier.arrive $0xFFFF  }
0x26e: {  	_ =	shalt  }

</sc_bundles>
